<compile_context>
chip_gen: v7x
topology: tpu7x:2x2x1
jax: 0.10.2.dev20260603
libtpu: 0.0.44.dev20260713+nightly
codegen_flags: <defaults>
</compile_context>

<pallas_src>
import functools

import jax
import jax.numpy as jnp
from jax import lax
from jax.experimental import pallas as pl
from jax.experimental.pallas import tpu as pltpu
from jax.experimental.pallas import tpu_sc as plsc

NUM_CORES = 2
NUM_SUBCORES = 16
NUM_WORKERS = NUM_CORES * NUM_SUBCORES
NBUF = 4
BLK = 128
RELAYOUT_BLK = 16384
POS_PER_STEP = 8


def _relayout_table(token_table):
  v, e = token_table.shape
  half = RELAYOUT_BLK // 2
  rows_out = RELAYOUT_BLK * e // 128
  assert half * e % 64 == 0 and 2 * e == 128
  t_t = token_table.T
  steps = (v + RELAYOUT_BLK - 1) // RELAYOUT_BLK

  def body(in_ref, out_ref):
    x = in_ref[...]
    out_ref[...] = jnp.concatenate([x[:, :half].T, x[:, half:].T], axis=1)

  return pl.pallas_call(
      body,
      grid=(steps,),
      in_specs=[pl.BlockSpec((e, RELAYOUT_BLK), lambda j: (0, j))],
      out_specs=pl.BlockSpec((rows_out, 128), lambda j: (j, 0)),
      out_shape=jax.ShapeDtypeStruct((steps * rows_out, 128), jnp.float32),
      compiler_params=pltpu.CompilerParams(
          dimension_semantics=("parallel",)),
  )(t_t)


def _permute_idx(idx):
  half = RELAYOUT_BLK // 2
  u = idx % RELAYOUT_BLK
  return idx - u + (u % half) * 2 + u // half


def _build_sc_gather(batch, maxlen, embed):
  rows_total = batch * maxlen
  blocks_total = rows_total // BLK
  assert blocks_total % NUM_WORKERS == 0
  blk_per_w = blocks_total // NUM_WORKERS
  rows_per_w = blk_per_w * BLK
  assert blk_per_w >= NBUF

  mesh = plsc.VectorSubcoreMesh(core_axis_name="c", subcore_axis_name="s")

  row_buf = pltpu.VMEM((BLK, embed), jnp.float32)

  @functools.partial(
      pl.kernel,
      mesh=mesh,
      compiler_params=pltpu.CompilerParams(use_tc_tiling_on_sc=False),
      out_type=jax.ShapeDtypeStruct((rows_total, embed), jnp.float32),
      scratch_types=[
          pltpu.VMEM((rows_per_w,), jnp.int32),
          [row_buf] * NBUF,
          [pltpu.SemaphoreType.DMA] * NBUF,
          [pltpu.SemaphoreType.DMA] * NBUF,
      ],
  )
  def k(table_hbm, idx_hbm, out_hbm, idx_v, bufs, sems_in, sems_out):
    wid = lax.axis_index("s") * NUM_CORES + lax.axis_index("c")
    base = pl.multiple_of(wid * rows_per_w, 8)
    pltpu.sync_copy(idx_hbm.at[pl.ds(base, rows_per_w)], idx_v)

    def issue_gather(i, b):
      return pltpu.async_copy(
          table_hbm.at[idx_v.at[pl.ds(i * BLK, BLK)]], bufs[b], sems_in[b])

    def issue_out(i, b):
      return pltpu.async_copy(
          bufs[b], out_hbm.at[pl.ds(base + i * BLK, BLK)], sems_out[b])

    gather_h = [issue_gather(i, i) for i in range(NBUF)]
    out_h = [None] * NBUF

    for i in range(blk_per_w):
      b = i % NBUF
      gather_h[b].wait()
      out_h[b] = issue_out(i, b)

      ni = i + NBUF - 1
      if NBUF <= ni < blk_per_w:
        nb = ni % NBUF
        out_h[nb].wait()
        gather_h[nb] = issue_gather(ni, nb)

    for b in range(NBUF):
      out_h[(blk_per_w - NBUF + b) % NBUF].wait()

  return k


def _transpose_add(inter, pos_table, batch, maxlen, embed):
  inter3 = inter.reshape(maxlen, batch // 2, 2 * embed)
  pos_rep = jnp.repeat(pos_table.T, 128, axis=1)

  def body(in_ref, pos_ref, out_ref):
    for j in range(POS_PER_STEP):
      x = in_ref[j]
      pc = pos_ref[:, j * 128:j * 128 + 1]
      out_ref[j] = (
          jnp.concatenate([x[:, :embed].T, x[:, embed:].T], axis=1) + pc)

  return pl.pallas_call(
      body,
      grid=(maxlen // POS_PER_STEP,),
      in_specs=[
          pl.BlockSpec((POS_PER_STEP, batch // 2, 2 * embed),
                       lambda l: (l, 0, 0)),
          pl.BlockSpec((embed, POS_PER_STEP * 128), lambda l: (0, l)),
      ],
      out_specs=pl.BlockSpec((POS_PER_STEP, embed, batch),
                             lambda l: (l, 0, 0)),
      out_shape=jax.ShapeDtypeStruct((maxlen, embed, batch), jnp.float32),
      compiler_params=pltpu.CompilerParams(
          dimension_semantics=("parallel",)),
  )(inter3, pos_rep)


@jax.jit
def kernel(x, token_table, pos_table):
  batch, maxlen = x.shape
  embed = token_table.shape[1]
  x_t = x.T.astype(jnp.int32)
  idx_seq = x_t.reshape(maxlen, 2, batch // 2).swapaxes(1, 2).reshape(-1)
  idx_flat = _permute_idx(idx_seq)
  table_lin = _relayout_table(token_table).reshape(-1, embed)
  k = _build_sc_gather(batch, maxlen, embed)
  inter = k(table_lin, idx_flat)
  out_t = _transpose_add(inter, pos_table, batch, maxlen, embed)
  return out_t.transpose(2, 0, 1)

# --- scband reference (transcript-rebuilt; emitter-appended) ---
"""Pipeline reference for scband-token-and-position-embedding-89404039234146 (READ-ONLY COPY).

The authoritative reference and input builder live on the scoring server;
editing this copy changes nothing except your own understanding.
"""

import jax, jax.numpy as jnp
import numpy as np

VOCAB = 1000000
MAXLEN = 200
EMBED = 64
BATCH = 1024

def setup_inputs(seed: int = 0) -> dict:
    key = jax.random.key(seed)
    k1, k2, k3 = jax.random.split(key, 3)
    x = jax.random.randint(k1, (BATCH, MAXLEN), 0, VOCAB, dtype=jnp.int64 if jax.config.read('jax_enable_x64') else jnp.int32)
    token_table = jax.random.normal(k2, (VOCAB, EMBED), dtype=jnp.float32) * 0.02
    pos_table = jax.random.normal(k3, (MAXLEN, EMBED), dtype=jnp.float32) * 0.02
    return {"x": x, "token_table": token_table, "pos_table": pos_table}

def reference(x, token_table, pos_table):
    # TokenAndPositionEmbedding.call
    maxlen = x.shape[-1]
    positions = jnp.arange(0, maxlen)            # tf.range
    pos = jnp.take(pos_table, positions, axis=0) # self.pos_emb(positions)
    tok = jnp.take(token_table, x, axis=0)       # self.token_emb(x) -> [B, L, E]
    return tok + pos                              # broadcast add over batch

if __name__ == "__main__":
    import jax
    _d = setup_inputs()
    print(jax.jit(kernel)(*tuple(_d.values())))

</pallas_src>

<mosaic_0001>
#map = affine_map<(d0, d1) -> (0, 0)>
#map1 = affine_map<(d0, d1) -> (0)>
module attributes {stable_mosaic.version = 14 : i64} {
  func.func @k(%arg0: i32, %arg1: i32, %arg2: memref<1015808x64xf32, #tpu.memory_space<hbm>>, %arg3: memref<204800xi32, #tpu.memory_space<hbm>>, %arg4: memref<204800x64xf32, #tpu.memory_space<hbm>>, %arg5: memref<6400xi32, #tpu.memory_space<vmem>>, %arg6: memref<128x64xf32, #tpu.memory_space<vmem>>, %arg7: memref<128x64xf32, #tpu.memory_space<vmem>>, %arg8: memref<128x64xf32, #tpu.memory_space<vmem>>, %arg9: memref<128x64xf32, #tpu.memory_space<vmem>>, %arg10: memref<!tpu.dma_semaphore, #tpu.memory_space<semaphore_mem>>, %arg11: memref<!tpu.dma_semaphore, #tpu.memory_space<semaphore_mem>>, %arg12: memref<!tpu.dma_semaphore, #tpu.memory_space<semaphore_mem>>, %arg13: memref<!tpu.dma_semaphore, #tpu.memory_space<semaphore_mem>>, %arg14: memref<!tpu.dma_semaphore, #tpu.memory_space<semaphore_mem>>, %arg15: memref<!tpu.dma_semaphore, #tpu.memory_space<semaphore_mem>>, %arg16: memref<!tpu.dma_semaphore, #tpu.memory_space<semaphore_mem>>, %arg17: memref<!tpu.dma_semaphore, #tpu.memory_space<semaphore_mem>>) attributes {dimension_semantics = [#tpu.dimension_semantics<core_parallel>, #tpu.dimension_semantics<subcore_parallel>], iteration_bounds = array<i64: 2, 16>, scalar_prefetch = 0 : i64, scratch_operands = 13 : i64, tpu.core_type = #tpu.core_type<sc_vector_subcore>, window_params = [{transform_indices = #map}, {transform_indices = #map1}, {transform_indices = #map}]} {
    %mul3A = arith.constant 2 : i32
    %mul3A_0 = arith.muli %arg1, %mul3A : i32
    %add3A = arith.addi %mul3A_0, %arg0 : i32
    %mul3A_1 = arith.constant 6400 : i32
    %mul3A_2 = arith.muli %add3A, %mul3A_1 : i32
    %multiple_of3A = tpu.assume_multiple %mul3A_2, 8 : i32
    "tpu.region"() ({
      %run_scoped3A = tpu.sem_alloc : memref<!tpu.dma_semaphore, #tpu.memory_space<semaphore_mem>>
      %dma_start3A_1001 = tpu.memref_slice %arg3[%multiple_of3A] : memref<204800xi32, #tpu.memory_space<hbm>> -> memref<6400xi32, #tpu.memory_space<hbm>>
      %dma_start3A_1002 = tpu.memref_slice %arg3[%multiple_of3A] : memref<204800xi32, #tpu.memory_space<hbm>> -> memref<6400xi32, #tpu.memory_space<hbm>>
      tpu.enqueue_dma source(%dma_start3A_1002 : memref<6400xi32, #tpu.memory_space<hbm>>) target(%arg5 : memref<6400xi32, #tpu.memory_space<vmem>>) target_semaphore(%run_scoped3A : memref<!tpu.dma_semaphore, #tpu.memory_space<semaphore_mem>>)
      %dma_wait3A_1003 = tpu.memref_slice %arg3[%multiple_of3A] : memref<204800xi32, #tpu.memory_space<hbm>> -> memref<6400xi32, #tpu.memory_space<hbm>>
      %dma_wait3A_1004 = tpu.memref_slice %arg3[%multiple_of3A] : memref<204800xi32, #tpu.memory_space<hbm>> -> memref<6400xi32, #tpu.memory_space<hbm>>
      tpu.wait_dma2 semaphore(%run_scoped3A : memref<!tpu.dma_semaphore, #tpu.memory_space<semaphore_mem>>) src(%dma_wait3A_1004 : memref<6400xi32, #tpu.memory_space<hbm>>) dst(%arg5 : memref<6400xi32, #tpu.memory_space<vmem>>)
      tpu.yield
    }) : () -> ()
    %dma_start3A = arith.constant 0 : i32
    %dma_start3A_3 = tpu.memref_slice %arg5[%dma_start3A] : memref<6400xi32, #tpu.memory_space<vmem>> -> memref<128xi32, #tpu.memory_space<vmem>>
    %dma_start3A_4 = arith.constant 0 : i32
    %dma_start3A_5 = arith.constant 0 : i32
    %dma_start3A_6 = tpu.memref_slice %arg2[%dma_start3A_4, %dma_start3A_5] : memref<1015808x64xf32, #tpu.memory_space<hbm>> -> memref<1015808x64xf32, #tpu.memory_space<hbm>>
    tpu.enqueue_indirect_dma source(%dma_start3A_6 : memref<1015808x64xf32, #tpu.memory_space<hbm>>) target(%arg6 : memref<128x64xf32, #tpu.memory_space<vmem>>) offsets(%dma_start3A_3 : memref<128xi32, #tpu.memory_space<vmem>>) semaphore(%arg10 : memref<!tpu.dma_semaphore, #tpu.memory_space<semaphore_mem>>)
    %dma_start3A_7 = arith.constant 128 : i32
    %dma_start3A_8 = tpu.memref_slice %arg5[%dma_start3A_7] : memref<6400xi32, #tpu.memory_space<vmem>> -> memref<128xi32, #tpu.memory_space<vmem>>
    %dma_start3A_9 = arith.constant 0 : i32
    %dma_start3A_10 = arith.constant 0 : i32
    %dma_start3A_11 = tpu.memref_slice %arg2[%dma_start3A_9, %dma_start3A_10] : memref<1015808x64xf32, #tpu.memory_space<hbm>> -> memref<1015808x64xf32, #tpu.memory_space<hbm>>
    tpu.enqueue_indirect_dma source(%dma_start3A_11 : memref<1015808x64xf32, #tpu.memory_space<hbm>>) target(%arg7 : memref<128x64xf32, #tpu.memory_space<vmem>>) offsets(%dma_start3A_8 : memref<128xi32, #tpu.memory_space<vmem>>) semaphore(%arg11 : memref<!tpu.dma_semaphore, #tpu.memory_space<semaphore_mem>>)
    %dma_start3A_12 = arith.constant 256 : i32
    %dma_start3A_13 = tpu.memref_slice %arg5[%dma_start3A_12] : memref<6400xi32, #tpu.memory_space<vmem>> -> memref<128xi32, #tpu.memory_space<vmem>>
    %dma_start3A_14 = arith.constant 0 : i32
    %dma_start3A_15 = arith.constant 0 : i32
    %dma_start3A_16 = tpu.memref_slice %arg2[%dma_start3A_14, %dma_start3A_15] : memref<1015808x64xf32, #tpu.memory_space<hbm>> -> memref<1015808x64xf32, #tpu.memory_space<hbm>>
    tpu.enqueue_indirect_dma source(%dma_start3A_16 : memref<1015808x64xf32, #tpu.memory_space<hbm>>) target(%arg8 : memref<128x64xf32, #tpu.memory_space<vmem>>) offsets(%dma_start3A_13 : memref<128xi32, #tpu.memory_space<vmem>>) semaphore(%arg12 : memref<!tpu.dma_semaphore, #tpu.memory_space<semaphore_mem>>)
    %dma_start3A_17 = arith.constant 384 : i32
    %dma_start3A_18 = tpu.memref_slice %arg5[%dma_start3A_17] : memref<6400xi32, #tpu.memory_space<vmem>> -> memref<128xi32, #tpu.memory_space<vmem>>
    %dma_start3A_19 = arith.constant 0 : i32
    %dma_start3A_20 = arith.constant 0 : i32
    %dma_start3A_21 = tpu.memref_slice %arg2[%dma_start3A_19, %dma_start3A_20] : memref<1015808x64xf32, #tpu.memory_space<hbm>> -> memref<1015808x64xf32, #tpu.memory_space<hbm>>
    tpu.enqueue_indirect_dma source(%dma_start3A_21 : memref<1015808x64xf32, #tpu.memory_space<hbm>>) target(%arg9 : memref<128x64xf32, #tpu.memory_space<vmem>>) offsets(%dma_start3A_18 : memref<128xi32, #tpu.memory_space<vmem>>) semaphore(%arg13 : memref<!tpu.dma_semaphore, #tpu.memory_space<semaphore_mem>>)
    %dma_wait3A = arith.constant 0 : i32
    %dma_wait3A_22 = tpu.memref_slice %arg5[%dma_wait3A] : memref<6400xi32, #tpu.memory_space<vmem>> -> memref<128xi32, #tpu.memory_space<vmem>>
    %dma_wait3A_23 = arith.constant 0 : i32
    %dma_wait3A_24 = arith.constant 0 : i32
    %dma_wait3A_25 = tpu.memref_slice %arg2[%dma_wait3A_23, %dma_wait3A_24] : memref<1015808x64xf32, #tpu.memory_space<hbm>> -> memref<1015808x64xf32, #tpu.memory_space<hbm>>
    tpu.wait_indirect_dma semaphore(%arg10 : memref<!tpu.dma_semaphore, #tpu.memory_space<semaphore_mem>>) src(%dma_wait3A_25 : memref<1015808x64xf32, #tpu.memory_space<hbm>>) dst(%arg6 : memref<128x64xf32, #tpu.memory_space<vmem>>)
    %add3A_26 = arith.constant 0 : i32
    %add3A_27 = arith.addi %multiple_of3A, %add3A_26 : i32
    %dma_start3A_28 = arith.constant 0 : i32
    %dma_start3A_29 = tpu.memref_slice %arg4[%add3A_27, %dma_start3A_28] : memref<204800x64xf32, #tpu.memory_space<hbm>> -> memref<128x64xf32, #tpu.memory_space<hbm>>
    %dma_start3A_30 = arith.constant 0 : i32
    %dma_start3A_31 = tpu.memref_slice %arg4[%add3A_27, %dma_start3A_30] : memref<204800x64xf32, #tpu.memory_space<hbm>> -> memref<128x64xf32, #tpu.memory_space<hbm>>
    tpu.enqueue_dma source(%arg6 : memref<128x64xf32, #tpu.memory_space<vmem>>) target(%dma_start3A_31 : memref<128x64xf32, #tpu.memory_space<hbm>>) target_semaphore(%arg14 : memref<!tpu.dma_semaphore, #tpu.memory_space<semaphore_mem>>)
    %dma_wait3A_32 = arith.constant 128 : i32
    %dma_wait3A_33 = tpu.memref_slice %arg5[%dma_wait3A_32] : memref<6400xi32, #tpu.memory_space<vmem>> -> memref<128xi32, #tpu.memory_space<vmem>>
    %dma_wait3A_34 = arith.constant 0 : i32
    %dma_wait3A_35 = arith.constant 0 : i32
    %dma_wait3A_36 = tpu.memref_slice %arg2[%dma_wait3A_34, %dma_wait3A_35] : memref<1015808x64xf32, #tpu.memory_space<hbm>> -> memref<1015808x64xf32, #tpu.memory_space<hbm>>
    tpu.wait_indirect_dma semaphore(%arg11 : memref<!tpu.dma_semaphore, #tpu.memory_space<semaphore_mem>>) src(%dma_wait3A_36 : memref<1015808x64xf32, #tpu.memory_space<hbm>>) dst(%arg7 : memref<128x64xf32, #tpu.memory_space<vmem>>)
    %add3A_37 = arith.constant 128 : i32
    %add3A_38 = arith.addi %multiple_of3A, %add3A_37 : i32
    %dma_start3A_39 = arith.constant 0 : i32
    %dma_start3A_40 = tpu.memref_slice %arg4[%add3A_38, %dma_start3A_39] : memref<204800x64xf32, #tpu.memory_space<hbm>> -> memref<128x64xf32, #tpu.memory_space<hbm>>
    %dma_start3A_41 = arith.constant 0 : i32
    %dma_start3A_42 = tpu.memref_slice %arg4[%add3A_38, %dma_start3A_41] : memref<204800x64xf32, #tpu.memory_space<hbm>> -> memref<128x64xf32, #tpu.memory_space<hbm>>
    tpu.enqueue_dma source(%arg7 : memref<128x64xf32, #tpu.memory_space<vmem>>) target(%dma_start3A_42 : memref<128x64xf32, #tpu.memory_space<hbm>>) target_semaphore(%arg15 : memref<!tpu.dma_semaphore, #tpu.memory_space<semaphore_mem>>)
    %dma_wait3A_43 = arith.constant 0 : i32
    %dma_wait3A_44 = tpu.memref_slice %arg4[%add3A_27, %dma_wait3A_43] : memref<204800x64xf32, #tpu.memory_space<hbm>> -> memref<128x64xf32, #tpu.memory_space<hbm>>
    %dma_wait3A_45 = arith.constant 0 : i32
    %dma_wait3A_46 = tpu.memref_slice %arg4[%add3A_27, %dma_wait3A_45] : memref<204800x64xf32, #tpu.memory_space<hbm>> -> memref<128x64xf32, #tpu.memory_space<hbm>>
    tpu.wait_dma2 semaphore(%arg14 : memref<!tpu.dma_semaphore, #tpu.memory_space<semaphore_mem>>) src(%arg6 : memref<128x64xf32, #tpu.memory_space<vmem>>) dst(%dma_wait3A_46 : memref<128x64xf32, #tpu.memory_space<hbm>>)
    %dma_start3A_47 = arith.constant 512 : i32
    %dma_start3A_48 = tpu.memref_slice %arg5[%dma_start3A_47] : memref<6400xi32, #tpu.memory_space<vmem>> -> memref<128xi32, #tpu.memory_space<vmem>>
    %dma_start3A_49 = arith.constant 0 : i32
    %dma_start3A_50 = arith.constant 0 : i32
    %dma_start3A_51 = tpu.memref_slice %arg2[%dma_start3A_49, %dma_start3A_50] : memref<1015808x64xf32, #tpu.memory_space<hbm>> -> memref<1015808x64xf32, #tpu.memory_space<hbm>>
    tpu.enqueue_indirect_dma source(%dma_start3A_51 : memref<1015808x64xf32, #tpu.memory_space<hbm>>) target(%arg6 : memref<128x64xf32, #tpu.memory_space<vmem>>) offsets(%dma_start3A_48 : memref<128xi32, #tpu.memory_space<vmem>>) semaphore(%arg10 : memref<!tpu.dma_semaphore, #tpu.memory_space<semaphore_mem>>)
    %dma_wait3A_52 = arith.constant 256 : i32
    %dma_wait3A_53 = tpu.memref_slice %arg5[%dma_wait3A_52] : memref<6400xi32, #tpu.memory_space<vmem>> -> memref<128xi32, #tpu.memory_space<vmem>>
    %dma_wait3A_54 = arith.constant 0 : i32
    %dma_wait3A_55 = arith.constant 0 : i32
    %dma_wait3A_56 = tpu.memref_slice %arg2[%dma_wait3A_54, %dma_wait3A_55] : memref<1015808x64xf32, #tpu.memory_space<hbm>> -> memref<1015808x64xf32, #tpu.memory_space<hbm>>
    tpu.wait_indirect_dma semaphore(%arg12 : memref<!tpu.dma_semaphore, #tpu.memory_space<semaphore_mem>>) src(%dma_wait3A_56 : memref<1015808x64xf32, #tpu.memory_space<hbm>>) dst(%arg8 : memref<128x64xf32, #tpu.memory_space<vmem>>)
    %add3A_57 = arith.constant 256 : i32
    %add3A_58 = arith.addi %multiple_of3A, %add3A_57 : i32
    %dma_start3A_59 = arith.constant 0 : i32
    %dma_start3A_60 = tpu.memref_slice %arg4[%add3A_58, %dma_start3A_59] : memref<204800x64xf32, #tpu.memory_space<hbm>> -> memref<128x64xf32, #tpu.memory_space<hbm>>
    %dma_start3A_61 = arith.constant 0 : i32
    %dma_start3A_62 = tpu.memref_slice %arg4[%add3A_58, %dma_start3A_61] : memref<204800x64xf32, #tpu.memory_space<hbm>> -> memref<128x64xf32, #tpu.memory_space<hbm>>
    tpu.enqueue_dma source(%arg8 : memref<128x64xf32, #tpu.memory_space<vmem>>) target(%dma_start3A_62 : memref<128x64xf32, #tpu.memory_space<hbm>>) target_semaphore(%arg16 : memref<!tpu.dma_semaphore, #tpu.memory_space<semaphore_mem>>)
    %dma_wait3A_63 = arith.constant 0 : i32
    %dma_wait3A_64 = tpu.memref_slice %arg4[%add3A_38, %dma_wait3A_63] : memref<204800x64xf32, #tpu.memory_space<hbm>> -> memref<128x64xf32, #tpu.memory_space<hbm>>
    %dma_wait3A_65 = arith.constant 0 : i32
    %dma_wait3A_66 = tpu.memref_slice %arg4[%add3A_38, %dma_wait3A_65] : memref<204800x64xf32, #tpu.memory_space<hbm>> -> memref<128x64xf32, #tpu.memory_space<hbm>>
    tpu.wait_dma2 semaphore(%arg15 : memref<!tpu.dma_semaphore, #tpu.memory_space<semaphore_mem>>) src(%arg7 : memref<128x64xf32, #tpu.memory_space<vmem>>) dst(%dma_wait3A_66 : memref<128x64xf32, #tpu.memory_space<hbm>>)
    %dma_start3A_67 = arith.constant 640 : i32
    %dma_start3A_68 = tpu.memref_slice %arg5[%dma_start3A_67] : memref<6400xi32, #tpu.memory_space<vmem>> -> memref<128xi32, #tpu.memory_space<vmem>>
    %dma_start3A_69 = arith.constant 0 : i32
    %dma_start3A_70 = arith.constant 0 : i32
    %dma_start3A_71 = tpu.memref_slice %arg2[%dma_start3A_69, %dma_start3A_70] : memref<1015808x64xf32, #tpu.memory_space<hbm>> -> memref<1015808x64xf32, #tpu.memory_space<hbm>>
    tpu.enqueue_indirect_dma source(%dma_start3A_71 : memref<1015808x64xf32, #tpu.memory_space<hbm>>) target(%arg7 : memref<128x64xf32, #tpu.memory_space<vmem>>) offsets(%dma_start3A_68 : memref<128xi32, #tpu.memory_space<vmem>>) semaphore(%arg11 : memref<!tpu.dma_semaphore, #tpu.memory_space<semaphore_mem>>)
    %dma_wait3A_72 = arith.constant 384 : i32
    %dma_wait3A_73 = tpu.memref_slice %arg5[%dma_wait3A_72] : memref<6400xi32, #tpu.memory_space<vmem>> -> memref<128xi32, #tpu.memory_space<vmem>>
    %dma_wait3A_74 = arith.constant 0 : i32
    %dma_wait3A_75 = arith.constant 0 : i32
    %dma_wait3A_76 = tpu.memref_slice %arg2[%dma_wait3A_74, %dma_wait3A_75] : memref<1015808x64xf32, #tpu.memory_space<hbm>> -> memref<1015808x64xf32, #tpu.memory_space<hbm>>
    tpu.wait_indirect_dma semaphore(%arg13 : memref<!tpu.dma_semaphore, #tpu.memory_space<semaphore_mem>>) src(%dma_wait3A_76 : memref<1015808x64xf32, #tpu.memory_space<hbm>>) dst(%arg9 : memref<128x64xf32, #tpu.memory_space<vmem>>)
    %add3A_77 = arith.constant 384 : i32
    %add3A_78 = arith.addi %multiple_of3A, %add3A_77 : i32
    %dma_start3A_79 = arith.constant 0 : i32
    %dma_start3A_80 = tpu.memref_slice %arg4[%add3A_78, %dma_start3A_79] : memref<204800x64xf32, #tpu.memory_space<hbm>> -> memref<128x64xf32, #tpu.memory_space<hbm>>
    %dma_start3A_81 = arith.constant 0 : i32
    %dma_start3A_82 = tpu.memref_slice %arg4[%add3A_78, %dma_start3A_81] : memref<204800x64xf32, #tpu.memory_space<hbm>> -> memref<128x64xf32, #tpu.memory_space<hbm>>
    tpu.enqueue_dma source(%arg9 : memref<128x64xf32, #tpu.memory_space<vmem>>) target(%dma_start3A_82 : memref<128x64xf32, #tpu.memory_space<hbm>>) target_semaphore(%arg17 : memref<!tpu.dma_semaphore, #tpu.memory_space<semaphore_mem>>)
    %dma_wait3A_83 = arith.constant 0 : i32
    %dma_wait3A_84 = tpu.memref_slice %arg4[%add3A_58, %dma_wait3A_83] : memref<204800x64xf32, #tpu.memory_space<hbm>> -> memref<128x64xf32, #tpu.memory_space<hbm>>
    %dma_wait3A_85 = arith.constant 0 : i32
    %dma_wait3A_86 = tpu.memref_slice %arg4[%add3A_58, %dma_wait3A_85] : memref<204800x64xf32, #tpu.memory_space<hbm>> -> memref<128x64xf32, #tpu.memory_space<hbm>>
    tpu.wait_dma2 semaphore(%arg16 : memref<!tpu.dma_semaphore, #tpu.memory_space<semaphore_mem>>) src(%arg8 : memref<128x64xf32, #tpu.memory_space<vmem>>) dst(%dma_wait3A_86 : memref<128x64xf32, #tpu.memory_space<hbm>>)
    %dma_start3A_87 = arith.constant 768 : i32
    %dma_start3A_88 = tpu.memref_slice %arg5[%dma_start3A_87] : memref<6400xi32, #tpu.memory_space<vmem>> -> memref<128xi32, #tpu.memory_space<vmem>>
    %dma_start3A_89 = arith.constant 0 : i32
    %dma_start3A_90 = arith.constant 0 : i32
    %dma_start3A_91 = tpu.memref_slice %arg2[%dma_start3A_89, %dma_start3A_90] : memref<1015808x64xf32, #tpu.memory_space<hbm>> -> memref<1015808x64xf32, #tpu.memory_space<hbm>>
    tpu.enqueue_indirect_dma source(%dma_start3A_91 : memref<1015808x64xf32, #tpu.memory_space<hbm>>) target(%arg8 : memref<128x64xf32, #tpu.memory_space<vmem>>) offsets(%dma_start3A_88 : memref<128xi32, #tpu.memory_space<vmem>>) semaphore(%arg12 : memref<!tpu.dma_semaphore, #tpu.memory_space<semaphore_mem>>)
    %dma_wait3A_92 = arith.constant 512 : i32
    %dma_wait3A_93 = tpu.memref_slice %arg5[%dma_wait3A_92] : memref<6400xi32, #tpu.memory_space<vmem>> -> memref<128xi32, #tpu.memory_space<vmem>>
    %dma_wait3A_94 = arith.constant 0 : i32
    %dma_wait3A_95 = arith.constant 0 : i32
    %dma_wait3A_96 = tpu.memref_slice %arg2[%dma_wait3A_94, %dma_wait3A_95] : memref<1015808x64xf32, #tpu.memory_space<hbm>> -> memref<1015808x64xf32, #tpu.memory_space<hbm>>
    tpu.wait_indirect_dma semaphore(%arg10 : memref<!tpu.dma_semaphore, #tpu.memory_space<semaphore_mem>>) src(%dma_wait3A_96 : memref<1015808x64xf32, #tpu.memory_space<hbm>>) dst(%arg6 : memref<128x64xf32, #tpu.memory_space<vmem>>)
    %add3A_97 = arith.constant 512 : i32
    %add3A_98 = arith.addi %multiple_of3A, %add3A_97 : i32
    %dma_start3A_99 = arith.constant 0 : i32
    %dma_start3A_100 = tpu.memref_slice %arg4[%add3A_98, %dma_start3A_99] : memref<204800x64xf32, #tpu.memory_space<hbm>> -> memref<128x64xf32, #tpu.memory_space<hbm>>
    %dma_start3A_101 = arith.constant 0 : i32
    %dma_start3A_102 = tpu.memref_slice %arg4[%add3A_98, %dma_start3A_101] : memref<204800x64xf32, #tpu.memory_space<hbm>> -> memref<128x64xf32, #tpu.memory_space<hbm>>
    tpu.enqueue_dma source(%arg6 : memref<128x64xf32, #tpu.memory_space<vmem>>) target(%dma_start3A_102 : memref<128x64xf32, #tpu.memory_space<hbm>>) target_semaphore(%arg14 : memref<!tpu.dma_semaphore, #tpu.memory_space<semaphore_mem>>)
    %dma_wait3A_103 = arith.constant 0 : i32
    %dma_wait3A_104 = tpu.memref_slice %arg4[%add3A_78, %dma_wait3A_103] : memref<204800x64xf32, #tpu.memory_space<hbm>> -> memref<128x64xf32, #tpu.memory_space<hbm>>
    %dma_wait3A_105 = arith.constant 0 : i32
    %dma_wait3A_106 = tpu.memref_slice %arg4[%add3A_78, %dma_wait3A_105] : memref<204800x64xf32, #tpu.memory_space<hbm>> -> memref<128x64xf32, #tpu.memory_space<hbm>>
    tpu.wait_dma2 semaphore(%arg17 : memref<!tpu.dma_semaphore, #tpu.memory_space<semaphore_mem>>) src(%arg9 : memref<128x64xf32, #tpu.memory_space<vmem>>) dst(%dma_wait3A_106 : memref<128x64xf32, #tpu.memory_space<hbm>>)
    %dma_start3A_107 = arith.constant 896 : i32
    %dma_start3A_108 = tpu.memref_slice %arg5[%dma_start3A_107] : memref<6400xi32, #tpu.memory_space<vmem>> -> memref<128xi32, #tpu.memory_space<vmem>>
    %dma_start3A_109 = arith.constant 0 : i32
    %dma_start3A_110 = arith.constant 0 : i32
    %dma_start3A_111 = tpu.memref_slice %arg2[%dma_start3A_109, %dma_start3A_110] : memref<1015808x64xf32, #tpu.memory_space<hbm>> -> memref<1015808x64xf32, #tpu.memory_space<hbm>>
    tpu.enqueue_indirect_dma source(%dma_start3A_111 : memref<1015808x64xf32, #tpu.memory_space<hbm>>) target(%arg9 : memref<128x64xf32, #tpu.memory_space<vmem>>) offsets(%dma_start3A_108 : memref<128xi32, #tpu.memory_space<vmem>>) semaphore(%arg13 : memref<!tpu.dma_semaphore, #tpu.memory_space<semaphore_mem>>)
    %dma_wait3A_112 = arith.constant 640 : i32
    %dma_wait3A_113 = tpu.memref_slice %arg5[%dma_wait3A_112] : memref<6400xi32, #tpu.memory_space<vmem>> -> memref<128xi32, #tpu.memory_space<vmem>>
    %dma_wait3A_114 = arith.constant 0 : i32
    %dma_wait3A_115 = arith.constant 0 : i32
    %dma_wait3A_116 = tpu.memref_slice %arg2[%dma_wait3A_114, %dma_wait3A_115] : memref<1015808x64xf32, #tpu.memory_space<hbm>> -> memref<1015808x64xf32, #tpu.memory_space<hbm>>
    tpu.wait_indirect_dma semaphore(%arg11 : memref<!tpu.dma_semaphore, #tpu.memory_space<semaphore_mem>>) src(%dma_wait3A_116 : memref<1015808x64xf32, #tpu.memory_space<hbm>>) dst(%arg7 : memref<128x64xf32, #tpu.memory_space<vmem>>)
    %add3A_117 = arith.constant 640 : i32
    %add3A_118 = arith.addi %multiple_of3A, %add3A_117 : i32
    %dma_start3A_119 = arith.constant 0 : i32
    %dma_start3A_120 = tpu.memref_slice %arg4[%add3A_118, %dma_start3A_119] : memref<204800x64xf32, #tpu.memory_space<hbm>> -> memref<128x64xf32, #tpu.memory_space<hbm>>
    %dma_start3A_121 = arith.constant 0 : i32
    %dma_start3A_122 = tpu.memref_slice %arg4[%add3A_118, %dma_start3A_121] : memref<204800x64xf32, #tpu.memory_space<hbm>> -> memref<128x64xf32, #tpu.memory_space<hbm>>
    tpu.enqueue_dma source(%arg7 : memref<128x64xf32, #tpu.memory_space<vmem>>) target(%dma_start3A_122 : memref<128x64xf32, #tpu.memory_space<hbm>>) target_semaphore(%arg15 : memref<!tpu.dma_semaphore, #tpu.memory_space<semaphore_mem>>)
    %dma_wait3A_123 = arith.constant 0 : i32
    %dma_wait3A_124 = tpu.memref_slice %arg4[%add3A_98, %dma_wait3A_123] : memref<204800x64xf32, #tpu.memory_space<hbm>> -> memref<128x64xf32, #tpu.memory_space<hbm>>
    %dma_wait3A_125 = arith.constant 0 : i32
    %dma_wait3A_126 = tpu.memref_slice %arg4[%add3A_98, %dma_wait3A_125] : memref<204800x64xf32, #tpu.memory_space<hbm>> -> memref<128x64xf32, #tpu.memory_space<hbm>>
    tpu.wait_dma2 semaphore(%arg14 : memref<!tpu.dma_semaphore, #tpu.memory_space<semaphore_mem>>) src(%arg6 : memref<128x64xf32, #tpu.memory_space<vmem>>) dst(%dma_wait3A_126 : memref<128x64xf32, #tpu.memory_space<hbm>>)
    %dma_start3A_127 = arith.constant 1024 : i32
    %dma_start3A_128 = tpu.memref_slice %arg5[%dma_start3A_127] : memref<6400xi32, #tpu.memory_space<vmem>> -> memref<128xi32, #tpu.memory_space<vmem>>
    %dma_start3A_129 = arith.constant 0 : i32
    %dma_start3A_130 = arith.constant 0 : i32
    %dma_start3A_131 = tpu.memref_slice %arg2[%dma_start3A_129, %dma_start3A_130] : memref<1015808x64xf32, #tpu.memory_space<hbm>> -> memref<1015808x64xf32, #tpu.memory_space<hbm>>
    tpu.enqueue_indirect_dma source(%dma_start3A_131 : memref<1015808x64xf32, #tpu.memory_space<hbm>>) target(%arg6 : memref<128x64xf32, #tpu.memory_space<vmem>>) offsets(%dma_start3A_128 : memref<128xi32, #tpu.memory_space<vmem>>) semaphore(%arg10 : memref<!tpu.dma_semaphore, #tpu.memory_space<semaphore_mem>>)
    %dma_wait3A_132 = arith.constant 768 : i32
    %dma_wait3A_133 = tpu.memref_slice %arg5[%dma_wait3A_132] : memref<6400xi32, #tpu.memory_space<vmem>> -> memref<128xi32, #tpu.memory_space<vmem>>
    %dma_wait3A_134 = arith.constant 0 : i32
    %dma_wait3A_135 = arith.constant 0 : i32
    %dma_wait3A_136 = tpu.memref_slice %arg2[%dma_wait3A_134, %dma_wait3A_135] : memref<1015808x64xf32, #tpu.memory_space<hbm>> -> memref<1015808x64xf32, #tpu.memory_space<hbm>>
    tpu.wait_indirect_dma semaphore(%arg12 : memref<!tpu.dma_semaphore, #tpu.memory_space<semaphore_mem>>) src(%dma_wait3A_136 : memref<1015808x64xf32, #tpu.memory_space<hbm>>) dst(%arg8 : memref<128x64xf32, #tpu.memory_space<vmem>>)
    %add3A_137 = arith.constant 768 : i32
    %add3A_138 = arith.addi %multiple_of3A, %add3A_137 : i32
    %dma_start3A_139 = arith.constant 0 : i32
    %dma_start3A_140 = tpu.memref_slice %arg4[%add3A_138, %dma_start3A_139] : memref<204800x64xf32, #tpu.memory_space<hbm>> -> memref<128x64xf32, #tpu.memory_space<hbm>>
    %dma_start3A_141 = arith.constant 0 : i32
    %dma_start3A_142 = tpu.memref_slice %arg4[%add3A_138, %dma_start3A_141] : memref<204800x64xf32, #tpu.memory_space<hbm>> -> memref<128x64xf32, #tpu.memory_space<hbm>>
    tpu.enqueue_dma source(%arg8 : memref<128x64xf32, #tpu.memory_space<vmem>>) target(%dma_start3A_142 : memref<128x64xf32, #tpu.memory_space<hbm>>) target_semaphore(%arg16 : memref<!tpu.dma_semaphore, #tpu.memory_space<semaphore_mem>>)
    %dma_wait3A_143 = arith.constant 0 : i32
    %dma_wait3A_144 = tpu.memref_slice %arg4[%add3A_118, %dma_wait3A_143] : memref<204800x64xf32, #tpu.memory_space<hbm>> -> memref<128x64xf32, #tpu.memory_space<hbm>>
    %dma_wait3A_145 = arith.constant 0 : i32
    %dma_wait3A_146 = tpu.memref_slice %arg4[%add3A_118, %dma_wait3A_145] : memref<204800x64xf32, #tpu.memory_space<hbm>> -> memref<128x64xf32, #tpu.memory_space<hbm>>
    tpu.wait_dma2 semaphore(%arg15 : memref<!tpu.dma_semaphore, #tpu.memory_space<semaphore_mem>>) src(%arg7 : memref<128x64xf32, #tpu.memory_space<vmem>>) dst(%dma_wait3A_146 : memref<128x64xf32, #tpu.memory_space<hbm>>)
    %dma_start3A_147 = arith.constant 1152 : i32
    %dma_start3A_148 = tpu.memref_slice %arg5[%dma_start3A_147] : memref<6400xi32, #tpu.memory_space<vmem>> -> memref<128xi32, #tpu.memory_space<vmem>>
    %dma_start3A_149 = arith.constant 0 : i32
    %dma_start3A_150 = arith.constant 0 : i32
    %dma_start3A_151 = tpu.memref_slice %arg2[%dma_start3A_149, %dma_start3A_150] : memref<1015808x64xf32, #tpu.memory_space<hbm>> -> memref<1015808x64xf32, #tpu.memory_space<hbm>>
    tpu.enqueue_indirect_dma source(%dma_start3A_151 : memref<1015808x64xf32, #tpu.memory_space<hbm>>) target(%arg7 : memref<128x64xf32, #tpu.memory_space<vmem>>) offsets(%dma_start3A_148 : memref<128xi32, #tpu.memory_space<vmem>>) semaphore(%arg11 : memref<!tpu.dma_semaphore, #tpu.memory_space<semaphore_mem>>)
    %dma_wait3A_152 = arith.constant 896 : i32
    %dma_wait3A_153 = tpu.memref_slice %arg5[%dma_wait3A_152] : memref<6400xi32, #tpu.memory_space<vmem>> -> memref<128xi32, #tpu.memory_space<vmem>>
    %dma_wait3A_154 = arith.constant 0 : i32
    %dma_wait3A_155 = arith.constant 0 : i32
    %dma_wait3A_156 = tpu.memref_slice %arg2[%dma_wait3A_154, %dma_wait3A_155] : memref<1015808x64xf32, #tpu.memory_space<hbm>> -> memref<1015808x64xf32, #tpu.memory_space<hbm>>
    tpu.wait_indirect_dma semaphore(%arg13 : memref<!tpu.dma_semaphore, #tpu.memory_space<semaphore_mem>>) src(%dma_wait3A_156 : memref<1015808x64xf32, #tpu.memory_space<hbm>>) dst(%arg9 : memref<128x64xf32, #tpu.memory_space<vmem>>)
    %add3A_157 = arith.constant 896 : i32
    %add3A_158 = arith.addi %multiple_of3A, %add3A_157 : i32
    %dma_start3A_159 = arith.constant 0 : i32
    %dma_start3A_160 = tpu.memref_slice %arg4[%add3A_158, %dma_start3A_159] : memref<204800x64xf32, #tpu.memory_space<hbm>> -> memref<128x64xf32, #tpu.memory_space<hbm>>
    %dma_start3A_161 = arith.constant 0 : i32
    %dma_start3A_162 = tpu.memref_slice %arg4[%add3A_158, %dma_start3A_161] : memref<204800x64xf32, #tpu.memory_space<hbm>> -> memref<128x64xf32, #tpu.memory_space<hbm>>
    tpu.enqueue_dma source(%arg9 : memref<128x64xf32, #tpu.memory_space<vmem>>) target(%dma_start3A_162 : memref<128x64xf32, #tpu.memory_space<hbm>>) target_semaphore(%arg17 : memref<!tpu.dma_semaphore, #tpu.memory_space<semaphore_mem>>)
    %dma_wait3A_163 = arith.constant 0 : i32
    %dma_wait3A_164 = tpu.memref_slice %arg4[%add3A_138, %dma_wait3A_163] : memref<204800x64xf32, #tpu.memory_space<hbm>> -> memref<128x64xf32, #tpu.memory_space<hbm>>
    %dma_wait3A_165 = arith.constant 0 : i32
    %dma_wait3A_166 = tpu.memref_slice %arg4[%add3A_138, %dma_wait3A_165] : memref<204800x64xf32, #tpu.memory_space<hbm>> -> memref<128x64xf32, #tpu.memory_space<hbm>>
    tpu.wait_dma2 semaphore(%arg16 : memref<!tpu.dma_semaphore, #tpu.memory_space<semaphore_mem>>) src(%arg8 : memref<128x64xf32, #tpu.memory_space<vmem>>) dst(%dma_wait3A_166 : memref<128x64xf32, #tpu.memory_space<hbm>>)
    %dma_start3A_167 = arith.constant 1280 : i32
    %dma_start3A_168 = tpu.memref_slice %arg5[%dma_start3A_167] : memref<6400xi32, #tpu.memory_space<vmem>> -> memref<128xi32, #tpu.memory_space<vmem>>
    %dma_start3A_169 = arith.constant 0 : i32
    %dma_start3A_170 = arith.constant 0 : i32
    %dma_start3A_171 = tpu.memref_slice %arg2[%dma_start3A_169, %dma_start3A_170] : memref<1015808x64xf32, #tpu.memory_space<hbm>> -> memref<1015808x64xf32, #tpu.memory_space<hbm>>
    tpu.enqueue_indirect_dma source(%dma_start3A_171 : memref<1015808x64xf32, #tpu.memory_space<hbm>>) target(%arg8 : memref<128x64xf32, #tpu.memory_space<vmem>>) offsets(%dma_start3A_168 : memref<128xi32, #tpu.memory_space<vmem>>) semaphore(%arg12 : memref<!tpu.dma_semaphore, #tpu.memory_space<semaphore_mem>>)
    %dma_wait3A_172 = arith.constant 1024 : i32
    %dma_wait3A_173 = tpu.memref_slice %arg5[%dma_wait3A_172] : memref<6400xi32, #tpu.memory_space<vmem>> -> memref<128xi32, #tpu.memory_space<vmem>>
    %dma_wait3A_174 = arith.constant 0 : i32
    %dma_wait3A_175 = arith.constant 0 : i32
    %dma_wait3A_176 = tpu.memref_slice %arg2[%dma_wait3A_174, %dma_wait3A_175] : memref<1015808x64xf32, #tpu.memory_space<hbm>> -> memref<1015808x64xf32, #tpu.memory_space<hbm>>
    tpu.wait_indirect_dma semaphore(%arg10 : memref<!tpu.dma_semaphore, #tpu.memory_space<semaphore_mem>>) src(%dma_wait3A_176 : memref<1015808x64xf32, #tpu.memory_space<hbm>>) dst(%arg6 : memref<128x64xf32, #tpu.memory_space<vmem>>)
    %add3A_177 = arith.constant 1024 : i32
    %add3A_178 = arith.addi %multiple_of3A, %add3A_177 : i32
    %dma_start3A_179 = arith.constant 0 : i32
    %dma_start3A_180 = tpu.memref_slice %arg4[%add3A_178, %dma_start3A_179] : memref<204800x64xf32, #tpu.memory_space<hbm>> -> memref<128x64xf32, #tpu.memory_space<hbm>>
    %dma_start3A_181 = arith.constant 0 : i32
    %dma_start3A_182 = tpu.memref_slice %arg4[%add3A_178, %dma_start3A_181] : memref<204800x64xf32, #tpu.memory_space<hbm>> -> memref<128x64xf32, #tpu.memory_space<hbm>>
    tpu.enqueue_dma source(%arg6 : memref<128x64xf32, #tpu.memory_space<vmem>>) target(%dma_start3A_182 : memref<128x64xf32, #tpu.memory_space<hbm>>) target_semaphore(%arg14 : memref<!tpu.dma_semaphore, #tpu.memory_space<semaphore_mem>>)
    %dma_wait3A_183 = arith.constant 0 : i32
    %dma_wait3A_184 = tpu.memref_slice %arg4[%add3A_158, %dma_wait3A_183] : memref<204800x64xf32, #tpu.memory_space<hbm>> -> memref<128x64xf32, #tpu.memory_space<hbm>>
    %dma_wait3A_185 = arith.constant 0 : i32
    %dma_wait3A_186 = tpu.memref_slice %arg4[%add3A_158, %dma_wait3A_185] : memref<204800x64xf32, #tpu.memory_space<hbm>> -> memref<128x64xf32, #tpu.memory_space<hbm>>
    tpu.wait_dma2 semaphore(%arg17 : memref<!tpu.dma_semaphore, #tpu.memory_space<semaphore_mem>>) src(%arg9 : memref<128x64xf32, #tpu.memory_space<vmem>>) dst(%dma_wait3A_186 : memref<128x64xf32, #tpu.memory_space<hbm>>)
    %dma_start3A_187 = arith.constant 1408 : i32
    %dma_start3A_188 = tpu.memref_slice %arg5[%dma_start3A_187] : memref<6400xi32, #tpu.memory_space<vmem>> -> memref<128xi32, #tpu.memory_space<vmem>>
    %dma_start3A_189 = arith.constant 0 : i32
    %dma_start3A_190 = arith.constant 0 : i32
    %dma_start3A_191 = tpu.memref_slice %arg2[%dma_start3A_189, %dma_start3A_190] : memref<1015808x64xf32, #tpu.memory_space<hbm>> -> memref<1015808x64xf32, #tpu.memory_space<hbm>>
    tpu.enqueue_indirect_dma source(%dma_start3A_191 : memref<1015808x64xf32, #tpu.memory_space<hbm>>) target(%arg9 : memref<128x64xf32, #tpu.memory_space<vmem>>) offsets(%dma_start3A_188 : memref<128xi32, #tpu.memory_space<vmem>>) semaphore(%arg13 : memref<!tpu.dma_semaphore, #tpu.memory_space<semaphore_mem>>)
    %dma_wait3A_192 = arith.constant 1152 : i32
    %dma_wait3A_193 = tpu.memref_slice %arg5[%dma_wait3A_192] : memref<6400xi32, #tpu.memory_space<vmem>> -> memref<128xi32, #tpu.memory_space<vmem>>
    %dma_wait3A_194 = arith.constant 0 : i32
    %dma_wait3A_195 = arith.constant 0 : i32
    %dma_wait3A_196 = tpu.memref_slice %arg2[%dma_wait3A_194, %dma_wait3A_195] : memref<1015808x64xf32, #tpu.memory_space<hbm>> -> memref<1015808x64xf32, #tpu.memory_space<hbm>>
    tpu.wait_indirect_dma semaphore(%arg11 : memref<!tpu.dma_semaphore, #tpu.memory_space<semaphore_mem>>) src(%dma_wait3A_196 : memref<1015808x64xf32, #tpu.memory_space<hbm>>) dst(%arg7 : memref<128x64xf32, #tpu.memory_space<vmem>>)
    %add3A_197 = arith.constant 1152 : i32
    %add3A_198 = arith.addi %multiple_of3A, %add3A_197 : i32
    %dma_start3A_199 = arith.constant 0 : i32
    %dma_start3A_200 = tpu.memref_slice %arg4[%add3A_198, %dma_start3A_199] : memref<204800x64xf32, #tpu.memory_space<hbm>> -> memref<128x64xf32, #tpu.memory_space<hbm>>
    %dma_start3A_201 = arith.constant 0 : i32
    %dma_start3A_202 = tpu.memref_slice %arg4[%add3A_198, %dma_start3A_201] : memref<204800x64xf32, #tpu.memory_space<hbm>> -> memref<128x64xf32, #tpu.memory_space<hbm>>
    tpu.enqueue_dma source(%arg7 : memref<128x64xf32, #tpu.memory_space<vmem>>) target(%dma_start3A_202 : memref<128x64xf32, #tpu.memory_space<hbm>>) target_semaphore(%arg15 : memref<!tpu.dma_semaphore, #tpu.memory_space<semaphore_mem>>)
    %dma_wait3A_203 = arith.constant 0 : i32
    %dma_wait3A_204 = tpu.memref_slice %arg4[%add3A_178, %dma_wait3A_203] : memref<204800x64xf32, #tpu.memory_space<hbm>> -> memref<128x64xf32, #tpu.memory_space<hbm>>
    %dma_wait3A_205 = arith.constant 0 : i32
    %dma_wait3A_206 = tpu.memref_slice %arg4[%add3A_178, %dma_wait3A_205] : memref<204800x64xf32, #tpu.memory_space<hbm>> -> memref<128x64xf32, #tpu.memory_space<hbm>>
    tpu.wait_dma2 semaphore(%arg14 : memref<!tpu.dma_semaphore, #tpu.memory_space<semaphore_mem>>) src(%arg6 : memref<128x64xf32, #tpu.memory_space<vmem>>) dst(%dma_wait3A_206 : memref<128x64xf32, #tpu.memory_space<hbm>>)
    %dma_start3A_207 = arith.constant 1536 : i32
    %dma_start3A_208 = tpu.memref_slice %arg5[%dma_start3A_207] : memref<6400xi32, #tpu.memory_space<vmem>> -> memref<128xi32, #tpu.memory_space<vmem>>
    %dma_start3A_209 = arith.constant 0 : i32
    %dma_start3A_210 = arith.constant 0 : i32
    %dma_start3A_211 = tpu.memref_slice %arg2[%dma_start3A_209, %dma_start3A_210] : memref<1015808x64xf32, #tpu.memory_space<hbm>> -> memref<1015808x64xf32, #tpu.memory_space<hbm>>
    tpu.enqueue_indirect_dma source(%dma_start3A_211 : memref<1015808x64xf32, #tpu.memory_space<hbm>>) target(%arg6 : memref<128x64xf32, #tpu.memory_space<vmem>>) offsets(%dma_start3A_208 : memref<128xi32, #tpu.memory_space<vmem>>) semaphore(%arg10 : memref<!tpu.dma_semaphore, #tpu.memory_space<semaphore_mem>>)
    %dma_wait3A_212 = arith.constant 1280 : i32
    %dma_wait3A_213 = tpu.memref_slice %arg5[%dma_wait3A_212] : memref<6400xi32, #tpu.memory_space<vmem>> -> memref<128xi32, #tpu.memory_space<vmem>>
    %dma_wait3A_214 = arith.constant 0 : i32
    %dma_wait3A_215 = arith.constant 0 : i32
    %dma_wait3A_216 = tpu.memref_slice %arg2[%dma_wait3A_214, %dma_wait3A_215] : memref<1015808x64xf32, #tpu.memory_space<hbm>> -> memref<1015808x64xf32, #tpu.memory_space<hbm>>
    tpu.wait_indirect_dma semaphore(%arg12 : memref<!tpu.dma_semaphore, #tpu.memory_space<semaphore_mem>>) src(%dma_wait3A_216 : memref<1015808x64xf32, #tpu.memory_space<hbm>>) dst(%arg8 : memref<128x64xf32, #tpu.memory_space<vmem>>)
    %add3A_217 = arith.constant 1280 : i32
    %add3A_218 = arith.addi %multiple_of3A, %add3A_217 : i32
    %dma_start3A_219 = arith.constant 0 : i32
    %dma_start3A_220 = tpu.memref_slice %arg4[%add3A_218, %dma_start3A_219] : memref<204800x64xf32, #tpu.memory_space<hbm>> -> memref<128x64xf32, #tpu.memory_space<hbm>>
    %dma_start3A_221 = arith.constant 0 : i32
    %dma_start3A_222 = tpu.memref_slice %arg4[%add3A_218, %dma_start3A_221] : memref<204800x64xf32, #tpu.memory_space<hbm>> -> memref<128x64xf32, #tpu.memory_space<hbm>>
    tpu.enqueue_dma source(%arg8 : memref<128x64xf32, #tpu.memory_space<vmem>>) target(%dma_start3A_222 : memref<128x64xf32, #tpu.memory_space<hbm>>) target_semaphore(%arg16 : memref<!tpu.dma_semaphore, #tpu.memory_space<semaphore_mem>>)
    %dma_wait3A_223 = arith.constant 0 : i32
    %dma_wait3A_224 = tpu.memref_slice %arg4[%add3A_198, %dma_wait3A_223] : memref<204800x64xf32, #tpu.memory_space<hbm>> -> memref<128x64xf32, #tpu.memory_space<hbm>>
    %dma_wait3A_225 = arith.constant 0 : i32
    %dma_wait3A_226 = tpu.memref_slice %arg4[%add3A_198, %dma_wait3A_225] : memref<204800x64xf32, #tpu.memory_space<hbm>> -> memref<128x64xf32, #tpu.memory_space<hbm>>
    tpu.wait_dma2 semaphore(%arg15 : memref<!tpu.dma_semaphore, #tpu.memory_space<semaphore_mem>>) src(%arg7 : memref<128x64xf32, #tpu.memory_space<vmem>>) dst(%dma_wait3A_226 : memref<128x64xf32, #tpu.memory_space<hbm>>)
    %dma_start3A_227 = arith.constant 1664 : i32
    %dma_start3A_228 = tpu.memref_slice %arg5[%dma_start3A_227] : memref<6400xi32, #tpu.memory_space<vmem>> -> memref<128xi32, #tpu.memory_space<vmem>>
    %dma_start3A_229 = arith.constant 0 : i32
    %dma_start3A_230 = arith.constant 0 : i32
    %dma_start3A_231 = tpu.memref_slice %arg2[%dma_start3A_229, %dma_start3A_230] : memref<1015808x64xf32, #tpu.memory_space<hbm>> -> memref<1015808x64xf32, #tpu.memory_space<hbm>>
    tpu.enqueue_indirect_dma source(%dma_start3A_231 : memref<1015808x64xf32, #tpu.memory_space<hbm>>) target(%arg7 : memref<128x64xf32, #tpu.memory_space<vmem>>) offsets(%dma_start3A_228 : memref<128xi32, #tpu.memory_space<vmem>>) semaphore(%arg11 : memref<!tpu.dma_semaphore, #tpu.memory_space<semaphore_mem>>)
    %dma_wait3A_232 = arith.constant 1408 : i32
    %dma_wait3A_233 = tpu.memref_slice %arg5[%dma_wait3A_232] : memref<6400xi32, #tpu.memory_space<vmem>> -> memref<128xi32, #tpu.memory_space<vmem>>
    %dma_wait3A_234 = arith.constant 0 : i32
    %dma_wait3A_235 = arith.constant 0 : i32
    %dma_wait3A_236 = tpu.memref_slice %arg2[%dma_wait3A_234, %dma_wait3A_235] : memref<1015808x64xf32, #tpu.memory_space<hbm>> -> memref<1015808x64xf32, #tpu.memory_space<hbm>>
    tpu.wait_indirect_dma semaphore(%arg13 : memref<!tpu.dma_semaphore, #tpu.memory_space<semaphore_mem>>) src(%dma_wait3A_236 : memref<1015808x64xf32, #tpu.memory_space<hbm>>) dst(%arg9 : memref<128x64xf32, #tpu.memory_space<vmem>>)
    %add3A_237 = arith.constant 1408 : i32
    %add3A_238 = arith.addi %multiple_of3A, %add3A_237 : i32
    %dma_start3A_239 = arith.constant 0 : i32
    %dma_start3A_240 = tpu.memref_slice %arg4[%add3A_238, %dma_start3A_239] : memref<204800x64xf32, #tpu.memory_space<hbm>> -> memref<128x64xf32, #tpu.memory_space<hbm>>
    %dma_start3A_241 = arith.constant 0 : i32
    %dma_start3A_242 = tpu.memref_slice %arg4[%add3A_238, %dma_start3A_241] : memref<204800x64xf32, #tpu.memory_space<hbm>> -> memref<128x64xf32, #tpu.memory_space<hbm>>
    tpu.enqueue_dma source(%arg9 : memref<128x64xf32, #tpu.memory_space<vmem>>) target(%dma_start3A_242 : memref<128x64xf32, #tpu.memory_space<hbm>>) target_semaphore(%arg17 : memref<!tpu.dma_semaphore, #tpu.memory_space<semaphore_mem>>)
    %dma_wait3A_243 = arith.constant 0 : i32
    %dma_wait3A_244 = tpu.memref_slice %arg4[%add3A_218, %dma_wait3A_243] : memref<204800x64xf32, #tpu.memory_space<hbm>> -> memref<128x64xf32, #tpu.memory_space<hbm>>
    %dma_wait3A_245 = arith.constant 0 : i32
    %dma_wait3A_246 = tpu.memref_slice %arg4[%add3A_218, %dma_wait3A_245] : memref<204800x64xf32, #tpu.memory_space<hbm>> -> memref<128x64xf32, #tpu.memory_space<hbm>>
    tpu.wait_dma2 semaphore(%arg16 : memref<!tpu.dma_semaphore, #tpu.memory_space<semaphore_mem>>) src(%arg8 : memref<128x64xf32, #tpu.memory_space<vmem>>) dst(%dma_wait3A_246 : memref<128x64xf32, #tpu.memory_space<hbm>>)
    %dma_start3A_247 = arith.constant 1792 : i32
    %dma_start3A_248 = tpu.memref_slice %arg5[%dma_start3A_247] : memref<6400xi32, #tpu.memory_space<vmem>> -> memref<128xi32, #tpu.memory_space<vmem>>
    %dma_start3A_249 = arith.constant 0 : i32
    %dma_start3A_250 = arith.constant 0 : i32
    %dma_start3A_251 = tpu.memref_slice %arg2[%dma_start3A_249, %dma_start3A_250] : memref<1015808x64xf32, #tpu.memory_space<hbm>> -> memref<1015808x64xf32, #tpu.memory_space<hbm>>
    tpu.enqueue_indirect_dma source(%dma_start3A_251 : memref<1015808x64xf32, #tpu.memory_space<hbm>>) target(%arg8 : memref<128x64xf32, #tpu.memory_space<vmem>>) offsets(%dma_start3A_248 : memref<128xi32, #tpu.memory_space<vmem>>) semaphore(%arg12 : memref<!tpu.dma_semaphore, #tpu.memory_space<semaphore_mem>>)
    %dma_wait3A_252 = arith.constant 1536 : i32
    %dma_wait3A_253 = tpu.memref_slice %arg5[%dma_wait3A_252] : memref<6400xi32, #tpu.memory_space<vmem>> -> memref<128xi32, #tpu.memory_space<vmem>>
    %dma_wait3A_254 = arith.constant 0 : i32
    %dma_wait3A_255 = arith.constant 0 : i32
    %dma_wait3A_256 = tpu.memref_slice %arg2[%dma_wait3A_254, %dma_wait3A_255] : memref<1015808x64xf32, #tpu.memory_space<hbm>> -> memref<1015808x64xf32, #tpu.memory_space<hbm>>
    tpu.wait_indirect_dma semaphore(%arg10 : memref<!tpu.dma_semaphore, #tpu.memory_space<semaphore_mem>>) src(%dma_wait3A_256 : memref<1015808x64xf32, #tpu.memory_space<hbm>>) dst(%arg6 : memref<128x64xf32, #tpu.memory_space<vmem>>)
    %add3A_257 = arith.constant 1536 : i32
    %add3A_258 = arith.addi %multiple_of3A, %add3A_257 : i32
    %dma_start3A_259 = arith.constant 0 : i32
    %dma_start3A_260 = tpu.memref_slice %arg4[%add3A_258, %dma_start3A_259] : memref<204800x64xf32, #tpu.memory_space<hbm>> -> memref<128x64xf32, #tpu.memory_space<hbm>>
    %dma_start3A_261 = arith.constant 0 : i32
    %dma_start3A_262 = tpu.memref_slice %arg4[%add3A_258, %dma_start3A_261] : memref<204800x64xf32, #tpu.memory_space<hbm>> -> memref<128x64xf32, #tpu.memory_space<hbm>>
    tpu.enqueue_dma source(%arg6 : memref<128x64xf32, #tpu.memory_space<vmem>>) target(%dma_start3A_262 : memref<128x64xf32, #tpu.memory_space<hbm>>) target_semaphore(%arg14 : memref<!tpu.dma_semaphore, #tpu.memory_space<semaphore_mem>>)
    %dma_wait3A_263 = arith.constant 0 : i32
    %dma_wait3A_264 = tpu.memref_slice %arg4[%add3A_238, %dma_wait3A_263] : memref<204800x64xf32, #tpu.memory_space<hbm>> -> memref<128x64xf32, #tpu.memory_space<hbm>>
    %dma_wait3A_265 = arith.constant 0 : i32
    %dma_wait3A_266 = tpu.memref_slice %arg4[%add3A_238, %dma_wait3A_265] : memref<204800x64xf32, #tpu.memory_space<hbm>> -> memref<128x64xf32, #tpu.memory_space<hbm>>
    tpu.wait_dma2 semaphore(%arg17 : memref<!tpu.dma_semaphore, #tpu.memory_space<semaphore_mem>>) src(%arg9 : memref<128x64xf32, #tpu.memory_space<vmem>>) dst(%dma_wait3A_266 : memref<128x64xf32, #tpu.memory_space<hbm>>)
    %dma_start3A_267 = arith.constant 1920 : i32
    %dma_start3A_268 = tpu.memref_slice %arg5[%dma_start3A_267] : memref<6400xi32, #tpu.memory_space<vmem>> -> memref<128xi32, #tpu.memory_space<vmem>>
    %dma_start3A_269 = arith.constant 0 : i32
    %dma_start3A_270 = arith.constant 0 : i32
    %dma_start3A_271 = tpu.memref_slice %arg2[%dma_start3A_269, %dma_start3A_270] : memref<1015808x64xf32, #tpu.memory_space<hbm>> -> memref<1015808x64xf32, #tpu.memory_space<hbm>>
    tpu.enqueue_indirect_dma source(%dma_start3A_271 : memref<1015808x64xf32, #tpu.memory_space<hbm>>) target(%arg9 : memref<128x64xf32, #tpu.memory_space<vmem>>) offsets(%dma_start3A_268 : memref<128xi32, #tpu.memory_space<vmem>>) semaphore(%arg13 : memref<!tpu.dma_semaphore, #tpu.memory_space<semaphore_mem>>)
    %dma_wait3A_272 = arith.constant 1664 : i32
    %dma_wait3A_273 = tpu.memref_slice %arg5[%dma_wait3A_272] : memref<6400xi32, #tpu.memory_space<vmem>> -> memref<128xi32, #tpu.memory_space<vmem>>
    %dma_wait3A_274 = arith.constant 0 : i32
    %dma_wait3A_275 = arith.constant 0 : i32
    %dma_wait3A_276 = tpu.memref_slice %arg2[%dma_wait3A_274, %dma_wait3A_275] : memref<1015808x64xf32, #tpu.memory_space<hbm>> -> memref<1015808x64xf32, #tpu.memory_space<hbm>>
    tpu.wait_indirect_dma semaphore(%arg11 : memref<!tpu.dma_semaphore, #tpu.memory_space<semaphore_mem>>) src(%dma_wait3A_276 : memref<1015808x64xf32, #tpu.memory_space<hbm>>) dst(%arg7 : memref<128x64xf32, #tpu.memory_space<vmem>>)
    %add3A_277 = arith.constant 1664 : i32
    %add3A_278 = arith.addi %multiple_of3A, %add3A_277 : i32
    %dma_start3A_279 = arith.constant 0 : i32
    %dma_start3A_280 = tpu.memref_slice %arg4[%add3A_278, %dma_start3A_279] : memref<204800x64xf32, #tpu.memory_space<hbm>> -> memref<128x64xf32, #tpu.memory_space<hbm>>
    %dma_start3A_281 = arith.constant 0 : i32
    %dma_start3A_282 = tpu.memref_slice %arg4[%add3A_278, %dma_start3A_281] : memref<204800x64xf32, #tpu.memory_space<hbm>> -> memref<128x64xf32, #tpu.memory_space<hbm>>
    tpu.enqueue_dma source(%arg7 : memref<128x64xf32, #tpu.memory_space<vmem>>) target(%dma_start3A_282 : memref<128x64xf32, #tpu.memory_space<hbm>>) target_semaphore(%arg15 : memref<!tpu.dma_semaphore, #tpu.memory_space<semaphore_mem>>)
    %dma_wait3A_283 = arith.constant 0 : i32
    %dma_wait3A_284 = tpu.memref_slice %arg4[%add3A_258, %dma_wait3A_283] : memref<204800x64xf32, #tpu.memory_space<hbm>> -> memref<128x64xf32, #tpu.memory_space<hbm>>
    %dma_wait3A_285 = arith.constant 0 : i32
    %dma_wait3A_286 = tpu.memref_slice %arg4[%add3A_258, %dma_wait3A_285] : memref<204800x64xf32, #tpu.memory_space<hbm>> -> memref<128x64xf32, #tpu.memory_space<hbm>>
    tpu.wait_dma2 semaphore(%arg14 : memref<!tpu.dma_semaphore, #tpu.memory_space<semaphore_mem>>) src(%arg6 : memref<128x64xf32, #tpu.memory_space<vmem>>) dst(%dma_wait3A_286 : memref<128x64xf32, #tpu.memory_space<hbm>>)
    %dma_start3A_287 = arith.constant 2048 : i32
    %dma_start3A_288 = tpu.memref_slice %arg5[%dma_start3A_287] : memref<6400xi32, #tpu.memory_space<vmem>> -> memref<128xi32, #tpu.memory_space<vmem>>
    %dma_start3A_289 = arith.constant 0 : i32
    %dma_start3A_290 = arith.constant 0 : i32
    %dma_start3A_291 = tpu.memref_slice %arg2[%dma_start3A_289, %dma_start3A_290] : memref<1015808x64xf32, #tpu.memory_space<hbm>> -> memref<1015808x64xf32, #tpu.memory_space<hbm>>
    tpu.enqueue_indirect_dma source(%dma_start3A_291 : memref<1015808x64xf32, #tpu.memory_space<hbm>>) target(%arg6 : memref<128x64xf32, #tpu.memory_space<vmem>>) offsets(%dma_start3A_288 : memref<128xi32, #tpu.memory_space<vmem>>) semaphore(%arg10 : memref<!tpu.dma_semaphore, #tpu.memory_space<semaphore_mem>>)
    %dma_wait3A_292 = arith.constant 1792 : i32
    %dma_wait3A_293 = tpu.memref_slice %arg5[%dma_wait3A_292] : memref<6400xi32, #tpu.memory_space<vmem>> -> memref<128xi32, #tpu.memory_space<vmem>>
    %dma_wait3A_294 = arith.constant 0 : i32
    %dma_wait3A_295 = arith.constant 0 : i32
    %dma_wait3A_296 = tpu.memref_slice %arg2[%dma_wait3A_294, %dma_wait3A_295] : memref<1015808x64xf32, #tpu.memory_space<hbm>> -> memref<1015808x64xf32, #tpu.memory_space<hbm>>
    tpu.wait_indirect_dma semaphore(%arg12 : memref<!tpu.dma_semaphore, #tpu.memory_space<semaphore_mem>>) src(%dma_wait3A_296 : memref<1015808x64xf32, #tpu.memory_space<hbm>>) dst(%arg8 : memref<128x64xf32, #tpu.memory_space<vmem>>)
    %add3A_297 = arith.constant 1792 : i32
    %add3A_298 = arith.addi %multiple_of3A, %add3A_297 : i32
    %dma_start3A_299 = arith.constant 0 : i32
    %dma_start3A_300 = tpu.memref_slice %arg4[%add3A_298, %dma_start3A_299] : memref<204800x64xf32, #tpu.memory_space<hbm>> -> memref<128x64xf32, #tpu.memory_space<hbm>>
    %dma_start3A_301 = arith.constant 0 : i32
    %dma_start3A_302 = tpu.memref_slice %arg4[%add3A_298, %dma_start3A_301] : memref<204800x64xf32, #tpu.memory_space<hbm>> -> memref<128x64xf32, #tpu.memory_space<hbm>>
    tpu.enqueue_dma source(%arg8 : memref<128x64xf32, #tpu.memory_space<vmem>>) target(%dma_start3A_302 : memref<128x64xf32, #tpu.memory_space<hbm>>) target_semaphore(%arg16 : memref<!tpu.dma_semaphore, #tpu.memory_space<semaphore_mem>>)
    %dma_wait3A_303 = arith.constant 0 : i32
    %dma_wait3A_304 = tpu.memref_slice %arg4[%add3A_278, %dma_wait3A_303] : memref<204800x64xf32, #tpu.memory_space<hbm>> -> memref<128x64xf32, #tpu.memory_space<hbm>>
    %dma_wait3A_305 = arith.constant 0 : i32
    %dma_wait3A_306 = tpu.memref_slice %arg4[%add3A_278, %dma_wait3A_305] : memref<204800x64xf32, #tpu.memory_space<hbm>> -> memref<128x64xf32, #tpu.memory_space<hbm>>
    tpu.wait_dma2 semaphore(%arg15 : memref<!tpu.dma_semaphore, #tpu.memory_space<semaphore_mem>>) src(%arg7 : memref<128x64xf32, #tpu.memory_space<vmem>>) dst(%dma_wait3A_306 : memref<128x64xf32, #tpu.memory_space<hbm>>)
    %dma_start3A_307 = arith.constant 2176 : i32
    %dma_start3A_308 = tpu.memref_slice %arg5[%dma_start3A_307] : memref<6400xi32, #tpu.memory_space<vmem>> -> memref<128xi32, #tpu.memory_space<vmem>>
    %dma_start3A_309 = arith.constant 0 : i32
    %dma_start3A_310 = arith.constant 0 : i32
    %dma_start3A_311 = tpu.memref_slice %arg2[%dma_start3A_309, %dma_start3A_310] : memref<1015808x64xf32, #tpu.memory_space<hbm>> -> memref<1015808x64xf32, #tpu.memory_space<hbm>>
    tpu.enqueue_indirect_dma source(%dma_start3A_311 : memref<1015808x64xf32, #tpu.memory_space<hbm>>) target(%arg7 : memref<128x64xf32, #tpu.memory_space<vmem>>) offsets(%dma_start3A_308 : memref<128xi32, #tpu.memory_space<vmem>>) semaphore(%arg11 : memref<!tpu.dma_semaphore, #tpu.memory_space<semaphore_mem>>)
    %dma_wait3A_312 = arith.constant 1920 : i32
    %dma_wait3A_313 = tpu.memref_slice %arg5[%dma_wait3A_312] : memref<6400xi32, #tpu.memory_space<vmem>> -> memref<128xi32, #tpu.memory_space<vmem>>
    %dma_wait3A_314 = arith.constant 0 : i32
    %dma_wait3A_315 = arith.constant 0 : i32
    %dma_wait3A_316 = tpu.memref_slice %arg2[%dma_wait3A_314, %dma_wait3A_315] : memref<1015808x64xf32, #tpu.memory_space<hbm>> -> memref<1015808x64xf32, #tpu.memory_space<hbm>>
    tpu.wait_indirect_dma semaphore(%arg13 : memref<!tpu.dma_semaphore, #tpu.memory_space<semaphore_mem>>) src(%dma_wait3A_316 : memref<1015808x64xf32, #tpu.memory_space<hbm>>) dst(%arg9 : memref<128x64xf32, #tpu.memory_space<vmem>>)
    %add3A_317 = arith.constant 1920 : i32
    %add3A_318 = arith.addi %multiple_of3A, %add3A_317 : i32
    %dma_start3A_319 = arith.constant 0 : i32
    %dma_start3A_320 = tpu.memref_slice %arg4[%add3A_318, %dma_start3A_319] : memref<204800x64xf32, #tpu.memory_space<hbm>> -> memref<128x64xf32, #tpu.memory_space<hbm>>
    %dma_start3A_321 = arith.constant 0 : i32
    %dma_start3A_322 = tpu.memref_slice %arg4[%add3A_318, %dma_start3A_321] : memref<204800x64xf32, #tpu.memory_space<hbm>> -> memref<128x64xf32, #tpu.memory_space<hbm>>
    tpu.enqueue_dma source(%arg9 : memref<128x64xf32, #tpu.memory_space<vmem>>) target(%dma_start3A_322 : memref<128x64xf32, #tpu.memory_space<hbm>>) target_semaphore(%arg17 : memref<!tpu.dma_semaphore, #tpu.memory_space<semaphore_mem>>)
    %dma_wait3A_323 = arith.constant 0 : i32
    %dma_wait3A_324 = tpu.memref_slice %arg4[%add3A_298, %dma_wait3A_323] : memref<204800x64xf32, #tpu.memory_space<hbm>> -> memref<128x64xf32, #tpu.memory_space<hbm>>
    %dma_wait3A_325 = arith.constant 0 : i32
    %dma_wait3A_326 = tpu.memref_slice %arg4[%add3A_298, %dma_wait3A_325] : memref<204800x64xf32, #tpu.memory_space<hbm>> -> memref<128x64xf32, #tpu.memory_space<hbm>>
    tpu.wait_dma2 semaphore(%arg16 : memref<!tpu.dma_semaphore, #tpu.memory_space<semaphore_mem>>) src(%arg8 : memref<128x64xf32, #tpu.memory_space<vmem>>) dst(%dma_wait3A_326 : memref<128x64xf32, #tpu.memory_space<hbm>>)
    %dma_start3A_327 = arith.constant 2304 : i32
    %dma_start3A_328 = tpu.memref_slice %arg5[%dma_start3A_327] : memref<6400xi32, #tpu.memory_space<vmem>> -> memref<128xi32, #tpu.memory_space<vmem>>
    %dma_start3A_329 = arith.constant 0 : i32
    %dma_start3A_330 = arith.constant 0 : i32
    %dma_start3A_331 = tpu.memref_slice %arg2[%dma_start3A_329, %dma_start3A_330] : memref<1015808x64xf32, #tpu.memory_space<hbm>> -> memref<1015808x64xf32, #tpu.memory_space<hbm>>
    tpu.enqueue_indirect_dma source(%dma_start3A_331 : memref<1015808x64xf32, #tpu.memory_space<hbm>>) target(%arg8 : memref<128x64xf32, #tpu.memory_space<vmem>>) offsets(%dma_start3A_328 : memref<128xi32, #tpu.memory_space<vmem>>) semaphore(%arg12 : memref<!tpu.dma_semaphore, #tpu.memory_space<semaphore_mem>>)
    %dma_wait3A_332 = arith.constant 2048 : i32
    %dma_wait3A_333 = tpu.memref_slice %arg5[%dma_wait3A_332] : memref<6400xi32, #tpu.memory_space<vmem>> -> memref<128xi32, #tpu.memory_space<vmem>>
    %dma_wait3A_334 = arith.constant 0 : i32
    %dma_wait3A_335 = arith.constant 0 : i32
    %dma_wait3A_336 = tpu.memref_slice %arg2[%dma_wait3A_334, %dma_wait3A_335] : memref<1015808x64xf32, #tpu.memory_space<hbm>> -> memref<1015808x64xf32, #tpu.memory_space<hbm>>
    tpu.wait_indirect_dma semaphore(%arg10 : memref<!tpu.dma_semaphore, #tpu.memory_space<semaphore_mem>>) src(%dma_wait3A_336 : memref<1015808x64xf32, #tpu.memory_space<hbm>>) dst(%arg6 : memref<128x64xf32, #tpu.memory_space<vmem>>)
    %add3A_337 = arith.constant 2048 : i32
    %add3A_338 = arith.addi %multiple_of3A, %add3A_337 : i32
    %dma_start3A_339 = arith.constant 0 : i32
    %dma_start3A_340 = tpu.memref_slice %arg4[%add3A_338, %dma_start3A_339] : memref<204800x64xf32, #tpu.memory_space<hbm>> -> memref<128x64xf32, #tpu.memory_space<hbm>>
    %dma_start3A_341 = arith.constant 0 : i32
    %dma_start3A_342 = tpu.memref_slice %arg4[%add3A_338, %dma_start3A_341] : memref<204800x64xf32, #tpu.memory_space<hbm>> -> memref<128x64xf32, #tpu.memory_space<hbm>>
    tpu.enqueue_dma source(%arg6 : memref<128x64xf32, #tpu.memory_space<vmem>>) target(%dma_start3A_342 : memref<128x64xf32, #tpu.memory_space<hbm>>) target_semaphore(%arg14 : memref<!tpu.dma_semaphore, #tpu.memory_space<semaphore_mem>>)
    %dma_wait3A_343 = arith.constant 0 : i32
    %dma_wait3A_344 = tpu.memref_slice %arg4[%add3A_318, %dma_wait3A_343] : memref<204800x64xf32, #tpu.memory_space<hbm>> -> memref<128x64xf32, #tpu.memory_space<hbm>>
    %dma_wait3A_345 = arith.constant 0 : i32
    %dma_wait3A_346 = tpu.memref_slice %arg4[%add3A_318, %dma_wait3A_345] : memref<204800x64xf32, #tpu.memory_space<hbm>> -> memref<128x64xf32, #tpu.memory_space<hbm>>
    tpu.wait_dma2 semaphore(%arg17 : memref<!tpu.dma_semaphore, #tpu.memory_space<semaphore_mem>>) src(%arg9 : memref<128x64xf32, #tpu.memory_space<vmem>>) dst(%dma_wait3A_346 : memref<128x64xf32, #tpu.memory_space<hbm>>)
    %dma_start3A_347 = arith.constant 2432 : i32
    %dma_start3A_348 = tpu.memref_slice %arg5[%dma_start3A_347] : memref<6400xi32, #tpu.memory_space<vmem>> -> memref<128xi32, #tpu.memory_space<vmem>>
    %dma_start3A_349 = arith.constant 0 : i32
    %dma_start3A_350 = arith.constant 0 : i32
    %dma_start3A_351 = tpu.memref_slice %arg2[%dma_start3A_349, %dma_start3A_350] : memref<1015808x64xf32, #tpu.memory_space<hbm>> -> memref<1015808x64xf32, #tpu.memory_space<hbm>>
    tpu.enqueue_indirect_dma source(%dma_start3A_351 : memref<1015808x64xf32, #tpu.memory_space<hbm>>) target(%arg9 : memref<128x64xf32, #tpu.memory_space<vmem>>) offsets(%dma_start3A_348 : memref<128xi32, #tpu.memory_space<vmem>>) semaphore(%arg13 : memref<!tpu.dma_semaphore, #tpu.memory_space<semaphore_mem>>)
    %dma_wait3A_352 = arith.constant 2176 : i32
    %dma_wait3A_353 = tpu.memref_slice %arg5[%dma_wait3A_352] : memref<6400xi32, #tpu.memory_space<vmem>> -> memref<128xi32, #tpu.memory_space<vmem>>
    %dma_wait3A_354 = arith.constant 0 : i32
    %dma_wait3A_355 = arith.constant 0 : i32
    %dma_wait3A_356 = tpu.memref_slice %arg2[%dma_wait3A_354, %dma_wait3A_355] : memref<1015808x64xf32, #tpu.memory_space<hbm>> -> memref<1015808x64xf32, #tpu.memory_space<hbm>>
    tpu.wait_indirect_dma semaphore(%arg11 : memref<!tpu.dma_semaphore, #tpu.memory_space<semaphore_mem>>) src(%dma_wait3A_356 : memref<1015808x64xf32, #tpu.memory_space<hbm>>) dst(%arg7 : memref<128x64xf32, #tpu.memory_space<vmem>>)
    %add3A_357 = arith.constant 2176 : i32
    %add3A_358 = arith.addi %multiple_of3A, %add3A_357 : i32
    %dma_start3A_359 = arith.constant 0 : i32
    %dma_start3A_360 = tpu.memref_slice %arg4[%add3A_358, %dma_start3A_359] : memref<204800x64xf32, #tpu.memory_space<hbm>> -> memref<128x64xf32, #tpu.memory_space<hbm>>
    %dma_start3A_361 = arith.constant 0 : i32
    %dma_start3A_362 = tpu.memref_slice %arg4[%add3A_358, %dma_start3A_361] : memref<204800x64xf32, #tpu.memory_space<hbm>> -> memref<128x64xf32, #tpu.memory_space<hbm>>
    tpu.enqueue_dma source(%arg7 : memref<128x64xf32, #tpu.memory_space<vmem>>) target(%dma_start3A_362 : memref<128x64xf32, #tpu.memory_space<hbm>>) target_semaphore(%arg15 : memref<!tpu.dma_semaphore, #tpu.memory_space<semaphore_mem>>)
    %dma_wait3A_363 = arith.constant 0 : i32
    %dma_wait3A_364 = tpu.memref_slice %arg4[%add3A_338, %dma_wait3A_363] : memref<204800x64xf32, #tpu.memory_space<hbm>> -> memref<128x64xf32, #tpu.memory_space<hbm>>
    %dma_wait3A_365 = arith.constant 0 : i32
    %dma_wait3A_366 = tpu.memref_slice %arg4[%add3A_338, %dma_wait3A_365] : memref<204800x64xf32, #tpu.memory_space<hbm>> -> memref<128x64xf32, #tpu.memory_space<hbm>>
    tpu.wait_dma2 semaphore(%arg14 : memref<!tpu.dma_semaphore, #tpu.memory_space<semaphore_mem>>) src(%arg6 : memref<128x64xf32, #tpu.memory_space<vmem>>) dst(%dma_wait3A_366 : memref<128x64xf32, #tpu.memory_space<hbm>>)
    %dma_start3A_367 = arith.constant 2560 : i32
    %dma_start3A_368 = tpu.memref_slice %arg5[%dma_start3A_367] : memref<6400xi32, #tpu.memory_space<vmem>> -> memref<128xi32, #tpu.memory_space<vmem>>
    %dma_start3A_369 = arith.constant 0 : i32
    %dma_start3A_370 = arith.constant 0 : i32
    %dma_start3A_371 = tpu.memref_slice %arg2[%dma_start3A_369, %dma_start3A_370] : memref<1015808x64xf32, #tpu.memory_space<hbm>> -> memref<1015808x64xf32, #tpu.memory_space<hbm>>
    tpu.enqueue_indirect_dma source(%dma_start3A_371 : memref<1015808x64xf32, #tpu.memory_space<hbm>>) target(%arg6 : memref<128x64xf32, #tpu.memory_space<vmem>>) offsets(%dma_start3A_368 : memref<128xi32, #tpu.memory_space<vmem>>) semaphore(%arg10 : memref<!tpu.dma_semaphore, #tpu.memory_space<semaphore_mem>>)
    %dma_wait3A_372 = arith.constant 2304 : i32
    %dma_wait3A_373 = tpu.memref_slice %arg5[%dma_wait3A_372] : memref<6400xi32, #tpu.memory_space<vmem>> -> memref<128xi32, #tpu.memory_space<vmem>>
    %dma_wait3A_374 = arith.constant 0 : i32
    %dma_wait3A_375 = arith.constant 0 : i32
    %dma_wait3A_376 = tpu.memref_slice %arg2[%dma_wait3A_374, %dma_wait3A_375] : memref<1015808x64xf32, #tpu.memory_space<hbm>> -> memref<1015808x64xf32, #tpu.memory_space<hbm>>
    tpu.wait_indirect_dma semaphore(%arg12 : memref<!tpu.dma_semaphore, #tpu.memory_space<semaphore_mem>>) src(%dma_wait3A_376 : memref<1015808x64xf32, #tpu.memory_space<hbm>>) dst(%arg8 : memref<128x64xf32, #tpu.memory_space<vmem>>)
    %add3A_377 = arith.constant 2304 : i32
    %add3A_378 = arith.addi %multiple_of3A, %add3A_377 : i32
    %dma_start3A_379 = arith.constant 0 : i32
    %dma_start3A_380 = tpu.memref_slice %arg4[%add3A_378, %dma_start3A_379] : memref<204800x64xf32, #tpu.memory_space<hbm>> -> memref<128x64xf32, #tpu.memory_space<hbm>>
    %dma_start3A_381 = arith.constant 0 : i32
    %dma_start3A_382 = tpu.memref_slice %arg4[%add3A_378, %dma_start3A_381] : memref<204800x64xf32, #tpu.memory_space<hbm>> -> memref<128x64xf32, #tpu.memory_space<hbm>>
    tpu.enqueue_dma source(%arg8 : memref<128x64xf32, #tpu.memory_space<vmem>>) target(%dma_start3A_382 : memref<128x64xf32, #tpu.memory_space<hbm>>) target_semaphore(%arg16 : memref<!tpu.dma_semaphore, #tpu.memory_space<semaphore_mem>>)
    %dma_wait3A_383 = arith.constant 0 : i32
    %dma_wait3A_384 = tpu.memref_slice %arg4[%add3A_358, %dma_wait3A_383] : memref<204800x64xf32, #tpu.memory_space<hbm>> -> memref<128x64xf32, #tpu.memory_space<hbm>>
    %dma_wait3A_385 = arith.constant 0 : i32
    %dma_wait3A_386 = tpu.memref_slice %arg4[%add3A_358, %dma_wait3A_385] : memref<204800x64xf32, #tpu.memory_space<hbm>> -> memref<128x64xf32, #tpu.memory_space<hbm>>
    tpu.wait_dma2 semaphore(%arg15 : memref<!tpu.dma_semaphore, #tpu.memory_space<semaphore_mem>>) src(%arg7 : memref<128x64xf32, #tpu.memory_space<vmem>>) dst(%dma_wait3A_386 : memref<128x64xf32, #tpu.memory_space<hbm>>)
    %dma_start3A_387 = arith.constant 2688 : i32
    %dma_start3A_388 = tpu.memref_slice %arg5[%dma_start3A_387] : memref<6400xi32, #tpu.memory_space<vmem>> -> memref<128xi32, #tpu.memory_space<vmem>>
    %dma_start3A_389 = arith.constant 0 : i32
    %dma_start3A_390 = arith.constant 0 : i32
    %dma_start3A_391 = tpu.memref_slice %arg2[%dma_start3A_389, %dma_start3A_390] : memref<1015808x64xf32, #tpu.memory_space<hbm>> -> memref<1015808x64xf32, #tpu.memory_space<hbm>>
    tpu.enqueue_indirect_dma source(%dma_start3A_391 : memref<1015808x64xf32, #tpu.memory_space<hbm>>) target(%arg7 : memref<128x64xf32, #tpu.memory_space<vmem>>) offsets(%dma_start3A_388 : memref<128xi32, #tpu.memory_space<vmem>>) semaphore(%arg11 : memref<!tpu.dma_semaphore, #tpu.memory_space<semaphore_mem>>)
    %dma_wait3A_392 = arith.constant 2432 : i32
    %dma_wait3A_393 = tpu.memref_slice %arg5[%dma_wait3A_392] : memref<6400xi32, #tpu.memory_space<vmem>> -> memref<128xi32, #tpu.memory_space<vmem>>
    %dma_wait3A_394 = arith.constant 0 : i32
    %dma_wait3A_395 = arith.constant 0 : i32
    %dma_wait3A_396 = tpu.memref_slice %arg2[%dma_wait3A_394, %dma_wait3A_395] : memref<1015808x64xf32, #tpu.memory_space<hbm>> -> memref<1015808x64xf32, #tpu.memory_space<hbm>>
    tpu.wait_indirect_dma semaphore(%arg13 : memref<!tpu.dma_semaphore, #tpu.memory_space<semaphore_mem>>) src(%dma_wait3A_396 : memref<1015808x64xf32, #tpu.memory_space<hbm>>) dst(%arg9 : memref<128x64xf32, #tpu.memory_space<vmem>>)
    %add3A_397 = arith.constant 2432 : i32
    %add3A_398 = arith.addi %multiple_of3A, %add3A_397 : i32
    %dma_start3A_399 = arith.constant 0 : i32
    %dma_start3A_400 = tpu.memref_slice %arg4[%add3A_398, %dma_start3A_399] : memref<204800x64xf32, #tpu.memory_space<hbm>> -> memref<128x64xf32, #tpu.memory_space<hbm>>
    %dma_start3A_401 = arith.constant 0 : i32
    %dma_start3A_402 = tpu.memref_slice %arg4[%add3A_398, %dma_start3A_401] : memref<204800x64xf32, #tpu.memory_space<hbm>> -> memref<128x64xf32, #tpu.memory_space<hbm>>
    tpu.enqueue_dma source(%arg9 : memref<128x64xf32, #tpu.memory_space<vmem>>) target(%dma_start3A_402 : memref<128x64xf32, #tpu.memory_space<hbm>>) target_semaphore(%arg17 : memref<!tpu.dma_semaphore, #tpu.memory_space<semaphore_mem>>)
    %dma_wait3A_403 = arith.constant 0 : i32
    %dma_wait3A_404 = tpu.memref_slice %arg4[%add3A_378, %dma_wait3A_403] : memref<204800x64xf32, #tpu.memory_space<hbm>> -> memref<128x64xf32, #tpu.memory_space<hbm>>
    %dma_wait3A_405 = arith.constant 0 : i32
    %dma_wait3A_406 = tpu.memref_slice %arg4[%add3A_378, %dma_wait3A_405] : memref<204800x64xf32, #tpu.memory_space<hbm>> -> memref<128x64xf32, #tpu.memory_space<hbm>>
    tpu.wait_dma2 semaphore(%arg16 : memref<!tpu.dma_semaphore, #tpu.memory_space<semaphore_mem>>) src(%arg8 : memref<128x64xf32, #tpu.memory_space<vmem>>) dst(%dma_wait3A_406 : memref<128x64xf32, #tpu.memory_space<hbm>>)
    %dma_start3A_407 = arith.constant 2816 : i32
    %dma_start3A_408 = tpu.memref_slice %arg5[%dma_start3A_407] : memref<6400xi32, #tpu.memory_space<vmem>> -> memref<128xi32, #tpu.memory_space<vmem>>
    %dma_start3A_409 = arith.constant 0 : i32
    %dma_start3A_410 = arith.constant 0 : i32
    %dma_start3A_411 = tpu.memref_slice %arg2[%dma_start3A_409, %dma_start3A_410] : memref<1015808x64xf32, #tpu.memory_space<hbm>> -> memref<1015808x64xf32, #tpu.memory_space<hbm>>
    tpu.enqueue_indirect_dma source(%dma_start3A_411 : memref<1015808x64xf32, #tpu.memory_space<hbm>>) target(%arg8 : memref<128x64xf32, #tpu.memory_space<vmem>>) offsets(%dma_start3A_408 : memref<128xi32, #tpu.memory_space<vmem>>) semaphore(%arg12 : memref<!tpu.dma_semaphore, #tpu.memory_space<semaphore_mem>>)
    %dma_wait3A_412 = arith.constant 2560 : i32
    %dma_wait3A_413 = tpu.memref_slice %arg5[%dma_wait3A_412] : memref<6400xi32, #tpu.memory_space<vmem>> -> memref<128xi32, #tpu.memory_space<vmem>>
    %dma_wait3A_414 = arith.constant 0 : i32
    %dma_wait3A_415 = arith.constant 0 : i32
    %dma_wait3A_416 = tpu.memref_slice %arg2[%dma_wait3A_414, %dma_wait3A_415] : memref<1015808x64xf32, #tpu.memory_space<hbm>> -> memref<1015808x64xf32, #tpu.memory_space<hbm>>
    tpu.wait_indirect_dma semaphore(%arg10 : memref<!tpu.dma_semaphore, #tpu.memory_space<semaphore_mem>>) src(%dma_wait3A_416 : memref<1015808x64xf32, #tpu.memory_space<hbm>>) dst(%arg6 : memref<128x64xf32, #tpu.memory_space<vmem>>)
    %add3A_417 = arith.constant 2560 : i32
    %add3A_418 = arith.addi %multiple_of3A, %add3A_417 : i32
    %dma_start3A_419 = arith.constant 0 : i32
    %dma_start3A_420 = tpu.memref_slice %arg4[%add3A_418, %dma_start3A_419] : memref<204800x64xf32, #tpu.memory_space<hbm>> -> memref<128x64xf32, #tpu.memory_space<hbm>>
    %dma_start3A_421 = arith.constant 0 : i32
    %dma_start3A_422 = tpu.memref_slice %arg4[%add3A_418, %dma_start3A_421] : memref<204800x64xf32, #tpu.memory_space<hbm>> -> memref<128x64xf32, #tpu.memory_space<hbm>>
    tpu.enqueue_dma source(%arg6 : memref<128x64xf32, #tpu.memory_space<vmem>>) target(%dma_start3A_422 : memref<128x64xf32, #tpu.memory_space<hbm>>) target_semaphore(%arg14 : memref<!tpu.dma_semaphore, #tpu.memory_space<semaphore_mem>>)
    %dma_wait3A_423 = arith.constant 0 : i32
    %dma_wait3A_424 = tpu.memref_slice %arg4[%add3A_398, %dma_wait3A_423] : memref<204800x64xf32, #tpu.memory_space<hbm>> -> memref<128x64xf32, #tpu.memory_space<hbm>>
    %dma_wait3A_425 = arith.constant 0 : i32
    %dma_wait3A_426 = tpu.memref_slice %arg4[%add3A_398, %dma_wait3A_425] : memref<204800x64xf32, #tpu.memory_space<hbm>> -> memref<128x64xf32, #tpu.memory_space<hbm>>
    tpu.wait_dma2 semaphore(%arg17 : memref<!tpu.dma_semaphore, #tpu.memory_space<semaphore_mem>>) src(%arg9 : memref<128x64xf32, #tpu.memory_space<vmem>>) dst(%dma_wait3A_426 : memref<128x64xf32, #tpu.memory_space<hbm>>)
    %dma_start3A_427 = arith.constant 2944 : i32
    %dma_start3A_428 = tpu.memref_slice %arg5[%dma_start3A_427] : memref<6400xi32, #tpu.memory_space<vmem>> -> memref<128xi32, #tpu.memory_space<vmem>>
    %dma_start3A_429 = arith.constant 0 : i32
    %dma_start3A_430 = arith.constant 0 : i32
    %dma_start3A_431 = tpu.memref_slice %arg2[%dma_start3A_429, %dma_start3A_430] : memref<1015808x64xf32, #tpu.memory_space<hbm>> -> memref<1015808x64xf32, #tpu.memory_space<hbm>>
    tpu.enqueue_indirect_dma source(%dma_start3A_431 : memref<1015808x64xf32, #tpu.memory_space<hbm>>) target(%arg9 : memref<128x64xf32, #tpu.memory_space<vmem>>) offsets(%dma_start3A_428 : memref<128xi32, #tpu.memory_space<vmem>>) semaphore(%arg13 : memref<!tpu.dma_semaphore, #tpu.memory_space<semaphore_mem>>)
    %dma_wait3A_432 = arith.constant 2688 : i32
    %dma_wait3A_433 = tpu.memref_slice %arg5[%dma_wait3A_432] : memref<6400xi32, #tpu.memory_space<vmem>> -> memref<128xi32, #tpu.memory_space<vmem>>
    %dma_wait3A_434 = arith.constant 0 : i32
    %dma_wait3A_435 = arith.constant 0 : i32
    %dma_wait3A_436 = tpu.memref_slice %arg2[%dma_wait3A_434, %dma_wait3A_435] : memref<1015808x64xf32, #tpu.memory_space<hbm>> -> memref<1015808x64xf32, #tpu.memory_space<hbm>>
    tpu.wait_indirect_dma semaphore(%arg11 : memref<!tpu.dma_semaphore, #tpu.memory_space<semaphore_mem>>) src(%dma_wait3A_436 : memref<1015808x64xf32, #tpu.memory_space<hbm>>) dst(%arg7 : memref<128x64xf32, #tpu.memory_space<vmem>>)
    %add3A_437 = arith.constant 2688 : i32
    %add3A_438 = arith.addi %multiple_of3A, %add3A_437 : i32
    %dma_start3A_439 = arith.constant 0 : i32
    %dma_start3A_440 = tpu.memref_slice %arg4[%add3A_438, %dma_start3A_439] : memref<204800x64xf32, #tpu.memory_space<hbm>> -> memref<128x64xf32, #tpu.memory_space<hbm>>
    %dma_start3A_441 = arith.constant 0 : i32
    %dma_start3A_442 = tpu.memref_slice %arg4[%add3A_438, %dma_start3A_441] : memref<204800x64xf32, #tpu.memory_space<hbm>> -> memref<128x64xf32, #tpu.memory_space<hbm>>
    tpu.enqueue_dma source(%arg7 : memref<128x64xf32, #tpu.memory_space<vmem>>) target(%dma_start3A_442 : memref<128x64xf32, #tpu.memory_space<hbm>>) target_semaphore(%arg15 : memref<!tpu.dma_semaphore, #tpu.memory_space<semaphore_mem>>)
    %dma_wait3A_443 = arith.constant 0 : i32
    %dma_wait3A_444 = tpu.memref_slice %arg4[%add3A_418, %dma_wait3A_443] : memref<204800x64xf32, #tpu.memory_space<hbm>> -> memref<128x64xf32, #tpu.memory_space<hbm>>
    %dma_wait3A_445 = arith.constant 0 : i32
    %dma_wait3A_446 = tpu.memref_slice %arg4[%add3A_418, %dma_wait3A_445] : memref<204800x64xf32, #tpu.memory_space<hbm>> -> memref<128x64xf32, #tpu.memory_space<hbm>>
    tpu.wait_dma2 semaphore(%arg14 : memref<!tpu.dma_semaphore, #tpu.memory_space<semaphore_mem>>) src(%arg6 : memref<128x64xf32, #tpu.memory_space<vmem>>) dst(%dma_wait3A_446 : memref<128x64xf32, #tpu.memory_space<hbm>>)
    %dma_start3A_447 = arith.constant 3072 : i32
    %dma_start3A_448 = tpu.memref_slice %arg5[%dma_start3A_447] : memref<6400xi32, #tpu.memory_space<vmem>> -> memref<128xi32, #tpu.memory_space<vmem>>
    %dma_start3A_449 = arith.constant 0 : i32
    %dma_start3A_450 = arith.constant 0 : i32
    %dma_start3A_451 = tpu.memref_slice %arg2[%dma_start3A_449, %dma_start3A_450] : memref<1015808x64xf32, #tpu.memory_space<hbm>> -> memref<1015808x64xf32, #tpu.memory_space<hbm>>
    tpu.enqueue_indirect_dma source(%dma_start3A_451 : memref<1015808x64xf32, #tpu.memory_space<hbm>>) target(%arg6 : memref<128x64xf32, #tpu.memory_space<vmem>>) offsets(%dma_start3A_448 : memref<128xi32, #tpu.memory_space<vmem>>) semaphore(%arg10 : memref<!tpu.dma_semaphore, #tpu.memory_space<semaphore_mem>>)
    %dma_wait3A_452 = arith.constant 2816 : i32
    %dma_wait3A_453 = tpu.memref_slice %arg5[%dma_wait3A_452] : memref<6400xi32, #tpu.memory_space<vmem>> -> memref<128xi32, #tpu.memory_space<vmem>>
    %dma_wait3A_454 = arith.constant 0 : i32
    %dma_wait3A_455 = arith.constant 0 : i32
    %dma_wait3A_456 = tpu.memref_slice %arg2[%dma_wait3A_454, %dma_wait3A_455] : memref<1015808x64xf32, #tpu.memory_space<hbm>> -> memref<1015808x64xf32, #tpu.memory_space<hbm>>
    tpu.wait_indirect_dma semaphore(%arg12 : memref<!tpu.dma_semaphore, #tpu.memory_space<semaphore_mem>>) src(%dma_wait3A_456 : memref<1015808x64xf32, #tpu.memory_space<hbm>>) dst(%arg8 : memref<128x64xf32, #tpu.memory_space<vmem>>)
    %add3A_457 = arith.constant 2816 : i32
    %add3A_458 = arith.addi %multiple_of3A, %add3A_457 : i32
    %dma_start3A_459 = arith.constant 0 : i32
    %dma_start3A_460 = tpu.memref_slice %arg4[%add3A_458, %dma_start3A_459] : memref<204800x64xf32, #tpu.memory_space<hbm>> -> memref<128x64xf32, #tpu.memory_space<hbm>>
    %dma_start3A_461 = arith.constant 0 : i32
    %dma_start3A_462 = tpu.memref_slice %arg4[%add3A_458, %dma_start3A_461] : memref<204800x64xf32, #tpu.memory_space<hbm>> -> memref<128x64xf32, #tpu.memory_space<hbm>>
    tpu.enqueue_dma source(%arg8 : memref<128x64xf32, #tpu.memory_space<vmem>>) target(%dma_start3A_462 : memref<128x64xf32, #tpu.memory_space<hbm>>) target_semaphore(%arg16 : memref<!tpu.dma_semaphore, #tpu.memory_space<semaphore_mem>>)
    %dma_wait3A_463 = arith.constant 0 : i32
    %dma_wait3A_464 = tpu.memref_slice %arg4[%add3A_438, %dma_wait3A_463] : memref<204800x64xf32, #tpu.memory_space<hbm>> -> memref<128x64xf32, #tpu.memory_space<hbm>>
    %dma_wait3A_465 = arith.constant 0 : i32
    %dma_wait3A_466 = tpu.memref_slice %arg4[%add3A_438, %dma_wait3A_465] : memref<204800x64xf32, #tpu.memory_space<hbm>> -> memref<128x64xf32, #tpu.memory_space<hbm>>
    tpu.wait_dma2 semaphore(%arg15 : memref<!tpu.dma_semaphore, #tpu.memory_space<semaphore_mem>>) src(%arg7 : memref<128x64xf32, #tpu.memory_space<vmem>>) dst(%dma_wait3A_466 : memref<128x64xf32, #tpu.memory_space<hbm>>)
    %dma_start3A_467 = arith.constant 3200 : i32
    %dma_start3A_468 = tpu.memref_slice %arg5[%dma_start3A_467] : memref<6400xi32, #tpu.memory_space<vmem>> -> memref<128xi32, #tpu.memory_space<vmem>>
    %dma_start3A_469 = arith.constant 0 : i32
    %dma_start3A_470 = arith.constant 0 : i32
    %dma_start3A_471 = tpu.memref_slice %arg2[%dma_start3A_469, %dma_start3A_470] : memref<1015808x64xf32, #tpu.memory_space<hbm>> -> memref<1015808x64xf32, #tpu.memory_space<hbm>>
    tpu.enqueue_indirect_dma source(%dma_start3A_471 : memref<1015808x64xf32, #tpu.memory_space<hbm>>) target(%arg7 : memref<128x64xf32, #tpu.memory_space<vmem>>) offsets(%dma_start3A_468 : memref<128xi32, #tpu.memory_space<vmem>>) semaphore(%arg11 : memref<!tpu.dma_semaphore, #tpu.memory_space<semaphore_mem>>)
    %dma_wait3A_472 = arith.constant 2944 : i32
    %dma_wait3A_473 = tpu.memref_slice %arg5[%dma_wait3A_472] : memref<6400xi32, #tpu.memory_space<vmem>> -> memref<128xi32, #tpu.memory_space<vmem>>
    %dma_wait3A_474 = arith.constant 0 : i32
    %dma_wait3A_475 = arith.constant 0 : i32
    %dma_wait3A_476 = tpu.memref_slice %arg2[%dma_wait3A_474, %dma_wait3A_475] : memref<1015808x64xf32, #tpu.memory_space<hbm>> -> memref<1015808x64xf32, #tpu.memory_space<hbm>>
    tpu.wait_indirect_dma semaphore(%arg13 : memref<!tpu.dma_semaphore, #tpu.memory_space<semaphore_mem>>) src(%dma_wait3A_476 : memref<1015808x64xf32, #tpu.memory_space<hbm>>) dst(%arg9 : memref<128x64xf32, #tpu.memory_space<vmem>>)
    %add3A_477 = arith.constant 2944 : i32
    %add3A_478 = arith.addi %multiple_of3A, %add3A_477 : i32
    %dma_start3A_479 = arith.constant 0 : i32
    %dma_start3A_480 = tpu.memref_slice %arg4[%add3A_478, %dma_start3A_479] : memref<204800x64xf32, #tpu.memory_space<hbm>> -> memref<128x64xf32, #tpu.memory_space<hbm>>
    %dma_start3A_481 = arith.constant 0 : i32
    %dma_start3A_482 = tpu.memref_slice %arg4[%add3A_478, %dma_start3A_481] : memref<204800x64xf32, #tpu.memory_space<hbm>> -> memref<128x64xf32, #tpu.memory_space<hbm>>
    tpu.enqueue_dma source(%arg9 : memref<128x64xf32, #tpu.memory_space<vmem>>) target(%dma_start3A_482 : memref<128x64xf32, #tpu.memory_space<hbm>>) target_semaphore(%arg17 : memref<!tpu.dma_semaphore, #tpu.memory_space<semaphore_mem>>)
    %dma_wait3A_483 = arith.constant 0 : i32
    %dma_wait3A_484 = tpu.memref_slice %arg4[%add3A_458, %dma_wait3A_483] : memref<204800x64xf32, #tpu.memory_space<hbm>> -> memref<128x64xf32, #tpu.memory_space<hbm>>
    %dma_wait3A_485 = arith.constant 0 : i32
    %dma_wait3A_486 = tpu.memref_slice %arg4[%add3A_458, %dma_wait3A_485] : memref<204800x64xf32, #tpu.memory_space<hbm>> -> memref<128x64xf32, #tpu.memory_space<hbm>>
    tpu.wait_dma2 semaphore(%arg16 : memref<!tpu.dma_semaphore, #tpu.memory_space<semaphore_mem>>) src(%arg8 : memref<128x64xf32, #tpu.memory_space<vmem>>) dst(%dma_wait3A_486 : memref<128x64xf32, #tpu.memory_space<hbm>>)
    %dma_start3A_487 = arith.constant 3328 : i32
    %dma_start3A_488 = tpu.memref_slice %arg5[%dma_start3A_487] : memref<6400xi32, #tpu.memory_space<vmem>> -> memref<128xi32, #tpu.memory_space<vmem>>
    %dma_start3A_489 = arith.constant 0 : i32
    %dma_start3A_490 = arith.constant 0 : i32
    %dma_start3A_491 = tpu.memref_slice %arg2[%dma_start3A_489, %dma_start3A_490] : memref<1015808x64xf32, #tpu.memory_space<hbm>> -> memref<1015808x64xf32, #tpu.memory_space<hbm>>
    tpu.enqueue_indirect_dma source(%dma_start3A_491 : memref<1015808x64xf32, #tpu.memory_space<hbm>>) target(%arg8 : memref<128x64xf32, #tpu.memory_space<vmem>>) offsets(%dma_start3A_488 : memref<128xi32, #tpu.memory_space<vmem>>) semaphore(%arg12 : memref<!tpu.dma_semaphore, #tpu.memory_space<semaphore_mem>>)
    %dma_wait3A_492 = arith.constant 3072 : i32
    %dma_wait3A_493 = tpu.memref_slice %arg5[%dma_wait3A_492] : memref<6400xi32, #tpu.memory_space<vmem>> -> memref<128xi32, #tpu.memory_space<vmem>>
    %dma_wait3A_494 = arith.constant 0 : i32
    %dma_wait3A_495 = arith.constant 0 : i32
    %dma_wait3A_496 = tpu.memref_slice %arg2[%dma_wait3A_494, %dma_wait3A_495] : memref<1015808x64xf32, #tpu.memory_space<hbm>> -> memref<1015808x64xf32, #tpu.memory_space<hbm>>
    tpu.wait_indirect_dma semaphore(%arg10 : memref<!tpu.dma_semaphore, #tpu.memory_space<semaphore_mem>>) src(%dma_wait3A_496 : memref<1015808x64xf32, #tpu.memory_space<hbm>>) dst(%arg6 : memref<128x64xf32, #tpu.memory_space<vmem>>)
    %add3A_497 = arith.constant 3072 : i32
    %add3A_498 = arith.addi %multiple_of3A, %add3A_497 : i32
    %dma_start3A_499 = arith.constant 0 : i32
    %dma_start3A_500 = tpu.memref_slice %arg4[%add3A_498, %dma_start3A_499] : memref<204800x64xf32, #tpu.memory_space<hbm>> -> memref<128x64xf32, #tpu.memory_space<hbm>>
    %dma_start3A_501 = arith.constant 0 : i32
    %dma_start3A_502 = tpu.memref_slice %arg4[%add3A_498, %dma_start3A_501] : memref<204800x64xf32, #tpu.memory_space<hbm>> -> memref<128x64xf32, #tpu.memory_space<hbm>>
    tpu.enqueue_dma source(%arg6 : memref<128x64xf32, #tpu.memory_space<vmem>>) target(%dma_start3A_502 : memref<128x64xf32, #tpu.memory_space<hbm>>) target_semaphore(%arg14 : memref<!tpu.dma_semaphore, #tpu.memory_space<semaphore_mem>>)
    %dma_wait3A_503 = arith.constant 0 : i32
    %dma_wait3A_504 = tpu.memref_slice %arg4[%add3A_478, %dma_wait3A_503] : memref<204800x64xf32, #tpu.memory_space<hbm>> -> memref<128x64xf32, #tpu.memory_space<hbm>>
    %dma_wait3A_505 = arith.constant 0 : i32
    %dma_wait3A_506 = tpu.memref_slice %arg4[%add3A_478, %dma_wait3A_505] : memref<204800x64xf32, #tpu.memory_space<hbm>> -> memref<128x64xf32, #tpu.memory_space<hbm>>
    tpu.wait_dma2 semaphore(%arg17 : memref<!tpu.dma_semaphore, #tpu.memory_space<semaphore_mem>>) src(%arg9 : memref<128x64xf32, #tpu.memory_space<vmem>>) dst(%dma_wait3A_506 : memref<128x64xf32, #tpu.memory_space<hbm>>)
    %dma_start3A_507 = arith.constant 3456 : i32
    %dma_start3A_508 = tpu.memref_slice %arg5[%dma_start3A_507] : memref<6400xi32, #tpu.memory_space<vmem>> -> memref<128xi32, #tpu.memory_space<vmem>>
    %dma_start3A_509 = arith.constant 0 : i32
    %dma_start3A_510 = arith.constant 0 : i32
    %dma_start3A_511 = tpu.memref_slice %arg2[%dma_start3A_509, %dma_start3A_510] : memref<1015808x64xf32, #tpu.memory_space<hbm>> -> memref<1015808x64xf32, #tpu.memory_space<hbm>>
    tpu.enqueue_indirect_dma source(%dma_start3A_511 : memref<1015808x64xf32, #tpu.memory_space<hbm>>) target(%arg9 : memref<128x64xf32, #tpu.memory_space<vmem>>) offsets(%dma_start3A_508 : memref<128xi32, #tpu.memory_space<vmem>>) semaphore(%arg13 : memref<!tpu.dma_semaphore, #tpu.memory_space<semaphore_mem>>)
    %dma_wait3A_512 = arith.constant 3200 : i32
    %dma_wait3A_513 = tpu.memref_slice %arg5[%dma_wait3A_512] : memref<6400xi32, #tpu.memory_space<vmem>> -> memref<128xi32, #tpu.memory_space<vmem>>
    %dma_wait3A_514 = arith.constant 0 : i32
    %dma_wait3A_515 = arith.constant 0 : i32
    %dma_wait3A_516 = tpu.memref_slice %arg2[%dma_wait3A_514, %dma_wait3A_515] : memref<1015808x64xf32, #tpu.memory_space<hbm>> -> memref<1015808x64xf32, #tpu.memory_space<hbm>>
    tpu.wait_indirect_dma semaphore(%arg11 : memref<!tpu.dma_semaphore, #tpu.memory_space<semaphore_mem>>) src(%dma_wait3A_516 : memref<1015808x64xf32, #tpu.memory_space<hbm>>) dst(%arg7 : memref<128x64xf32, #tpu.memory_space<vmem>>)
    %add3A_517 = arith.constant 3200 : i32
    %add3A_518 = arith.addi %multiple_of3A, %add3A_517 : i32
    %dma_start3A_519 = arith.constant 0 : i32
    %dma_start3A_520 = tpu.memref_slice %arg4[%add3A_518, %dma_start3A_519] : memref<204800x64xf32, #tpu.memory_space<hbm>> -> memref<128x64xf32, #tpu.memory_space<hbm>>
    %dma_start3A_521 = arith.constant 0 : i32
    %dma_start3A_522 = tpu.memref_slice %arg4[%add3A_518, %dma_start3A_521] : memref<204800x64xf32, #tpu.memory_space<hbm>> -> memref<128x64xf32, #tpu.memory_space<hbm>>
    tpu.enqueue_dma source(%arg7 : memref<128x64xf32, #tpu.memory_space<vmem>>) target(%dma_start3A_522 : memref<128x64xf32, #tpu.memory_space<hbm>>) target_semaphore(%arg15 : memref<!tpu.dma_semaphore, #tpu.memory_space<semaphore_mem>>)
    %dma_wait3A_523 = arith.constant 0 : i32
    %dma_wait3A_524 = tpu.memref_slice %arg4[%add3A_498, %dma_wait3A_523] : memref<204800x64xf32, #tpu.memory_space<hbm>> -> memref<128x64xf32, #tpu.memory_space<hbm>>
    %dma_wait3A_525 = arith.constant 0 : i32
    %dma_wait3A_526 = tpu.memref_slice %arg4[%add3A_498, %dma_wait3A_525] : memref<204800x64xf32, #tpu.memory_space<hbm>> -> memref<128x64xf32, #tpu.memory_space<hbm>>
    tpu.wait_dma2 semaphore(%arg14 : memref<!tpu.dma_semaphore, #tpu.memory_space<semaphore_mem>>) src(%arg6 : memref<128x64xf32, #tpu.memory_space<vmem>>) dst(%dma_wait3A_526 : memref<128x64xf32, #tpu.memory_space<hbm>>)
    %dma_start3A_527 = arith.constant 3584 : i32
    %dma_start3A_528 = tpu.memref_slice %arg5[%dma_start3A_527] : memref<6400xi32, #tpu.memory_space<vmem>> -> memref<128xi32, #tpu.memory_space<vmem>>
    %dma_start3A_529 = arith.constant 0 : i32
    %dma_start3A_530 = arith.constant 0 : i32
    %dma_start3A_531 = tpu.memref_slice %arg2[%dma_start3A_529, %dma_start3A_530] : memref<1015808x64xf32, #tpu.memory_space<hbm>> -> memref<1015808x64xf32, #tpu.memory_space<hbm>>
    tpu.enqueue_indirect_dma source(%dma_start3A_531 : memref<1015808x64xf32, #tpu.memory_space<hbm>>) target(%arg6 : memref<128x64xf32, #tpu.memory_space<vmem>>) offsets(%dma_start3A_528 : memref<128xi32, #tpu.memory_space<vmem>>) semaphore(%arg10 : memref<!tpu.dma_semaphore, #tpu.memory_space<semaphore_mem>>)
    %dma_wait3A_532 = arith.constant 3328 : i32
    %dma_wait3A_533 = tpu.memref_slice %arg5[%dma_wait3A_532] : memref<6400xi32, #tpu.memory_space<vmem>> -> memref<128xi32, #tpu.memory_space<vmem>>
    %dma_wait3A_534 = arith.constant 0 : i32
    %dma_wait3A_535 = arith.constant 0 : i32
    %dma_wait3A_536 = tpu.memref_slice %arg2[%dma_wait3A_534, %dma_wait3A_535] : memref<1015808x64xf32, #tpu.memory_space<hbm>> -> memref<1015808x64xf32, #tpu.memory_space<hbm>>
    tpu.wait_indirect_dma semaphore(%arg12 : memref<!tpu.dma_semaphore, #tpu.memory_space<semaphore_mem>>) src(%dma_wait3A_536 : memref<1015808x64xf32, #tpu.memory_space<hbm>>) dst(%arg8 : memref<128x64xf32, #tpu.memory_space<vmem>>)
    %add3A_537 = arith.constant 3328 : i32
    %add3A_538 = arith.addi %multiple_of3A, %add3A_537 : i32
    %dma_start3A_539 = arith.constant 0 : i32
    %dma_start3A_540 = tpu.memref_slice %arg4[%add3A_538, %dma_start3A_539] : memref<204800x64xf32, #tpu.memory_space<hbm>> -> memref<128x64xf32, #tpu.memory_space<hbm>>
    %dma_start3A_541 = arith.constant 0 : i32
    %dma_start3A_542 = tpu.memref_slice %arg4[%add3A_538, %dma_start3A_541] : memref<204800x64xf32, #tpu.memory_space<hbm>> -> memref<128x64xf32, #tpu.memory_space<hbm>>
    tpu.enqueue_dma source(%arg8 : memref<128x64xf32, #tpu.memory_space<vmem>>) target(%dma_start3A_542 : memref<128x64xf32, #tpu.memory_space<hbm>>) target_semaphore(%arg16 : memref<!tpu.dma_semaphore, #tpu.memory_space<semaphore_mem>>)
    %dma_wait3A_543 = arith.constant 0 : i32
    %dma_wait3A_544 = tpu.memref_slice %arg4[%add3A_518, %dma_wait3A_543] : memref<204800x64xf32, #tpu.memory_space<hbm>> -> memref<128x64xf32, #tpu.memory_space<hbm>>
    %dma_wait3A_545 = arith.constant 0 : i32
    %dma_wait3A_546 = tpu.memref_slice %arg4[%add3A_518, %dma_wait3A_545] : memref<204800x64xf32, #tpu.memory_space<hbm>> -> memref<128x64xf32, #tpu.memory_space<hbm>>
    tpu.wait_dma2 semaphore(%arg15 : memref<!tpu.dma_semaphore, #tpu.memory_space<semaphore_mem>>) src(%arg7 : memref<128x64xf32, #tpu.memory_space<vmem>>) dst(%dma_wait3A_546 : memref<128x64xf32, #tpu.memory_space<hbm>>)
    %dma_start3A_547 = arith.constant 3712 : i32
    %dma_start3A_548 = tpu.memref_slice %arg5[%dma_start3A_547] : memref<6400xi32, #tpu.memory_space<vmem>> -> memref<128xi32, #tpu.memory_space<vmem>>
    %dma_start3A_549 = arith.constant 0 : i32
    %dma_start3A_550 = arith.constant 0 : i32
    %dma_start3A_551 = tpu.memref_slice %arg2[%dma_start3A_549, %dma_start3A_550] : memref<1015808x64xf32, #tpu.memory_space<hbm>> -> memref<1015808x64xf32, #tpu.memory_space<hbm>>
    tpu.enqueue_indirect_dma source(%dma_start3A_551 : memref<1015808x64xf32, #tpu.memory_space<hbm>>) target(%arg7 : memref<128x64xf32, #tpu.memory_space<vmem>>) offsets(%dma_start3A_548 : memref<128xi32, #tpu.memory_space<vmem>>) semaphore(%arg11 : memref<!tpu.dma_semaphore, #tpu.memory_space<semaphore_mem>>)
    %dma_wait3A_552 = arith.constant 3456 : i32
    %dma_wait3A_553 = tpu.memref_slice %arg5[%dma_wait3A_552] : memref<6400xi32, #tpu.memory_space<vmem>> -> memref<128xi32, #tpu.memory_space<vmem>>
    %dma_wait3A_554 = arith.constant 0 : i32
    %dma_wait3A_555 = arith.constant 0 : i32
    %dma_wait3A_556 = tpu.memref_slice %arg2[%dma_wait3A_554, %dma_wait3A_555] : memref<1015808x64xf32, #tpu.memory_space<hbm>> -> memref<1015808x64xf32, #tpu.memory_space<hbm>>
    tpu.wait_indirect_dma semaphore(%arg13 : memref<!tpu.dma_semaphore, #tpu.memory_space<semaphore_mem>>) src(%dma_wait3A_556 : memref<1015808x64xf32, #tpu.memory_space<hbm>>) dst(%arg9 : memref<128x64xf32, #tpu.memory_space<vmem>>)
    %add3A_557 = arith.constant 3456 : i32
    %add3A_558 = arith.addi %multiple_of3A, %add3A_557 : i32
    %dma_start3A_559 = arith.constant 0 : i32
    %dma_start3A_560 = tpu.memref_slice %arg4[%add3A_558, %dma_start3A_559] : memref<204800x64xf32, #tpu.memory_space<hbm>> -> memref<128x64xf32, #tpu.memory_space<hbm>>
    %dma_start3A_561 = arith.constant 0 : i32
    %dma_start3A_562 = tpu.memref_slice %arg4[%add3A_558, %dma_start3A_561] : memref<204800x64xf32, #tpu.memory_space<hbm>> -> memref<128x64xf32, #tpu.memory_space<hbm>>
    tpu.enqueue_dma source(%arg9 : memref<128x64xf32, #tpu.memory_space<vmem>>) target(%dma_start3A_562 : memref<128x64xf32, #tpu.memory_space<hbm>>) target_semaphore(%arg17 : memref<!tpu.dma_semaphore, #tpu.memory_space<semaphore_mem>>)
    %dma_wait3A_563 = arith.constant 0 : i32
    %dma_wait3A_564 = tpu.memref_slice %arg4[%add3A_538, %dma_wait3A_563] : memref<204800x64xf32, #tpu.memory_space<hbm>> -> memref<128x64xf32, #tpu.memory_space<hbm>>
    %dma_wait3A_565 = arith.constant 0 : i32
    %dma_wait3A_566 = tpu.memref_slice %arg4[%add3A_538, %dma_wait3A_565] : memref<204800x64xf32, #tpu.memory_space<hbm>> -> memref<128x64xf32, #tpu.memory_space<hbm>>
    tpu.wait_dma2 semaphore(%arg16 : memref<!tpu.dma_semaphore, #tpu.memory_space<semaphore_mem>>) src(%arg8 : memref<128x64xf32, #tpu.memory_space<vmem>>) dst(%dma_wait3A_566 : memref<128x64xf32, #tpu.memory_space<hbm>>)
    %dma_start3A_567 = arith.constant 3840 : i32
    %dma_start3A_568 = tpu.memref_slice %arg5[%dma_start3A_567] : memref<6400xi32, #tpu.memory_space<vmem>> -> memref<128xi32, #tpu.memory_space<vmem>>
    %dma_start3A_569 = arith.constant 0 : i32
    %dma_start3A_570 = arith.constant 0 : i32
    %dma_start3A_571 = tpu.memref_slice %arg2[%dma_start3A_569, %dma_start3A_570] : memref<1015808x64xf32, #tpu.memory_space<hbm>> -> memref<1015808x64xf32, #tpu.memory_space<hbm>>
    tpu.enqueue_indirect_dma source(%dma_start3A_571 : memref<1015808x64xf32, #tpu.memory_space<hbm>>) target(%arg8 : memref<128x64xf32, #tpu.memory_space<vmem>>) offsets(%dma_start3A_568 : memref<128xi32, #tpu.memory_space<vmem>>) semaphore(%arg12 : memref<!tpu.dma_semaphore, #tpu.memory_space<semaphore_mem>>)
    %dma_wait3A_572 = arith.constant 3584 : i32
    %dma_wait3A_573 = tpu.memref_slice %arg5[%dma_wait3A_572] : memref<6400xi32, #tpu.memory_space<vmem>> -> memref<128xi32, #tpu.memory_space<vmem>>
    %dma_wait3A_574 = arith.constant 0 : i32
    %dma_wait3A_575 = arith.constant 0 : i32
    %dma_wait3A_576 = tpu.memref_slice %arg2[%dma_wait3A_574, %dma_wait3A_575] : memref<1015808x64xf32, #tpu.memory_space<hbm>> -> memref<1015808x64xf32, #tpu.memory_space<hbm>>
    tpu.wait_indirect_dma semaphore(%arg10 : memref<!tpu.dma_semaphore, #tpu.memory_space<semaphore_mem>>) src(%dma_wait3A_576 : memref<1015808x64xf32, #tpu.memory_space<hbm>>) dst(%arg6 : memref<128x64xf32, #tpu.memory_space<vmem>>)
    %add3A_577 = arith.constant 3584 : i32
    %add3A_578 = arith.addi %multiple_of3A, %add3A_577 : i32
    %dma_start3A_579 = arith.constant 0 : i32
    %dma_start3A_580 = tpu.memref_slice %arg4[%add3A_578, %dma_start3A_579] : memref<204800x64xf32, #tpu.memory_space<hbm>> -> memref<128x64xf32, #tpu.memory_space<hbm>>
    %dma_start3A_581 = arith.constant 0 : i32
    %dma_start3A_582 = tpu.memref_slice %arg4[%add3A_578, %dma_start3A_581] : memref<204800x64xf32, #tpu.memory_space<hbm>> -> memref<128x64xf32, #tpu.memory_space<hbm>>
    tpu.enqueue_dma source(%arg6 : memref<128x64xf32, #tpu.memory_space<vmem>>) target(%dma_start3A_582 : memref<128x64xf32, #tpu.memory_space<hbm>>) target_semaphore(%arg14 : memref<!tpu.dma_semaphore, #tpu.memory_space<semaphore_mem>>)
    %dma_wait3A_583 = arith.constant 0 : i32
    %dma_wait3A_584 = tpu.memref_slice %arg4[%add3A_558, %dma_wait3A_583] : memref<204800x64xf32, #tpu.memory_space<hbm>> -> memref<128x64xf32, #tpu.memory_space<hbm>>
    %dma_wait3A_585 = arith.constant 0 : i32
    %dma_wait3A_586 = tpu.memref_slice %arg4[%add3A_558, %dma_wait3A_585] : memref<204800x64xf32, #tpu.memory_space<hbm>> -> memref<128x64xf32, #tpu.memory_space<hbm>>
    tpu.wait_dma2 semaphore(%arg17 : memref<!tpu.dma_semaphore, #tpu.memory_space<semaphore_mem>>) src(%arg9 : memref<128x64xf32, #tpu.memory_space<vmem>>) dst(%dma_wait3A_586 : memref<128x64xf32, #tpu.memory_space<hbm>>)
    %dma_start3A_587 = arith.constant 3968 : i32
    %dma_start3A_588 = tpu.memref_slice %arg5[%dma_start3A_587] : memref<6400xi32, #tpu.memory_space<vmem>> -> memref<128xi32, #tpu.memory_space<vmem>>
    %dma_start3A_589 = arith.constant 0 : i32
    %dma_start3A_590 = arith.constant 0 : i32
    %dma_start3A_591 = tpu.memref_slice %arg2[%dma_start3A_589, %dma_start3A_590] : memref<1015808x64xf32, #tpu.memory_space<hbm>> -> memref<1015808x64xf32, #tpu.memory_space<hbm>>
    tpu.enqueue_indirect_dma source(%dma_start3A_591 : memref<1015808x64xf32, #tpu.memory_space<hbm>>) target(%arg9 : memref<128x64xf32, #tpu.memory_space<vmem>>) offsets(%dma_start3A_588 : memref<128xi32, #tpu.memory_space<vmem>>) semaphore(%arg13 : memref<!tpu.dma_semaphore, #tpu.memory_space<semaphore_mem>>)
    %dma_wait3A_592 = arith.constant 3712 : i32
    %dma_wait3A_593 = tpu.memref_slice %arg5[%dma_wait3A_592] : memref<6400xi32, #tpu.memory_space<vmem>> -> memref<128xi32, #tpu.memory_space<vmem>>
    %dma_wait3A_594 = arith.constant 0 : i32
    %dma_wait3A_595 = arith.constant 0 : i32
    %dma_wait3A_596 = tpu.memref_slice %arg2[%dma_wait3A_594, %dma_wait3A_595] : memref<1015808x64xf32, #tpu.memory_space<hbm>> -> memref<1015808x64xf32, #tpu.memory_space<hbm>>
    tpu.wait_indirect_dma semaphore(%arg11 : memref<!tpu.dma_semaphore, #tpu.memory_space<semaphore_mem>>) src(%dma_wait3A_596 : memref<1015808x64xf32, #tpu.memory_space<hbm>>) dst(%arg7 : memref<128x64xf32, #tpu.memory_space<vmem>>)
    %add3A_597 = arith.constant 3712 : i32
    %add3A_598 = arith.addi %multiple_of3A, %add3A_597 : i32
    %dma_start3A_599 = arith.constant 0 : i32
    %dma_start3A_600 = tpu.memref_slice %arg4[%add3A_598, %dma_start3A_599] : memref<204800x64xf32, #tpu.memory_space<hbm>> -> memref<128x64xf32, #tpu.memory_space<hbm>>
    %dma_start3A_601 = arith.constant 0 : i32
    %dma_start3A_602 = tpu.memref_slice %arg4[%add3A_598, %dma_start3A_601] : memref<204800x64xf32, #tpu.memory_space<hbm>> -> memref<128x64xf32, #tpu.memory_space<hbm>>
    tpu.enqueue_dma source(%arg7 : memref<128x64xf32, #tpu.memory_space<vmem>>) target(%dma_start3A_602 : memref<128x64xf32, #tpu.memory_space<hbm>>) target_semaphore(%arg15 : memref<!tpu.dma_semaphore, #tpu.memory_space<semaphore_mem>>)
    %dma_wait3A_603 = arith.constant 0 : i32
    %dma_wait3A_604 = tpu.memref_slice %arg4[%add3A_578, %dma_wait3A_603] : memref<204800x64xf32, #tpu.memory_space<hbm>> -> memref<128x64xf32, #tpu.memory_space<hbm>>
    %dma_wait3A_605 = arith.constant 0 : i32
    %dma_wait3A_606 = tpu.memref_slice %arg4[%add3A_578, %dma_wait3A_605] : memref<204800x64xf32, #tpu.memory_space<hbm>> -> memref<128x64xf32, #tpu.memory_space<hbm>>
    tpu.wait_dma2 semaphore(%arg14 : memref<!tpu.dma_semaphore, #tpu.memory_space<semaphore_mem>>) src(%arg6 : memref<128x64xf32, #tpu.memory_space<vmem>>) dst(%dma_wait3A_606 : memref<128x64xf32, #tpu.memory_space<hbm>>)
    %dma_start3A_607 = arith.constant 4096 : i32
    %dma_start3A_608 = tpu.memref_slice %arg5[%dma_start3A_607] : memref<6400xi32, #tpu.memory_space<vmem>> -> memref<128xi32, #tpu.memory_space<vmem>>
    %dma_start3A_609 = arith.constant 0 : i32
    %dma_start3A_610 = arith.constant 0 : i32
    %dma_start3A_611 = tpu.memref_slice %arg2[%dma_start3A_609, %dma_start3A_610] : memref<1015808x64xf32, #tpu.memory_space<hbm>> -> memref<1015808x64xf32, #tpu.memory_space<hbm>>
    tpu.enqueue_indirect_dma source(%dma_start3A_611 : memref<1015808x64xf32, #tpu.memory_space<hbm>>) target(%arg6 : memref<128x64xf32, #tpu.memory_space<vmem>>) offsets(%dma_start3A_608 : memref<128xi32, #tpu.memory_space<vmem>>) semaphore(%arg10 : memref<!tpu.dma_semaphore, #tpu.memory_space<semaphore_mem>>)
    %dma_wait3A_612 = arith.constant 3840 : i32
    %dma_wait3A_613 = tpu.memref_slice %arg5[%dma_wait3A_612] : memref<6400xi32, #tpu.memory_space<vmem>> -> memref<128xi32, #tpu.memory_space<vmem>>
    %dma_wait3A_614 = arith.constant 0 : i32
    %dma_wait3A_615 = arith.constant 0 : i32
    %dma_wait3A_616 = tpu.memref_slice %arg2[%dma_wait3A_614, %dma_wait3A_615] : memref<1015808x64xf32, #tpu.memory_space<hbm>> -> memref<1015808x64xf32, #tpu.memory_space<hbm>>
    tpu.wait_indirect_dma semaphore(%arg12 : memref<!tpu.dma_semaphore, #tpu.memory_space<semaphore_mem>>) src(%dma_wait3A_616 : memref<1015808x64xf32, #tpu.memory_space<hbm>>) dst(%arg8 : memref<128x64xf32, #tpu.memory_space<vmem>>)
    %add3A_617 = arith.constant 3840 : i32
    %add3A_618 = arith.addi %multiple_of3A, %add3A_617 : i32
    %dma_start3A_619 = arith.constant 0 : i32
    %dma_start3A_620 = tpu.memref_slice %arg4[%add3A_618, %dma_start3A_619] : memref<204800x64xf32, #tpu.memory_space<hbm>> -> memref<128x64xf32, #tpu.memory_space<hbm>>
    %dma_start3A_621 = arith.constant 0 : i32
    %dma_start3A_622 = tpu.memref_slice %arg4[%add3A_618, %dma_start3A_621] : memref<204800x64xf32, #tpu.memory_space<hbm>> -> memref<128x64xf32, #tpu.memory_space<hbm>>
    tpu.enqueue_dma source(%arg8 : memref<128x64xf32, #tpu.memory_space<vmem>>) target(%dma_start3A_622 : memref<128x64xf32, #tpu.memory_space<hbm>>) target_semaphore(%arg16 : memref<!tpu.dma_semaphore, #tpu.memory_space<semaphore_mem>>)
    %dma_wait3A_623 = arith.constant 0 : i32
    %dma_wait3A_624 = tpu.memref_slice %arg4[%add3A_598, %dma_wait3A_623] : memref<204800x64xf32, #tpu.memory_space<hbm>> -> memref<128x64xf32, #tpu.memory_space<hbm>>
    %dma_wait3A_625 = arith.constant 0 : i32
    %dma_wait3A_626 = tpu.memref_slice %arg4[%add3A_598, %dma_wait3A_625] : memref<204800x64xf32, #tpu.memory_space<hbm>> -> memref<128x64xf32, #tpu.memory_space<hbm>>
    tpu.wait_dma2 semaphore(%arg15 : memref<!tpu.dma_semaphore, #tpu.memory_space<semaphore_mem>>) src(%arg7 : memref<128x64xf32, #tpu.memory_space<vmem>>) dst(%dma_wait3A_626 : memref<128x64xf32, #tpu.memory_space<hbm>>)
    %dma_start3A_627 = arith.constant 4224 : i32
    %dma_start3A_628 = tpu.memref_slice %arg5[%dma_start3A_627] : memref<6400xi32, #tpu.memory_space<vmem>> -> memref<128xi32, #tpu.memory_space<vmem>>
    %dma_start3A_629 = arith.constant 0 : i32
    %dma_start3A_630 = arith.constant 0 : i32
    %dma_start3A_631 = tpu.memref_slice %arg2[%dma_start3A_629, %dma_start3A_630] : memref<1015808x64xf32, #tpu.memory_space<hbm>> -> memref<1015808x64xf32, #tpu.memory_space<hbm>>
    tpu.enqueue_indirect_dma source(%dma_start3A_631 : memref<1015808x64xf32, #tpu.memory_space<hbm>>) target(%arg7 : memref<128x64xf32, #tpu.memory_space<vmem>>) offsets(%dma_start3A_628 : memref<128xi32, #tpu.memory_space<vmem>>) semaphore(%arg11 : memref<!tpu.dma_semaphore, #tpu.memory_space<semaphore_mem>>)
    %dma_wait3A_632 = arith.constant 3968 : i32
    %dma_wait3A_633 = tpu.memref_slice %arg5[%dma_wait3A_632] : memref<6400xi32, #tpu.memory_space<vmem>> -> memref<128xi32, #tpu.memory_space<vmem>>
    %dma_wait3A_634 = arith.constant 0 : i32
    %dma_wait3A_635 = arith.constant 0 : i32
    %dma_wait3A_636 = tpu.memref_slice %arg2[%dma_wait3A_634, %dma_wait3A_635] : memref<1015808x64xf32, #tpu.memory_space<hbm>> -> memref<1015808x64xf32, #tpu.memory_space<hbm>>
    tpu.wait_indirect_dma semaphore(%arg13 : memref<!tpu.dma_semaphore, #tpu.memory_space<semaphore_mem>>) src(%dma_wait3A_636 : memref<1015808x64xf32, #tpu.memory_space<hbm>>) dst(%arg9 : memref<128x64xf32, #tpu.memory_space<vmem>>)
    %add3A_637 = arith.constant 3968 : i32
    %add3A_638 = arith.addi %multiple_of3A, %add3A_637 : i32
    %dma_start3A_639 = arith.constant 0 : i32
    %dma_start3A_640 = tpu.memref_slice %arg4[%add3A_638, %dma_start3A_639] : memref<204800x64xf32, #tpu.memory_space<hbm>> -> memref<128x64xf32, #tpu.memory_space<hbm>>
    %dma_start3A_641 = arith.constant 0 : i32
    %dma_start3A_642 = tpu.memref_slice %arg4[%add3A_638, %dma_start3A_641] : memref<204800x64xf32, #tpu.memory_space<hbm>> -> memref<128x64xf32, #tpu.memory_space<hbm>>
    tpu.enqueue_dma source(%arg9 : memref<128x64xf32, #tpu.memory_space<vmem>>) target(%dma_start3A_642 : memref<128x64xf32, #tpu.memory_space<hbm>>) target_semaphore(%arg17 : memref<!tpu.dma_semaphore, #tpu.memory_space<semaphore_mem>>)
    %dma_wait3A_643 = arith.constant 0 : i32
    %dma_wait3A_644 = tpu.memref_slice %arg4[%add3A_618, %dma_wait3A_643] : memref<204800x64xf32, #tpu.memory_space<hbm>> -> memref<128x64xf32, #tpu.memory_space<hbm>>
    %dma_wait3A_645 = arith.constant 0 : i32
    %dma_wait3A_646 = tpu.memref_slice %arg4[%add3A_618, %dma_wait3A_645] : memref<204800x64xf32, #tpu.memory_space<hbm>> -> memref<128x64xf32, #tpu.memory_space<hbm>>
    tpu.wait_dma2 semaphore(%arg16 : memref<!tpu.dma_semaphore, #tpu.memory_space<semaphore_mem>>) src(%arg8 : memref<128x64xf32, #tpu.memory_space<vmem>>) dst(%dma_wait3A_646 : memref<128x64xf32, #tpu.memory_space<hbm>>)
    %dma_start3A_647 = arith.constant 4352 : i32
    %dma_start3A_648 = tpu.memref_slice %arg5[%dma_start3A_647] : memref<6400xi32, #tpu.memory_space<vmem>> -> memref<128xi32, #tpu.memory_space<vmem>>
    %dma_start3A_649 = arith.constant 0 : i32
    %dma_start3A_650 = arith.constant 0 : i32
    %dma_start3A_651 = tpu.memref_slice %arg2[%dma_start3A_649, %dma_start3A_650] : memref<1015808x64xf32, #tpu.memory_space<hbm>> -> memref<1015808x64xf32, #tpu.memory_space<hbm>>
    tpu.enqueue_indirect_dma source(%dma_start3A_651 : memref<1015808x64xf32, #tpu.memory_space<hbm>>) target(%arg8 : memref<128x64xf32, #tpu.memory_space<vmem>>) offsets(%dma_start3A_648 : memref<128xi32, #tpu.memory_space<vmem>>) semaphore(%arg12 : memref<!tpu.dma_semaphore, #tpu.memory_space<semaphore_mem>>)
    %dma_wait3A_652 = arith.constant 4096 : i32
    %dma_wait3A_653 = tpu.memref_slice %arg5[%dma_wait3A_652] : memref<6400xi32, #tpu.memory_space<vmem>> -> memref<128xi32, #tpu.memory_space<vmem>>
    %dma_wait3A_654 = arith.constant 0 : i32
    %dma_wait3A_655 = arith.constant 0 : i32
    %dma_wait3A_656 = tpu.memref_slice %arg2[%dma_wait3A_654, %dma_wait3A_655] : memref<1015808x64xf32, #tpu.memory_space<hbm>> -> memref<1015808x64xf32, #tpu.memory_space<hbm>>
    tpu.wait_indirect_dma semaphore(%arg10 : memref<!tpu.dma_semaphore, #tpu.memory_space<semaphore_mem>>) src(%dma_wait3A_656 : memref<1015808x64xf32, #tpu.memory_space<hbm>>) dst(%arg6 : memref<128x64xf32, #tpu.memory_space<vmem>>)
    %add3A_657 = arith.constant 4096 : i32
    %add3A_658 = arith.addi %multiple_of3A, %add3A_657 : i32
    %dma_start3A_659 = arith.constant 0 : i32
    %dma_start3A_660 = tpu.memref_slice %arg4[%add3A_658, %dma_start3A_659] : memref<204800x64xf32, #tpu.memory_space<hbm>> -> memref<128x64xf32, #tpu.memory_space<hbm>>
    %dma_start3A_661 = arith.constant 0 : i32
    %dma_start3A_662 = tpu.memref_slice %arg4[%add3A_658, %dma_start3A_661] : memref<204800x64xf32, #tpu.memory_space<hbm>> -> memref<128x64xf32, #tpu.memory_space<hbm>>
    tpu.enqueue_dma source(%arg6 : memref<128x64xf32, #tpu.memory_space<vmem>>) target(%dma_start3A_662 : memref<128x64xf32, #tpu.memory_space<hbm>>) target_semaphore(%arg14 : memref<!tpu.dma_semaphore, #tpu.memory_space<semaphore_mem>>)
    %dma_wait3A_663 = arith.constant 0 : i32
    %dma_wait3A_664 = tpu.memref_slice %arg4[%add3A_638, %dma_wait3A_663] : memref<204800x64xf32, #tpu.memory_space<hbm>> -> memref<128x64xf32, #tpu.memory_space<hbm>>
    %dma_wait3A_665 = arith.constant 0 : i32
    %dma_wait3A_666 = tpu.memref_slice %arg4[%add3A_638, %dma_wait3A_665] : memref<204800x64xf32, #tpu.memory_space<hbm>> -> memref<128x64xf32, #tpu.memory_space<hbm>>
    tpu.wait_dma2 semaphore(%arg17 : memref<!tpu.dma_semaphore, #tpu.memory_space<semaphore_mem>>) src(%arg9 : memref<128x64xf32, #tpu.memory_space<vmem>>) dst(%dma_wait3A_666 : memref<128x64xf32, #tpu.memory_space<hbm>>)
    %dma_start3A_667 = arith.constant 4480 : i32
    %dma_start3A_668 = tpu.memref_slice %arg5[%dma_start3A_667] : memref<6400xi32, #tpu.memory_space<vmem>> -> memref<128xi32, #tpu.memory_space<vmem>>
    %dma_start3A_669 = arith.constant 0 : i32
    %dma_start3A_670 = arith.constant 0 : i32
    %dma_start3A_671 = tpu.memref_slice %arg2[%dma_start3A_669, %dma_start3A_670] : memref<1015808x64xf32, #tpu.memory_space<hbm>> -> memref<1015808x64xf32, #tpu.memory_space<hbm>>
    tpu.enqueue_indirect_dma source(%dma_start3A_671 : memref<1015808x64xf32, #tpu.memory_space<hbm>>) target(%arg9 : memref<128x64xf32, #tpu.memory_space<vmem>>) offsets(%dma_start3A_668 : memref<128xi32, #tpu.memory_space<vmem>>) semaphore(%arg13 : memref<!tpu.dma_semaphore, #tpu.memory_space<semaphore_mem>>)
    %dma_wait3A_672 = arith.constant 4224 : i32
    %dma_wait3A_673 = tpu.memref_slice %arg5[%dma_wait3A_672] : memref<6400xi32, #tpu.memory_space<vmem>> -> memref<128xi32, #tpu.memory_space<vmem>>
    %dma_wait3A_674 = arith.constant 0 : i32
    %dma_wait3A_675 = arith.constant 0 : i32
    %dma_wait3A_676 = tpu.memref_slice %arg2[%dma_wait3A_674, %dma_wait3A_675] : memref<1015808x64xf32, #tpu.memory_space<hbm>> -> memref<1015808x64xf32, #tpu.memory_space<hbm>>
    tpu.wait_indirect_dma semaphore(%arg11 : memref<!tpu.dma_semaphore, #tpu.memory_space<semaphore_mem>>) src(%dma_wait3A_676 : memref<1015808x64xf32, #tpu.memory_space<hbm>>) dst(%arg7 : memref<128x64xf32, #tpu.memory_space<vmem>>)
    %add3A_677 = arith.constant 4224 : i32
    %add3A_678 = arith.addi %multiple_of3A, %add3A_677 : i32
    %dma_start3A_679 = arith.constant 0 : i32
    %dma_start3A_680 = tpu.memref_slice %arg4[%add3A_678, %dma_start3A_679] : memref<204800x64xf32, #tpu.memory_space<hbm>> -> memref<128x64xf32, #tpu.memory_space<hbm>>
    %dma_start3A_681 = arith.constant 0 : i32
    %dma_start3A_682 = tpu.memref_slice %arg4[%add3A_678, %dma_start3A_681] : memref<204800x64xf32, #tpu.memory_space<hbm>> -> memref<128x64xf32, #tpu.memory_space<hbm>>
    tpu.enqueue_dma source(%arg7 : memref<128x64xf32, #tpu.memory_space<vmem>>) target(%dma_start3A_682 : memref<128x64xf32, #tpu.memory_space<hbm>>) target_semaphore(%arg15 : memref<!tpu.dma_semaphore, #tpu.memory_space<semaphore_mem>>)
    %dma_wait3A_683 = arith.constant 0 : i32
    %dma_wait3A_684 = tpu.memref_slice %arg4[%add3A_658, %dma_wait3A_683] : memref<204800x64xf32, #tpu.memory_space<hbm>> -> memref<128x64xf32, #tpu.memory_space<hbm>>
    %dma_wait3A_685 = arith.constant 0 : i32
    %dma_wait3A_686 = tpu.memref_slice %arg4[%add3A_658, %dma_wait3A_685] : memref<204800x64xf32, #tpu.memory_space<hbm>> -> memref<128x64xf32, #tpu.memory_space<hbm>>
    tpu.wait_dma2 semaphore(%arg14 : memref<!tpu.dma_semaphore, #tpu.memory_space<semaphore_mem>>) src(%arg6 : memref<128x64xf32, #tpu.memory_space<vmem>>) dst(%dma_wait3A_686 : memref<128x64xf32, #tpu.memory_space<hbm>>)
    %dma_start3A_687 = arith.constant 4608 : i32
    %dma_start3A_688 = tpu.memref_slice %arg5[%dma_start3A_687] : memref<6400xi32, #tpu.memory_space<vmem>> -> memref<128xi32, #tpu.memory_space<vmem>>
    %dma_start3A_689 = arith.constant 0 : i32
    %dma_start3A_690 = arith.constant 0 : i32
    %dma_start3A_691 = tpu.memref_slice %arg2[%dma_start3A_689, %dma_start3A_690] : memref<1015808x64xf32, #tpu.memory_space<hbm>> -> memref<1015808x64xf32, #tpu.memory_space<hbm>>
    tpu.enqueue_indirect_dma source(%dma_start3A_691 : memref<1015808x64xf32, #tpu.memory_space<hbm>>) target(%arg6 : memref<128x64xf32, #tpu.memory_space<vmem>>) offsets(%dma_start3A_688 : memref<128xi32, #tpu.memory_space<vmem>>) semaphore(%arg10 : memref<!tpu.dma_semaphore, #tpu.memory_space<semaphore_mem>>)
    %dma_wait3A_692 = arith.constant 4352 : i32
    %dma_wait3A_693 = tpu.memref_slice %arg5[%dma_wait3A_692] : memref<6400xi32, #tpu.memory_space<vmem>> -> memref<128xi32, #tpu.memory_space<vmem>>
    %dma_wait3A_694 = arith.constant 0 : i32
    %dma_wait3A_695 = arith.constant 0 : i32
    %dma_wait3A_696 = tpu.memref_slice %arg2[%dma_wait3A_694, %dma_wait3A_695] : memref<1015808x64xf32, #tpu.memory_space<hbm>> -> memref<1015808x64xf32, #tpu.memory_space<hbm>>
    tpu.wait_indirect_dma semaphore(%arg12 : memref<!tpu.dma_semaphore, #tpu.memory_space<semaphore_mem>>) src(%dma_wait3A_696 : memref<1015808x64xf32, #tpu.memory_space<hbm>>) dst(%arg8 : memref<128x64xf32, #tpu.memory_space<vmem>>)
    %add3A_697 = arith.constant 4352 : i32
    %add3A_698 = arith.addi %multiple_of3A, %add3A_697 : i32
    %dma_start3A_699 = arith.constant 0 : i32
    %dma_start3A_700 = tpu.memref_slice %arg4[%add3A_698, %dma_start3A_699] : memref<204800x64xf32, #tpu.memory_space<hbm>> -> memref<128x64xf32, #tpu.memory_space<hbm>>
    %dma_start3A_701 = arith.constant 0 : i32
    %dma_start3A_702 = tpu.memref_slice %arg4[%add3A_698, %dma_start3A_701] : memref<204800x64xf32, #tpu.memory_space<hbm>> -> memref<128x64xf32, #tpu.memory_space<hbm>>
    tpu.enqueue_dma source(%arg8 : memref<128x64xf32, #tpu.memory_space<vmem>>) target(%dma_start3A_702 : memref<128x64xf32, #tpu.memory_space<hbm>>) target_semaphore(%arg16 : memref<!tpu.dma_semaphore, #tpu.memory_space<semaphore_mem>>)
    %dma_wait3A_703 = arith.constant 0 : i32
    %dma_wait3A_704 = tpu.memref_slice %arg4[%add3A_678, %dma_wait3A_703] : memref<204800x64xf32, #tpu.memory_space<hbm>> -> memref<128x64xf32, #tpu.memory_space<hbm>>
    %dma_wait3A_705 = arith.constant 0 : i32
    %dma_wait3A_706 = tpu.memref_slice %arg4[%add3A_678, %dma_wait3A_705] : memref<204800x64xf32, #tpu.memory_space<hbm>> -> memref<128x64xf32, #tpu.memory_space<hbm>>
    tpu.wait_dma2 semaphore(%arg15 : memref<!tpu.dma_semaphore, #tpu.memory_space<semaphore_mem>>) src(%arg7 : memref<128x64xf32, #tpu.memory_space<vmem>>) dst(%dma_wait3A_706 : memref<128x64xf32, #tpu.memory_space<hbm>>)
    %dma_start3A_707 = arith.constant 4736 : i32
    %dma_start3A_708 = tpu.memref_slice %arg5[%dma_start3A_707] : memref<6400xi32, #tpu.memory_space<vmem>> -> memref<128xi32, #tpu.memory_space<vmem>>
    %dma_start3A_709 = arith.constant 0 : i32
    %dma_start3A_710 = arith.constant 0 : i32
    %dma_start3A_711 = tpu.memref_slice %arg2[%dma_start3A_709, %dma_start3A_710] : memref<1015808x64xf32, #tpu.memory_space<hbm>> -> memref<1015808x64xf32, #tpu.memory_space<hbm>>
    tpu.enqueue_indirect_dma source(%dma_start3A_711 : memref<1015808x64xf32, #tpu.memory_space<hbm>>) target(%arg7 : memref<128x64xf32, #tpu.memory_space<vmem>>) offsets(%dma_start3A_708 : memref<128xi32, #tpu.memory_space<vmem>>) semaphore(%arg11 : memref<!tpu.dma_semaphore, #tpu.memory_space<semaphore_mem>>)
    %dma_wait3A_712 = arith.constant 4480 : i32
    %dma_wait3A_713 = tpu.memref_slice %arg5[%dma_wait3A_712] : memref<6400xi32, #tpu.memory_space<vmem>> -> memref<128xi32, #tpu.memory_space<vmem>>
    %dma_wait3A_714 = arith.constant 0 : i32
    %dma_wait3A_715 = arith.constant 0 : i32
    %dma_wait3A_716 = tpu.memref_slice %arg2[%dma_wait3A_714, %dma_wait3A_715] : memref<1015808x64xf32, #tpu.memory_space<hbm>> -> memref<1015808x64xf32, #tpu.memory_space<hbm>>
    tpu.wait_indirect_dma semaphore(%arg13 : memref<!tpu.dma_semaphore, #tpu.memory_space<semaphore_mem>>) src(%dma_wait3A_716 : memref<1015808x64xf32, #tpu.memory_space<hbm>>) dst(%arg9 : memref<128x64xf32, #tpu.memory_space<vmem>>)
    %add3A_717 = arith.constant 4480 : i32
    %add3A_718 = arith.addi %multiple_of3A, %add3A_717 : i32
    %dma_start3A_719 = arith.constant 0 : i32
    %dma_start3A_720 = tpu.memref_slice %arg4[%add3A_718, %dma_start3A_719] : memref<204800x64xf32, #tpu.memory_space<hbm>> -> memref<128x64xf32, #tpu.memory_space<hbm>>
    %dma_start3A_721 = arith.constant 0 : i32
    %dma_start3A_722 = tpu.memref_slice %arg4[%add3A_718, %dma_start3A_721] : memref<204800x64xf32, #tpu.memory_space<hbm>> -> memref<128x64xf32, #tpu.memory_space<hbm>>
    tpu.enqueue_dma source(%arg9 : memref<128x64xf32, #tpu.memory_space<vmem>>) target(%dma_start3A_722 : memref<128x64xf32, #tpu.memory_space<hbm>>) target_semaphore(%arg17 : memref<!tpu.dma_semaphore, #tpu.memory_space<semaphore_mem>>)
    %dma_wait3A_723 = arith.constant 0 : i32
    %dma_wait3A_724 = tpu.memref_slice %arg4[%add3A_698, %dma_wait3A_723] : memref<204800x64xf32, #tpu.memory_space<hbm>> -> memref<128x64xf32, #tpu.memory_space<hbm>>
    %dma_wait3A_725 = arith.constant 0 : i32
    %dma_wait3A_726 = tpu.memref_slice %arg4[%add3A_698, %dma_wait3A_725] : memref<204800x64xf32, #tpu.memory_space<hbm>> -> memref<128x64xf32, #tpu.memory_space<hbm>>
    tpu.wait_dma2 semaphore(%arg16 : memref<!tpu.dma_semaphore, #tpu.memory_space<semaphore_mem>>) src(%arg8 : memref<128x64xf32, #tpu.memory_space<vmem>>) dst(%dma_wait3A_726 : memref<128x64xf32, #tpu.memory_space<hbm>>)
    %dma_start3A_727 = arith.constant 4864 : i32
    %dma_start3A_728 = tpu.memref_slice %arg5[%dma_start3A_727] : memref<6400xi32, #tpu.memory_space<vmem>> -> memref<128xi32, #tpu.memory_space<vmem>>
    %dma_start3A_729 = arith.constant 0 : i32
    %dma_start3A_730 = arith.constant 0 : i32
    %dma_start3A_731 = tpu.memref_slice %arg2[%dma_start3A_729, %dma_start3A_730] : memref<1015808x64xf32, #tpu.memory_space<hbm>> -> memref<1015808x64xf32, #tpu.memory_space<hbm>>
    tpu.enqueue_indirect_dma source(%dma_start3A_731 : memref<1015808x64xf32, #tpu.memory_space<hbm>>) target(%arg8 : memref<128x64xf32, #tpu.memory_space<vmem>>) offsets(%dma_start3A_728 : memref<128xi32, #tpu.memory_space<vmem>>) semaphore(%arg12 : memref<!tpu.dma_semaphore, #tpu.memory_space<semaphore_mem>>)
    %dma_wait3A_732 = arith.constant 4608 : i32
    %dma_wait3A_733 = tpu.memref_slice %arg5[%dma_wait3A_732] : memref<6400xi32, #tpu.memory_space<vmem>> -> memref<128xi32, #tpu.memory_space<vmem>>
    %dma_wait3A_734 = arith.constant 0 : i32
    %dma_wait3A_735 = arith.constant 0 : i32
    %dma_wait3A_736 = tpu.memref_slice %arg2[%dma_wait3A_734, %dma_wait3A_735] : memref<1015808x64xf32, #tpu.memory_space<hbm>> -> memref<1015808x64xf32, #tpu.memory_space<hbm>>
    tpu.wait_indirect_dma semaphore(%arg10 : memref<!tpu.dma_semaphore, #tpu.memory_space<semaphore_mem>>) src(%dma_wait3A_736 : memref<1015808x64xf32, #tpu.memory_space<hbm>>) dst(%arg6 : memref<128x64xf32, #tpu.memory_space<vmem>>)
    %add3A_737 = arith.constant 4608 : i32
    %add3A_738 = arith.addi %multiple_of3A, %add3A_737 : i32
    %dma_start3A_739 = arith.constant 0 : i32
    %dma_start3A_740 = tpu.memref_slice %arg4[%add3A_738, %dma_start3A_739] : memref<204800x64xf32, #tpu.memory_space<hbm>> -> memref<128x64xf32, #tpu.memory_space<hbm>>
    %dma_start3A_741 = arith.constant 0 : i32
    %dma_start3A_742 = tpu.memref_slice %arg4[%add3A_738, %dma_start3A_741] : memref<204800x64xf32, #tpu.memory_space<hbm>> -> memref<128x64xf32, #tpu.memory_space<hbm>>
    tpu.enqueue_dma source(%arg6 : memref<128x64xf32, #tpu.memory_space<vmem>>) target(%dma_start3A_742 : memref<128x64xf32, #tpu.memory_space<hbm>>) target_semaphore(%arg14 : memref<!tpu.dma_semaphore, #tpu.memory_space<semaphore_mem>>)
    %dma_wait3A_743 = arith.constant 0 : i32
    %dma_wait3A_744 = tpu.memref_slice %arg4[%add3A_718, %dma_wait3A_743] : memref<204800x64xf32, #tpu.memory_space<hbm>> -> memref<128x64xf32, #tpu.memory_space<hbm>>
    %dma_wait3A_745 = arith.constant 0 : i32
    %dma_wait3A_746 = tpu.memref_slice %arg4[%add3A_718, %dma_wait3A_745] : memref<204800x64xf32, #tpu.memory_space<hbm>> -> memref<128x64xf32, #tpu.memory_space<hbm>>
    tpu.wait_dma2 semaphore(%arg17 : memref<!tpu.dma_semaphore, #tpu.memory_space<semaphore_mem>>) src(%arg9 : memref<128x64xf32, #tpu.memory_space<vmem>>) dst(%dma_wait3A_746 : memref<128x64xf32, #tpu.memory_space<hbm>>)
    %dma_start3A_747 = arith.constant 4992 : i32
    %dma_start3A_748 = tpu.memref_slice %arg5[%dma_start3A_747] : memref<6400xi32, #tpu.memory_space<vmem>> -> memref<128xi32, #tpu.memory_space<vmem>>
    %dma_start3A_749 = arith.constant 0 : i32
    %dma_start3A_750 = arith.constant 0 : i32
    %dma_start3A_751 = tpu.memref_slice %arg2[%dma_start3A_749, %dma_start3A_750] : memref<1015808x64xf32, #tpu.memory_space<hbm>> -> memref<1015808x64xf32, #tpu.memory_space<hbm>>
    tpu.enqueue_indirect_dma source(%dma_start3A_751 : memref<1015808x64xf32, #tpu.memory_space<hbm>>) target(%arg9 : memref<128x64xf32, #tpu.memory_space<vmem>>) offsets(%dma_start3A_748 : memref<128xi32, #tpu.memory_space<vmem>>) semaphore(%arg13 : memref<!tpu.dma_semaphore, #tpu.memory_space<semaphore_mem>>)
    %dma_wait3A_752 = arith.constant 4736 : i32
    %dma_wait3A_753 = tpu.memref_slice %arg5[%dma_wait3A_752] : memref<6400xi32, #tpu.memory_space<vmem>> -> memref<128xi32, #tpu.memory_space<vmem>>
    %dma_wait3A_754 = arith.constant 0 : i32
    %dma_wait3A_755 = arith.constant 0 : i32
    %dma_wait3A_756 = tpu.memref_slice %arg2[%dma_wait3A_754, %dma_wait3A_755] : memref<1015808x64xf32, #tpu.memory_space<hbm>> -> memref<1015808x64xf32, #tpu.memory_space<hbm>>
    tpu.wait_indirect_dma semaphore(%arg11 : memref<!tpu.dma_semaphore, #tpu.memory_space<semaphore_mem>>) src(%dma_wait3A_756 : memref<1015808x64xf32, #tpu.memory_space<hbm>>) dst(%arg7 : memref<128x64xf32, #tpu.memory_space<vmem>>)
    %add3A_757 = arith.constant 4736 : i32
    %add3A_758 = arith.addi %multiple_of3A, %add3A_757 : i32
    %dma_start3A_759 = arith.constant 0 : i32
    %dma_start3A_760 = tpu.memref_slice %arg4[%add3A_758, %dma_start3A_759] : memref<204800x64xf32, #tpu.memory_space<hbm>> -> memref<128x64xf32, #tpu.memory_space<hbm>>
    %dma_start3A_761 = arith.constant 0 : i32
    %dma_start3A_762 = tpu.memref_slice %arg4[%add3A_758, %dma_start3A_761] : memref<204800x64xf32, #tpu.memory_space<hbm>> -> memref<128x64xf32, #tpu.memory_space<hbm>>
    tpu.enqueue_dma source(%arg7 : memref<128x64xf32, #tpu.memory_space<vmem>>) target(%dma_start3A_762 : memref<128x64xf32, #tpu.memory_space<hbm>>) target_semaphore(%arg15 : memref<!tpu.dma_semaphore, #tpu.memory_space<semaphore_mem>>)
    %dma_wait3A_763 = arith.constant 0 : i32
    %dma_wait3A_764 = tpu.memref_slice %arg4[%add3A_738, %dma_wait3A_763] : memref<204800x64xf32, #tpu.memory_space<hbm>> -> memref<128x64xf32, #tpu.memory_space<hbm>>
    %dma_wait3A_765 = arith.constant 0 : i32
    %dma_wait3A_766 = tpu.memref_slice %arg4[%add3A_738, %dma_wait3A_765] : memref<204800x64xf32, #tpu.memory_space<hbm>> -> memref<128x64xf32, #tpu.memory_space<hbm>>
    tpu.wait_dma2 semaphore(%arg14 : memref<!tpu.dma_semaphore, #tpu.memory_space<semaphore_mem>>) src(%arg6 : memref<128x64xf32, #tpu.memory_space<vmem>>) dst(%dma_wait3A_766 : memref<128x64xf32, #tpu.memory_space<hbm>>)
    %dma_start3A_767 = arith.constant 5120 : i32
    %dma_start3A_768 = tpu.memref_slice %arg5[%dma_start3A_767] : memref<6400xi32, #tpu.memory_space<vmem>> -> memref<128xi32, #tpu.memory_space<vmem>>
    %dma_start3A_769 = arith.constant 0 : i32
    %dma_start3A_770 = arith.constant 0 : i32
    %dma_start3A_771 = tpu.memref_slice %arg2[%dma_start3A_769, %dma_start3A_770] : memref<1015808x64xf32, #tpu.memory_space<hbm>> -> memref<1015808x64xf32, #tpu.memory_space<hbm>>
    tpu.enqueue_indirect_dma source(%dma_start3A_771 : memref<1015808x64xf32, #tpu.memory_space<hbm>>) target(%arg6 : memref<128x64xf32, #tpu.memory_space<vmem>>) offsets(%dma_start3A_768 : memref<128xi32, #tpu.memory_space<vmem>>) semaphore(%arg10 : memref<!tpu.dma_semaphore, #tpu.memory_space<semaphore_mem>>)
    %dma_wait3A_772 = arith.constant 4864 : i32
    %dma_wait3A_773 = tpu.memref_slice %arg5[%dma_wait3A_772] : memref<6400xi32, #tpu.memory_space<vmem>> -> memref<128xi32, #tpu.memory_space<vmem>>
    %dma_wait3A_774 = arith.constant 0 : i32
    %dma_wait3A_775 = arith.constant 0 : i32
    %dma_wait3A_776 = tpu.memref_slice %arg2[%dma_wait3A_774, %dma_wait3A_775] : memref<1015808x64xf32, #tpu.memory_space<hbm>> -> memref<1015808x64xf32, #tpu.memory_space<hbm>>
    tpu.wait_indirect_dma semaphore(%arg12 : memref<!tpu.dma_semaphore, #tpu.memory_space<semaphore_mem>>) src(%dma_wait3A_776 : memref<1015808x64xf32, #tpu.memory_space<hbm>>) dst(%arg8 : memref<128x64xf32, #tpu.memory_space<vmem>>)
    %add3A_777 = arith.constant 4864 : i32
    %add3A_778 = arith.addi %multiple_of3A, %add3A_777 : i32
    %dma_start3A_779 = arith.constant 0 : i32
    %dma_start3A_780 = tpu.memref_slice %arg4[%add3A_778, %dma_start3A_779] : memref<204800x64xf32, #tpu.memory_space<hbm>> -> memref<128x64xf32, #tpu.memory_space<hbm>>
    %dma_start3A_781 = arith.constant 0 : i32
    %dma_start3A_782 = tpu.memref_slice %arg4[%add3A_778, %dma_start3A_781] : memref<204800x64xf32, #tpu.memory_space<hbm>> -> memref<128x64xf32, #tpu.memory_space<hbm>>
    tpu.enqueue_dma source(%arg8 : memref<128x64xf32, #tpu.memory_space<vmem>>) target(%dma_start3A_782 : memref<128x64xf32, #tpu.memory_space<hbm>>) target_semaphore(%arg16 : memref<!tpu.dma_semaphore, #tpu.memory_space<semaphore_mem>>)
    %dma_wait3A_783 = arith.constant 0 : i32
    %dma_wait3A_784 = tpu.memref_slice %arg4[%add3A_758, %dma_wait3A_783] : memref<204800x64xf32, #tpu.memory_space<hbm>> -> memref<128x64xf32, #tpu.memory_space<hbm>>
    %dma_wait3A_785 = arith.constant 0 : i32
    %dma_wait3A_786 = tpu.memref_slice %arg4[%add3A_758, %dma_wait3A_785] : memref<204800x64xf32, #tpu.memory_space<hbm>> -> memref<128x64xf32, #tpu.memory_space<hbm>>
    tpu.wait_dma2 semaphore(%arg15 : memref<!tpu.dma_semaphore, #tpu.memory_space<semaphore_mem>>) src(%arg7 : memref<128x64xf32, #tpu.memory_space<vmem>>) dst(%dma_wait3A_786 : memref<128x64xf32, #tpu.memory_space<hbm>>)
    %dma_start3A_787 = arith.constant 5248 : i32
    %dma_start3A_788 = tpu.memref_slice %arg5[%dma_start3A_787] : memref<6400xi32, #tpu.memory_space<vmem>> -> memref<128xi32, #tpu.memory_space<vmem>>
    %dma_start3A_789 = arith.constant 0 : i32
    %dma_start3A_790 = arith.constant 0 : i32
    %dma_start3A_791 = tpu.memref_slice %arg2[%dma_start3A_789, %dma_start3A_790] : memref<1015808x64xf32, #tpu.memory_space<hbm>> -> memref<1015808x64xf32, #tpu.memory_space<hbm>>
    tpu.enqueue_indirect_dma source(%dma_start3A_791 : memref<1015808x64xf32, #tpu.memory_space<hbm>>) target(%arg7 : memref<128x64xf32, #tpu.memory_space<vmem>>) offsets(%dma_start3A_788 : memref<128xi32, #tpu.memory_space<vmem>>) semaphore(%arg11 : memref<!tpu.dma_semaphore, #tpu.memory_space<semaphore_mem>>)
    %dma_wait3A_792 = arith.constant 4992 : i32
    %dma_wait3A_793 = tpu.memref_slice %arg5[%dma_wait3A_792] : memref<6400xi32, #tpu.memory_space<vmem>> -> memref<128xi32, #tpu.memory_space<vmem>>
    %dma_wait3A_794 = arith.constant 0 : i32
    %dma_wait3A_795 = arith.constant 0 : i32
    %dma_wait3A_796 = tpu.memref_slice %arg2[%dma_wait3A_794, %dma_wait3A_795] : memref<1015808x64xf32, #tpu.memory_space<hbm>> -> memref<1015808x64xf32, #tpu.memory_space<hbm>>
    tpu.wait_indirect_dma semaphore(%arg13 : memref<!tpu.dma_semaphore, #tpu.memory_space<semaphore_mem>>) src(%dma_wait3A_796 : memref<1015808x64xf32, #tpu.memory_space<hbm>>) dst(%arg9 : memref<128x64xf32, #tpu.memory_space<vmem>>)
    %add3A_797 = arith.constant 4992 : i32
    %add3A_798 = arith.addi %multiple_of3A, %add3A_797 : i32
    %dma_start3A_799 = arith.constant 0 : i32
    %dma_start3A_800 = tpu.memref_slice %arg4[%add3A_798, %dma_start3A_799] : memref<204800x64xf32, #tpu.memory_space<hbm>> -> memref<128x64xf32, #tpu.memory_space<hbm>>
    %dma_start3A_801 = arith.constant 0 : i32
    %dma_start3A_802 = tpu.memref_slice %arg4[%add3A_798, %dma_start3A_801] : memref<204800x64xf32, #tpu.memory_space<hbm>> -> memref<128x64xf32, #tpu.memory_space<hbm>>
    tpu.enqueue_dma source(%arg9 : memref<128x64xf32, #tpu.memory_space<vmem>>) target(%dma_start3A_802 : memref<128x64xf32, #tpu.memory_space<hbm>>) target_semaphore(%arg17 : memref<!tpu.dma_semaphore, #tpu.memory_space<semaphore_mem>>)
    %dma_wait3A_803 = arith.constant 0 : i32
    %dma_wait3A_804 = tpu.memref_slice %arg4[%add3A_778, %dma_wait3A_803] : memref<204800x64xf32, #tpu.memory_space<hbm>> -> memref<128x64xf32, #tpu.memory_space<hbm>>
    %dma_wait3A_805 = arith.constant 0 : i32
    %dma_wait3A_806 = tpu.memref_slice %arg4[%add3A_778, %dma_wait3A_805] : memref<204800x64xf32, #tpu.memory_space<hbm>> -> memref<128x64xf32, #tpu.memory_space<hbm>>
    tpu.wait_dma2 semaphore(%arg16 : memref<!tpu.dma_semaphore, #tpu.memory_space<semaphore_mem>>) src(%arg8 : memref<128x64xf32, #tpu.memory_space<vmem>>) dst(%dma_wait3A_806 : memref<128x64xf32, #tpu.memory_space<hbm>>)
    %dma_start3A_807 = arith.constant 5376 : i32
    %dma_start3A_808 = tpu.memref_slice %arg5[%dma_start3A_807] : memref<6400xi32, #tpu.memory_space<vmem>> -> memref<128xi32, #tpu.memory_space<vmem>>
    %dma_start3A_809 = arith.constant 0 : i32
    %dma_start3A_810 = arith.constant 0 : i32
    %dma_start3A_811 = tpu.memref_slice %arg2[%dma_start3A_809, %dma_start3A_810] : memref<1015808x64xf32, #tpu.memory_space<hbm>> -> memref<1015808x64xf32, #tpu.memory_space<hbm>>
    tpu.enqueue_indirect_dma source(%dma_start3A_811 : memref<1015808x64xf32, #tpu.memory_space<hbm>>) target(%arg8 : memref<128x64xf32, #tpu.memory_space<vmem>>) offsets(%dma_start3A_808 : memref<128xi32, #tpu.memory_space<vmem>>) semaphore(%arg12 : memref<!tpu.dma_semaphore, #tpu.memory_space<semaphore_mem>>)
    %dma_wait3A_812 = arith.constant 5120 : i32
    %dma_wait3A_813 = tpu.memref_slice %arg5[%dma_wait3A_812] : memref<6400xi32, #tpu.memory_space<vmem>> -> memref<128xi32, #tpu.memory_space<vmem>>
    %dma_wait3A_814 = arith.constant 0 : i32
    %dma_wait3A_815 = arith.constant 0 : i32
    %dma_wait3A_816 = tpu.memref_slice %arg2[%dma_wait3A_814, %dma_wait3A_815] : memref<1015808x64xf32, #tpu.memory_space<hbm>> -> memref<1015808x64xf32, #tpu.memory_space<hbm>>
    tpu.wait_indirect_dma semaphore(%arg10 : memref<!tpu.dma_semaphore, #tpu.memory_space<semaphore_mem>>) src(%dma_wait3A_816 : memref<1015808x64xf32, #tpu.memory_space<hbm>>) dst(%arg6 : memref<128x64xf32, #tpu.memory_space<vmem>>)
    %add3A_817 = arith.constant 5120 : i32
    %add3A_818 = arith.addi %multiple_of3A, %add3A_817 : i32
    %dma_start3A_819 = arith.constant 0 : i32
    %dma_start3A_820 = tpu.memref_slice %arg4[%add3A_818, %dma_start3A_819] : memref<204800x64xf32, #tpu.memory_space<hbm>> -> memref<128x64xf32, #tpu.memory_space<hbm>>
    %dma_start3A_821 = arith.constant 0 : i32
    %dma_start3A_822 = tpu.memref_slice %arg4[%add3A_818, %dma_start3A_821] : memref<204800x64xf32, #tpu.memory_space<hbm>> -> memref<128x64xf32, #tpu.memory_space<hbm>>
    tpu.enqueue_dma source(%arg6 : memref<128x64xf32, #tpu.memory_space<vmem>>) target(%dma_start3A_822 : memref<128x64xf32, #tpu.memory_space<hbm>>) target_semaphore(%arg14 : memref<!tpu.dma_semaphore, #tpu.memory_space<semaphore_mem>>)
    %dma_wait3A_823 = arith.constant 0 : i32
    %dma_wait3A_824 = tpu.memref_slice %arg4[%add3A_798, %dma_wait3A_823] : memref<204800x64xf32, #tpu.memory_space<hbm>> -> memref<128x64xf32, #tpu.memory_space<hbm>>
    %dma_wait3A_825 = arith.constant 0 : i32
    %dma_wait3A_826 = tpu.memref_slice %arg4[%add3A_798, %dma_wait3A_825] : memref<204800x64xf32, #tpu.memory_space<hbm>> -> memref<128x64xf32, #tpu.memory_space<hbm>>
    tpu.wait_dma2 semaphore(%arg17 : memref<!tpu.dma_semaphore, #tpu.memory_space<semaphore_mem>>) src(%arg9 : memref<128x64xf32, #tpu.memory_space<vmem>>) dst(%dma_wait3A_826 : memref<128x64xf32, #tpu.memory_space<hbm>>)
    %dma_start3A_827 = arith.constant 5504 : i32
    %dma_start3A_828 = tpu.memref_slice %arg5[%dma_start3A_827] : memref<6400xi32, #tpu.memory_space<vmem>> -> memref<128xi32, #tpu.memory_space<vmem>>
    %dma_start3A_829 = arith.constant 0 : i32
    %dma_start3A_830 = arith.constant 0 : i32
    %dma_start3A_831 = tpu.memref_slice %arg2[%dma_start3A_829, %dma_start3A_830] : memref<1015808x64xf32, #tpu.memory_space<hbm>> -> memref<1015808x64xf32, #tpu.memory_space<hbm>>
    tpu.enqueue_indirect_dma source(%dma_start3A_831 : memref<1015808x64xf32, #tpu.memory_space<hbm>>) target(%arg9 : memref<128x64xf32, #tpu.memory_space<vmem>>) offsets(%dma_start3A_828 : memref<128xi32, #tpu.memory_space<vmem>>) semaphore(%arg13 : memref<!tpu.dma_semaphore, #tpu.memory_space<semaphore_mem>>)
    %dma_wait3A_832 = arith.constant 5248 : i32
    %dma_wait3A_833 = tpu.memref_slice %arg5[%dma_wait3A_832] : memref<6400xi32, #tpu.memory_space<vmem>> -> memref<128xi32, #tpu.memory_space<vmem>>
    %dma_wait3A_834 = arith.constant 0 : i32
    %dma_wait3A_835 = arith.constant 0 : i32
    %dma_wait3A_836 = tpu.memref_slice %arg2[%dma_wait3A_834, %dma_wait3A_835] : memref<1015808x64xf32, #tpu.memory_space<hbm>> -> memref<1015808x64xf32, #tpu.memory_space<hbm>>
    tpu.wait_indirect_dma semaphore(%arg11 : memref<!tpu.dma_semaphore, #tpu.memory_space<semaphore_mem>>) src(%dma_wait3A_836 : memref<1015808x64xf32, #tpu.memory_space<hbm>>) dst(%arg7 : memref<128x64xf32, #tpu.memory_space<vmem>>)
    %add3A_837 = arith.constant 5248 : i32
    %add3A_838 = arith.addi %multiple_of3A, %add3A_837 : i32
    %dma_start3A_839 = arith.constant 0 : i32
    %dma_start3A_840 = tpu.memref_slice %arg4[%add3A_838, %dma_start3A_839] : memref<204800x64xf32, #tpu.memory_space<hbm>> -> memref<128x64xf32, #tpu.memory_space<hbm>>
    %dma_start3A_841 = arith.constant 0 : i32
    %dma_start3A_842 = tpu.memref_slice %arg4[%add3A_838, %dma_start3A_841] : memref<204800x64xf32, #tpu.memory_space<hbm>> -> memref<128x64xf32, #tpu.memory_space<hbm>>
    tpu.enqueue_dma source(%arg7 : memref<128x64xf32, #tpu.memory_space<vmem>>) target(%dma_start3A_842 : memref<128x64xf32, #tpu.memory_space<hbm>>) target_semaphore(%arg15 : memref<!tpu.dma_semaphore, #tpu.memory_space<semaphore_mem>>)
    %dma_wait3A_843 = arith.constant 0 : i32
    %dma_wait3A_844 = tpu.memref_slice %arg4[%add3A_818, %dma_wait3A_843] : memref<204800x64xf32, #tpu.memory_space<hbm>> -> memref<128x64xf32, #tpu.memory_space<hbm>>
    %dma_wait3A_845 = arith.constant 0 : i32
    %dma_wait3A_846 = tpu.memref_slice %arg4[%add3A_818, %dma_wait3A_845] : memref<204800x64xf32, #tpu.memory_space<hbm>> -> memref<128x64xf32, #tpu.memory_space<hbm>>
    tpu.wait_dma2 semaphore(%arg14 : memref<!tpu.dma_semaphore, #tpu.memory_space<semaphore_mem>>) src(%arg6 : memref<128x64xf32, #tpu.memory_space<vmem>>) dst(%dma_wait3A_846 : memref<128x64xf32, #tpu.memory_space<hbm>>)
    %dma_start3A_847 = arith.constant 5632 : i32
    %dma_start3A_848 = tpu.memref_slice %arg5[%dma_start3A_847] : memref<6400xi32, #tpu.memory_space<vmem>> -> memref<128xi32, #tpu.memory_space<vmem>>
    %dma_start3A_849 = arith.constant 0 : i32
    %dma_start3A_850 = arith.constant 0 : i32
    %dma_start3A_851 = tpu.memref_slice %arg2[%dma_start3A_849, %dma_start3A_850] : memref<1015808x64xf32, #tpu.memory_space<hbm>> -> memref<1015808x64xf32, #tpu.memory_space<hbm>>
    tpu.enqueue_indirect_dma source(%dma_start3A_851 : memref<1015808x64xf32, #tpu.memory_space<hbm>>) target(%arg6 : memref<128x64xf32, #tpu.memory_space<vmem>>) offsets(%dma_start3A_848 : memref<128xi32, #tpu.memory_space<vmem>>) semaphore(%arg10 : memref<!tpu.dma_semaphore, #tpu.memory_space<semaphore_mem>>)
    %dma_wait3A_852 = arith.constant 5376 : i32
    %dma_wait3A_853 = tpu.memref_slice %arg5[%dma_wait3A_852] : memref<6400xi32, #tpu.memory_space<vmem>> -> memref<128xi32, #tpu.memory_space<vmem>>
    %dma_wait3A_854 = arith.constant 0 : i32
    %dma_wait3A_855 = arith.constant 0 : i32
    %dma_wait3A_856 = tpu.memref_slice %arg2[%dma_wait3A_854, %dma_wait3A_855] : memref<1015808x64xf32, #tpu.memory_space<hbm>> -> memref<1015808x64xf32, #tpu.memory_space<hbm>>
    tpu.wait_indirect_dma semaphore(%arg12 : memref<!tpu.dma_semaphore, #tpu.memory_space<semaphore_mem>>) src(%dma_wait3A_856 : memref<1015808x64xf32, #tpu.memory_space<hbm>>) dst(%arg8 : memref<128x64xf32, #tpu.memory_space<vmem>>)
    %add3A_857 = arith.constant 5376 : i32
    %add3A_858 = arith.addi %multiple_of3A, %add3A_857 : i32
    %dma_start3A_859 = arith.constant 0 : i32
    %dma_start3A_860 = tpu.memref_slice %arg4[%add3A_858, %dma_start3A_859] : memref<204800x64xf32, #tpu.memory_space<hbm>> -> memref<128x64xf32, #tpu.memory_space<hbm>>
    %dma_start3A_861 = arith.constant 0 : i32
    %dma_start3A_862 = tpu.memref_slice %arg4[%add3A_858, %dma_start3A_861] : memref<204800x64xf32, #tpu.memory_space<hbm>> -> memref<128x64xf32, #tpu.memory_space<hbm>>
    tpu.enqueue_dma source(%arg8 : memref<128x64xf32, #tpu.memory_space<vmem>>) target(%dma_start3A_862 : memref<128x64xf32, #tpu.memory_space<hbm>>) target_semaphore(%arg16 : memref<!tpu.dma_semaphore, #tpu.memory_space<semaphore_mem>>)
    %dma_wait3A_863 = arith.constant 0 : i32
    %dma_wait3A_864 = tpu.memref_slice %arg4[%add3A_838, %dma_wait3A_863] : memref<204800x64xf32, #tpu.memory_space<hbm>> -> memref<128x64xf32, #tpu.memory_space<hbm>>
    %dma_wait3A_865 = arith.constant 0 : i32
    %dma_wait3A_866 = tpu.memref_slice %arg4[%add3A_838, %dma_wait3A_865] : memref<204800x64xf32, #tpu.memory_space<hbm>> -> memref<128x64xf32, #tpu.memory_space<hbm>>
    tpu.wait_dma2 semaphore(%arg15 : memref<!tpu.dma_semaphore, #tpu.memory_space<semaphore_mem>>) src(%arg7 : memref<128x64xf32, #tpu.memory_space<vmem>>) dst(%dma_wait3A_866 : memref<128x64xf32, #tpu.memory_space<hbm>>)
    %dma_start3A_867 = arith.constant 5760 : i32
    %dma_start3A_868 = tpu.memref_slice %arg5[%dma_start3A_867] : memref<6400xi32, #tpu.memory_space<vmem>> -> memref<128xi32, #tpu.memory_space<vmem>>
    %dma_start3A_869 = arith.constant 0 : i32
    %dma_start3A_870 = arith.constant 0 : i32
    %dma_start3A_871 = tpu.memref_slice %arg2[%dma_start3A_869, %dma_start3A_870] : memref<1015808x64xf32, #tpu.memory_space<hbm>> -> memref<1015808x64xf32, #tpu.memory_space<hbm>>
    tpu.enqueue_indirect_dma source(%dma_start3A_871 : memref<1015808x64xf32, #tpu.memory_space<hbm>>) target(%arg7 : memref<128x64xf32, #tpu.memory_space<vmem>>) offsets(%dma_start3A_868 : memref<128xi32, #tpu.memory_space<vmem>>) semaphore(%arg11 : memref<!tpu.dma_semaphore, #tpu.memory_space<semaphore_mem>>)
    %dma_wait3A_872 = arith.constant 5504 : i32
    %dma_wait3A_873 = tpu.memref_slice %arg5[%dma_wait3A_872] : memref<6400xi32, #tpu.memory_space<vmem>> -> memref<128xi32, #tpu.memory_space<vmem>>
    %dma_wait3A_874 = arith.constant 0 : i32
    %dma_wait3A_875 = arith.constant 0 : i32
    %dma_wait3A_876 = tpu.memref_slice %arg2[%dma_wait3A_874, %dma_wait3A_875] : memref<1015808x64xf32, #tpu.memory_space<hbm>> -> memref<1015808x64xf32, #tpu.memory_space<hbm>>
    tpu.wait_indirect_dma semaphore(%arg13 : memref<!tpu.dma_semaphore, #tpu.memory_space<semaphore_mem>>) src(%dma_wait3A_876 : memref<1015808x64xf32, #tpu.memory_space<hbm>>) dst(%arg9 : memref<128x64xf32, #tpu.memory_space<vmem>>)
    %add3A_877 = arith.constant 5504 : i32
    %add3A_878 = arith.addi %multiple_of3A, %add3A_877 : i32
    %dma_start3A_879 = arith.constant 0 : i32
    %dma_start3A_880 = tpu.memref_slice %arg4[%add3A_878, %dma_start3A_879] : memref<204800x64xf32, #tpu.memory_space<hbm>> -> memref<128x64xf32, #tpu.memory_space<hbm>>
    %dma_start3A_881 = arith.constant 0 : i32
    %dma_start3A_882 = tpu.memref_slice %arg4[%add3A_878, %dma_start3A_881] : memref<204800x64xf32, #tpu.memory_space<hbm>> -> memref<128x64xf32, #tpu.memory_space<hbm>>
    tpu.enqueue_dma source(%arg9 : memref<128x64xf32, #tpu.memory_space<vmem>>) target(%dma_start3A_882 : memref<128x64xf32, #tpu.memory_space<hbm>>) target_semaphore(%arg17 : memref<!tpu.dma_semaphore, #tpu.memory_space<semaphore_mem>>)
    %dma_wait3A_883 = arith.constant 0 : i32
    %dma_wait3A_884 = tpu.memref_slice %arg4[%add3A_858, %dma_wait3A_883] : memref<204800x64xf32, #tpu.memory_space<hbm>> -> memref<128x64xf32, #tpu.memory_space<hbm>>
    %dma_wait3A_885 = arith.constant 0 : i32
    %dma_wait3A_886 = tpu.memref_slice %arg4[%add3A_858, %dma_wait3A_885] : memref<204800x64xf32, #tpu.memory_space<hbm>> -> memref<128x64xf32, #tpu.memory_space<hbm>>
    tpu.wait_dma2 semaphore(%arg16 : memref<!tpu.dma_semaphore, #tpu.memory_space<semaphore_mem>>) src(%arg8 : memref<128x64xf32, #tpu.memory_space<vmem>>) dst(%dma_wait3A_886 : memref<128x64xf32, #tpu.memory_space<hbm>>)
    %dma_start3A_887 = arith.constant 5888 : i32
    %dma_start3A_888 = tpu.memref_slice %arg5[%dma_start3A_887] : memref<6400xi32, #tpu.memory_space<vmem>> -> memref<128xi32, #tpu.memory_space<vmem>>
    %dma_start3A_889 = arith.constant 0 : i32
    %dma_start3A_890 = arith.constant 0 : i32
    %dma_start3A_891 = tpu.memref_slice %arg2[%dma_start3A_889, %dma_start3A_890] : memref<1015808x64xf32, #tpu.memory_space<hbm>> -> memref<1015808x64xf32, #tpu.memory_space<hbm>>
    tpu.enqueue_indirect_dma source(%dma_start3A_891 : memref<1015808x64xf32, #tpu.memory_space<hbm>>) target(%arg8 : memref<128x64xf32, #tpu.memory_space<vmem>>) offsets(%dma_start3A_888 : memref<128xi32, #tpu.memory_space<vmem>>) semaphore(%arg12 : memref<!tpu.dma_semaphore, #tpu.memory_space<semaphore_mem>>)
    %dma_wait3A_892 = arith.constant 5632 : i32
    %dma_wait3A_893 = tpu.memref_slice %arg5[%dma_wait3A_892] : memref<6400xi32, #tpu.memory_space<vmem>> -> memref<128xi32, #tpu.memory_space<vmem>>
    %dma_wait3A_894 = arith.constant 0 : i32
    %dma_wait3A_895 = arith.constant 0 : i32
    %dma_wait3A_896 = tpu.memref_slice %arg2[%dma_wait3A_894, %dma_wait3A_895] : memref<1015808x64xf32, #tpu.memory_space<hbm>> -> memref<1015808x64xf32, #tpu.memory_space<hbm>>
    tpu.wait_indirect_dma semaphore(%arg10 : memref<!tpu.dma_semaphore, #tpu.memory_space<semaphore_mem>>) src(%dma_wait3A_896 : memref<1015808x64xf32, #tpu.memory_space<hbm>>) dst(%arg6 : memref<128x64xf32, #tpu.memory_space<vmem>>)
    %add3A_897 = arith.constant 5632 : i32
    %add3A_898 = arith.addi %multiple_of3A, %add3A_897 : i32
    %dma_start3A_899 = arith.constant 0 : i32
    %dma_start3A_900 = tpu.memref_slice %arg4[%add3A_898, %dma_start3A_899] : memref<204800x64xf32, #tpu.memory_space<hbm>> -> memref<128x64xf32, #tpu.memory_space<hbm>>
    %dma_start3A_901 = arith.constant 0 : i32
    %dma_start3A_902 = tpu.memref_slice %arg4[%add3A_898, %dma_start3A_901] : memref<204800x64xf32, #tpu.memory_space<hbm>> -> memref<128x64xf32, #tpu.memory_space<hbm>>
    tpu.enqueue_dma source(%arg6 : memref<128x64xf32, #tpu.memory_space<vmem>>) target(%dma_start3A_902 : memref<128x64xf32, #tpu.memory_space<hbm>>) target_semaphore(%arg14 : memref<!tpu.dma_semaphore, #tpu.memory_space<semaphore_mem>>)
    %dma_wait3A_903 = arith.constant 0 : i32
    %dma_wait3A_904 = tpu.memref_slice %arg4[%add3A_878, %dma_wait3A_903] : memref<204800x64xf32, #tpu.memory_space<hbm>> -> memref<128x64xf32, #tpu.memory_space<hbm>>
    %dma_wait3A_905 = arith.constant 0 : i32
    %dma_wait3A_906 = tpu.memref_slice %arg4[%add3A_878, %dma_wait3A_905] : memref<204800x64xf32, #tpu.memory_space<hbm>> -> memref<128x64xf32, #tpu.memory_space<hbm>>
    tpu.wait_dma2 semaphore(%arg17 : memref<!tpu.dma_semaphore, #tpu.memory_space<semaphore_mem>>) src(%arg9 : memref<128x64xf32, #tpu.memory_space<vmem>>) dst(%dma_wait3A_906 : memref<128x64xf32, #tpu.memory_space<hbm>>)
    %dma_start3A_907 = arith.constant 6016 : i32
    %dma_start3A_908 = tpu.memref_slice %arg5[%dma_start3A_907] : memref<6400xi32, #tpu.memory_space<vmem>> -> memref<128xi32, #tpu.memory_space<vmem>>
    %dma_start3A_909 = arith.constant 0 : i32
    %dma_start3A_910 = arith.constant 0 : i32
    %dma_start3A_911 = tpu.memref_slice %arg2[%dma_start3A_909, %dma_start3A_910] : memref<1015808x64xf32, #tpu.memory_space<hbm>> -> memref<1015808x64xf32, #tpu.memory_space<hbm>>
    tpu.enqueue_indirect_dma source(%dma_start3A_911 : memref<1015808x64xf32, #tpu.memory_space<hbm>>) target(%arg9 : memref<128x64xf32, #tpu.memory_space<vmem>>) offsets(%dma_start3A_908 : memref<128xi32, #tpu.memory_space<vmem>>) semaphore(%arg13 : memref<!tpu.dma_semaphore, #tpu.memory_space<semaphore_mem>>)
    %dma_wait3A_912 = arith.constant 5760 : i32
    %dma_wait3A_913 = tpu.memref_slice %arg5[%dma_wait3A_912] : memref<6400xi32, #tpu.memory_space<vmem>> -> memref<128xi32, #tpu.memory_space<vmem>>
    %dma_wait3A_914 = arith.constant 0 : i32
    %dma_wait3A_915 = arith.constant 0 : i32
    %dma_wait3A_916 = tpu.memref_slice %arg2[%dma_wait3A_914, %dma_wait3A_915] : memref<1015808x64xf32, #tpu.memory_space<hbm>> -> memref<1015808x64xf32, #tpu.memory_space<hbm>>
    tpu.wait_indirect_dma semaphore(%arg11 : memref<!tpu.dma_semaphore, #tpu.memory_space<semaphore_mem>>) src(%dma_wait3A_916 : memref<1015808x64xf32, #tpu.memory_space<hbm>>) dst(%arg7 : memref<128x64xf32, #tpu.memory_space<vmem>>)
    %add3A_917 = arith.constant 5760 : i32
    %add3A_918 = arith.addi %multiple_of3A, %add3A_917 : i32
    %dma_start3A_919 = arith.constant 0 : i32
    %dma_start3A_920 = tpu.memref_slice %arg4[%add3A_918, %dma_start3A_919] : memref<204800x64xf32, #tpu.memory_space<hbm>> -> memref<128x64xf32, #tpu.memory_space<hbm>>
    %dma_start3A_921 = arith.constant 0 : i32
    %dma_start3A_922 = tpu.memref_slice %arg4[%add3A_918, %dma_start3A_921] : memref<204800x64xf32, #tpu.memory_space<hbm>> -> memref<128x64xf32, #tpu.memory_space<hbm>>
    tpu.enqueue_dma source(%arg7 : memref<128x64xf32, #tpu.memory_space<vmem>>) target(%dma_start3A_922 : memref<128x64xf32, #tpu.memory_space<hbm>>) target_semaphore(%arg15 : memref<!tpu.dma_semaphore, #tpu.memory_space<semaphore_mem>>)
    %dma_wait3A_923 = arith.constant 0 : i32
    %dma_wait3A_924 = tpu.memref_slice %arg4[%add3A_898, %dma_wait3A_923] : memref<204800x64xf32, #tpu.memory_space<hbm>> -> memref<128x64xf32, #tpu.memory_space<hbm>>
    %dma_wait3A_925 = arith.constant 0 : i32
    %dma_wait3A_926 = tpu.memref_slice %arg4[%add3A_898, %dma_wait3A_925] : memref<204800x64xf32, #tpu.memory_space<hbm>> -> memref<128x64xf32, #tpu.memory_space<hbm>>
    tpu.wait_dma2 semaphore(%arg14 : memref<!tpu.dma_semaphore, #tpu.memory_space<semaphore_mem>>) src(%arg6 : memref<128x64xf32, #tpu.memory_space<vmem>>) dst(%dma_wait3A_926 : memref<128x64xf32, #tpu.memory_space<hbm>>)
    %dma_start3A_927 = arith.constant 6144 : i32
    %dma_start3A_928 = tpu.memref_slice %arg5[%dma_start3A_927] : memref<6400xi32, #tpu.memory_space<vmem>> -> memref<128xi32, #tpu.memory_space<vmem>>
    %dma_start3A_929 = arith.constant 0 : i32
    %dma_start3A_930 = arith.constant 0 : i32
    %dma_start3A_931 = tpu.memref_slice %arg2[%dma_start3A_929, %dma_start3A_930] : memref<1015808x64xf32, #tpu.memory_space<hbm>> -> memref<1015808x64xf32, #tpu.memory_space<hbm>>
    tpu.enqueue_indirect_dma source(%dma_start3A_931 : memref<1015808x64xf32, #tpu.memory_space<hbm>>) target(%arg6 : memref<128x64xf32, #tpu.memory_space<vmem>>) offsets(%dma_start3A_928 : memref<128xi32, #tpu.memory_space<vmem>>) semaphore(%arg10 : memref<!tpu.dma_semaphore, #tpu.memory_space<semaphore_mem>>)
    %dma_wait3A_932 = arith.constant 5888 : i32
    %dma_wait3A_933 = tpu.memref_slice %arg5[%dma_wait3A_932] : memref<6400xi32, #tpu.memory_space<vmem>> -> memref<128xi32, #tpu.memory_space<vmem>>
    %dma_wait3A_934 = arith.constant 0 : i32
    %dma_wait3A_935 = arith.constant 0 : i32
    %dma_wait3A_936 = tpu.memref_slice %arg2[%dma_wait3A_934, %dma_wait3A_935] : memref<1015808x64xf32, #tpu.memory_space<hbm>> -> memref<1015808x64xf32, #tpu.memory_space<hbm>>
    tpu.wait_indirect_dma semaphore(%arg12 : memref<!tpu.dma_semaphore, #tpu.memory_space<semaphore_mem>>) src(%dma_wait3A_936 : memref<1015808x64xf32, #tpu.memory_space<hbm>>) dst(%arg8 : memref<128x64xf32, #tpu.memory_space<vmem>>)
    %add3A_937 = arith.constant 5888 : i32
    %add3A_938 = arith.addi %multiple_of3A, %add3A_937 : i32
    %dma_start3A_939 = arith.constant 0 : i32
    %dma_start3A_940 = tpu.memref_slice %arg4[%add3A_938, %dma_start3A_939] : memref<204800x64xf32, #tpu.memory_space<hbm>> -> memref<128x64xf32, #tpu.memory_space<hbm>>
    %dma_start3A_941 = arith.constant 0 : i32
    %dma_start3A_942 = tpu.memref_slice %arg4[%add3A_938, %dma_start3A_941] : memref<204800x64xf32, #tpu.memory_space<hbm>> -> memref<128x64xf32, #tpu.memory_space<hbm>>
    tpu.enqueue_dma source(%arg8 : memref<128x64xf32, #tpu.memory_space<vmem>>) target(%dma_start3A_942 : memref<128x64xf32, #tpu.memory_space<hbm>>) target_semaphore(%arg16 : memref<!tpu.dma_semaphore, #tpu.memory_space<semaphore_mem>>)
    %dma_wait3A_943 = arith.constant 0 : i32
    %dma_wait3A_944 = tpu.memref_slice %arg4[%add3A_918, %dma_wait3A_943] : memref<204800x64xf32, #tpu.memory_space<hbm>> -> memref<128x64xf32, #tpu.memory_space<hbm>>
    %dma_wait3A_945 = arith.constant 0 : i32
    %dma_wait3A_946 = tpu.memref_slice %arg4[%add3A_918, %dma_wait3A_945] : memref<204800x64xf32, #tpu.memory_space<hbm>> -> memref<128x64xf32, #tpu.memory_space<hbm>>
    tpu.wait_dma2 semaphore(%arg15 : memref<!tpu.dma_semaphore, #tpu.memory_space<semaphore_mem>>) src(%arg7 : memref<128x64xf32, #tpu.memory_space<vmem>>) dst(%dma_wait3A_946 : memref<128x64xf32, #tpu.memory_space<hbm>>)
    %dma_start3A_947 = arith.constant 6272 : i32
    %dma_start3A_948 = tpu.memref_slice %arg5[%dma_start3A_947] : memref<6400xi32, #tpu.memory_space<vmem>> -> memref<128xi32, #tpu.memory_space<vmem>>
    %dma_start3A_949 = arith.constant 0 : i32
    %dma_start3A_950 = arith.constant 0 : i32
    %dma_start3A_951 = tpu.memref_slice %arg2[%dma_start3A_949, %dma_start3A_950] : memref<1015808x64xf32, #tpu.memory_space<hbm>> -> memref<1015808x64xf32, #tpu.memory_space<hbm>>
    tpu.enqueue_indirect_dma source(%dma_start3A_951 : memref<1015808x64xf32, #tpu.memory_space<hbm>>) target(%arg7 : memref<128x64xf32, #tpu.memory_space<vmem>>) offsets(%dma_start3A_948 : memref<128xi32, #tpu.memory_space<vmem>>) semaphore(%arg11 : memref<!tpu.dma_semaphore, #tpu.memory_space<semaphore_mem>>)
    %dma_wait3A_952 = arith.constant 6016 : i32
    %dma_wait3A_953 = tpu.memref_slice %arg5[%dma_wait3A_952] : memref<6400xi32, #tpu.memory_space<vmem>> -> memref<128xi32, #tpu.memory_space<vmem>>
    %dma_wait3A_954 = arith.constant 0 : i32
    %dma_wait3A_955 = arith.constant 0 : i32
    %dma_wait3A_956 = tpu.memref_slice %arg2[%dma_wait3A_954, %dma_wait3A_955] : memref<1015808x64xf32, #tpu.memory_space<hbm>> -> memref<1015808x64xf32, #tpu.memory_space<hbm>>
    tpu.wait_indirect_dma semaphore(%arg13 : memref<!tpu.dma_semaphore, #tpu.memory_space<semaphore_mem>>) src(%dma_wait3A_956 : memref<1015808x64xf32, #tpu.memory_space<hbm>>) dst(%arg9 : memref<128x64xf32, #tpu.memory_space<vmem>>)
    %add3A_957 = arith.constant 6016 : i32
    %add3A_958 = arith.addi %multiple_of3A, %add3A_957 : i32
    %dma_start3A_959 = arith.constant 0 : i32
    %dma_start3A_960 = tpu.memref_slice %arg4[%add3A_958, %dma_start3A_959] : memref<204800x64xf32, #tpu.memory_space<hbm>> -> memref<128x64xf32, #tpu.memory_space<hbm>>
    %dma_start3A_961 = arith.constant 0 : i32
    %dma_start3A_962 = tpu.memref_slice %arg4[%add3A_958, %dma_start3A_961] : memref<204800x64xf32, #tpu.memory_space<hbm>> -> memref<128x64xf32, #tpu.memory_space<hbm>>
    tpu.enqueue_dma source(%arg9 : memref<128x64xf32, #tpu.memory_space<vmem>>) target(%dma_start3A_962 : memref<128x64xf32, #tpu.memory_space<hbm>>) target_semaphore(%arg17 : memref<!tpu.dma_semaphore, #tpu.memory_space<semaphore_mem>>)
    %dma_wait3A_963 = arith.constant 6144 : i32
    %dma_wait3A_964 = tpu.memref_slice %arg5[%dma_wait3A_963] : memref<6400xi32, #tpu.memory_space<vmem>> -> memref<128xi32, #tpu.memory_space<vmem>>
    %dma_wait3A_965 = arith.constant 0 : i32
    %dma_wait3A_966 = arith.constant 0 : i32
    %dma_wait3A_967 = tpu.memref_slice %arg2[%dma_wait3A_965, %dma_wait3A_966] : memref<1015808x64xf32, #tpu.memory_space<hbm>> -> memref<1015808x64xf32, #tpu.memory_space<hbm>>
    tpu.wait_indirect_dma semaphore(%arg10 : memref<!tpu.dma_semaphore, #tpu.memory_space<semaphore_mem>>) src(%dma_wait3A_967 : memref<1015808x64xf32, #tpu.memory_space<hbm>>) dst(%arg6 : memref<128x64xf32, #tpu.memory_space<vmem>>)
    %add3A_968 = arith.constant 6144 : i32
    %add3A_969 = arith.addi %multiple_of3A, %add3A_968 : i32
    %dma_start3A_970 = arith.constant 0 : i32
    %dma_start3A_971 = tpu.memref_slice %arg4[%add3A_969, %dma_start3A_970] : memref<204800x64xf32, #tpu.memory_space<hbm>> -> memref<128x64xf32, #tpu.memory_space<hbm>>
    %dma_start3A_972 = arith.constant 0 : i32
    %dma_start3A_973 = tpu.memref_slice %arg4[%add3A_969, %dma_start3A_972] : memref<204800x64xf32, #tpu.memory_space<hbm>> -> memref<128x64xf32, #tpu.memory_space<hbm>>
    tpu.enqueue_dma source(%arg6 : memref<128x64xf32, #tpu.memory_space<vmem>>) target(%dma_start3A_973 : memref<128x64xf32, #tpu.memory_space<hbm>>) target_semaphore(%arg14 : memref<!tpu.dma_semaphore, #tpu.memory_space<semaphore_mem>>)
    %dma_wait3A_974 = arith.constant 6272 : i32
    %dma_wait3A_975 = tpu.memref_slice %arg5[%dma_wait3A_974] : memref<6400xi32, #tpu.memory_space<vmem>> -> memref<128xi32, #tpu.memory_space<vmem>>
    %dma_wait3A_976 = arith.constant 0 : i32
    %dma_wait3A_977 = arith.constant 0 : i32
    %dma_wait3A_978 = tpu.memref_slice %arg2[%dma_wait3A_976, %dma_wait3A_977] : memref<1015808x64xf32, #tpu.memory_space<hbm>> -> memref<1015808x64xf32, #tpu.memory_space<hbm>>
    tpu.wait_indirect_dma semaphore(%arg11 : memref<!tpu.dma_semaphore, #tpu.memory_space<semaphore_mem>>) src(%dma_wait3A_978 : memref<1015808x64xf32, #tpu.memory_space<hbm>>) dst(%arg7 : memref<128x64xf32, #tpu.memory_space<vmem>>)
    %add3A_979 = arith.constant 6272 : i32
    %add3A_980 = arith.addi %multiple_of3A, %add3A_979 : i32
    %dma_start3A_981 = arith.constant 0 : i32
    %dma_start3A_982 = tpu.memref_slice %arg4[%add3A_980, %dma_start3A_981] : memref<204800x64xf32, #tpu.memory_space<hbm>> -> memref<128x64xf32, #tpu.memory_space<hbm>>
    %dma_start3A_983 = arith.constant 0 : i32
    %dma_start3A_984 = tpu.memref_slice %arg4[%add3A_980, %dma_start3A_983] : memref<204800x64xf32, #tpu.memory_space<hbm>> -> memref<128x64xf32, #tpu.memory_space<hbm>>
    tpu.enqueue_dma source(%arg7 : memref<128x64xf32, #tpu.memory_space<vmem>>) target(%dma_start3A_984 : memref<128x64xf32, #tpu.memory_space<hbm>>) target_semaphore(%arg15 : memref<!tpu.dma_semaphore, #tpu.memory_space<semaphore_mem>>)
    %dma_wait3A_985 = arith.constant 0 : i32
    %dma_wait3A_986 = tpu.memref_slice %arg4[%add3A_938, %dma_wait3A_985] : memref<204800x64xf32, #tpu.memory_space<hbm>> -> memref<128x64xf32, #tpu.memory_space<hbm>>
    %dma_wait3A_987 = arith.constant 0 : i32
    %dma_wait3A_988 = tpu.memref_slice %arg4[%add3A_938, %dma_wait3A_987] : memref<204800x64xf32, #tpu.memory_space<hbm>> -> memref<128x64xf32, #tpu.memory_space<hbm>>
    tpu.wait_dma2 semaphore(%arg16 : memref<!tpu.dma_semaphore, #tpu.memory_space<semaphore_mem>>) src(%arg8 : memref<128x64xf32, #tpu.memory_space<vmem>>) dst(%dma_wait3A_988 : memref<128x64xf32, #tpu.memory_space<hbm>>)
    %dma_wait3A_989 = arith.constant 0 : i32
    %dma_wait3A_990 = tpu.memref_slice %arg4[%add3A_958, %dma_wait3A_989] : memref<204800x64xf32, #tpu.memory_space<hbm>> -> memref<128x64xf32, #tpu.memory_space<hbm>>
    %dma_wait3A_991 = arith.constant 0 : i32
    %dma_wait3A_992 = tpu.memref_slice %arg4[%add3A_958, %dma_wait3A_991] : memref<204800x64xf32, #tpu.memory_space<hbm>> -> memref<128x64xf32, #tpu.memory_space<hbm>>
    tpu.wait_dma2 semaphore(%arg17 : memref<!tpu.dma_semaphore, #tpu.memory_space<semaphore_mem>>) src(%arg9 : memref<128x64xf32, #tpu.memory_space<vmem>>) dst(%dma_wait3A_992 : memref<128x64xf32, #tpu.memory_space<hbm>>)
    %dma_wait3A_993 = arith.constant 0 : i32
    %dma_wait3A_994 = tpu.memref_slice %arg4[%add3A_969, %dma_wait3A_993] : memref<204800x64xf32, #tpu.memory_space<hbm>> -> memref<128x64xf32, #tpu.memory_space<hbm>>
    %dma_wait3A_995 = arith.constant 0 : i32
    %dma_wait3A_996 = tpu.memref_slice %arg4[%add3A_969, %dma_wait3A_995] : memref<204800x64xf32, #tpu.memory_space<hbm>> -> memref<128x64xf32, #tpu.memory_space<hbm>>
    tpu.wait_dma2 semaphore(%arg14 : memref<!tpu.dma_semaphore, #tpu.memory_space<semaphore_mem>>) src(%arg6 : memref<128x64xf32, #tpu.memory_space<vmem>>) dst(%dma_wait3A_996 : memref<128x64xf32, #tpu.memory_space<hbm>>)
    %dma_wait3A_997 = arith.constant 0 : i32
    %dma_wait3A_998 = tpu.memref_slice %arg4[%add3A_980, %dma_wait3A_997] : memref<204800x64xf32, #tpu.memory_space<hbm>> -> memref<128x64xf32, #tpu.memory_space<hbm>>
    %dma_wait3A_999 = arith.constant 0 : i32
    %dma_wait3A_1000 = tpu.memref_slice %arg4[%add3A_980, %dma_wait3A_999] : memref<204800x64xf32, #tpu.memory_space<hbm>> -> memref<128x64xf32, #tpu.memory_space<hbm>>
    tpu.wait_dma2 semaphore(%arg15 : memref<!tpu.dma_semaphore, #tpu.memory_space<semaphore_mem>>) src(%arg7 : memref<128x64xf32, #tpu.memory_space<vmem>>) dst(%dma_wait3A_1000 : memref<128x64xf32, #tpu.memory_space<hbm>>)
    return
  }
}

module attributes {stable_mosaic.version = 14 : i64} {
  func.func @body(%arg0: i32, %arg1: memref<64x16384xf32, #tpu.memory_space<vmem>>, %arg2: memref<8192x128xf32, #tpu.memory_space<vmem>>) attributes {dimension_semantics = [#tpu.dimension_semantics<parallel>], iteration_bounds = array<i64: 62>, scalar_prefetch = 0 : i64, scratch_operands = 0 : i64, tpu.core_type = #tpu.core_type<tc>, window_params = [{transform_indices = @transform_0, window_bounds = array<i64: 64, 16384>}, {transform_indices = @transform_1, window_bounds = array<i64: 8192, 128>}]} {
    %get3A = arith.constant 0 : index
    %get3A_0 = arith.constant 0 : index
    %get3A_1 = vector.load %arg1[%get3A, %get3A_0] : memref<64x16384xf32, #tpu.memory_space<vmem>>, vector<64x16384xf32>
    %slice3A = vector.extract_strided_slice %get3A_1 {offsets = [0, 0], sizes = [64, 8192], strides = [1, 1]} : vector<64x16384xf32> to vector<64x8192xf32>
    %transpose3A = tpu.transpose %slice3A, [1, 0] : vector<64x8192xf32> -> vector<8192x64xf32>
    %slice3A_2 = vector.extract_strided_slice %get3A_1 {offsets = [0, 8192], sizes = [64, 8192], strides = [1, 1]} : vector<64x16384xf32> to vector<64x8192xf32>
    %transpose3A_3 = tpu.transpose %slice3A_2, [1, 0] : vector<64x8192xf32> -> vector<8192x64xf32>
    %concatenate3A = tpu.concatenate %transpose3A, %transpose3A_3 in 1 : vector<8192x64xf32>, vector<8192x64xf32> -> vector<8192x128xf32>
    %swap3A = arith.constant 0 : index
    %swap3A_4 = arith.constant 0 : index
    %swap3A_5 = vector.load %arg2[%swap3A, %swap3A_4] : memref<8192x128xf32, #tpu.memory_space<vmem>>, vector<8192x128xf32>
    tpu.vector_store %arg2[%swap3A, %swap3A_4], %concatenate3A {strides = array<i32>} : memref<8192x128xf32, #tpu.memory_space<vmem>>, vector<8192x128xf32>,
    return
  }
  func.func @transform_0(%arg0: i32) -> (i32, i32) {
    %c0_i32 = arith.constant 0 : i32
    %c0_i32_0 = arith.constant 0 : i32
    return %c0_i32, %arg0 : i32, i32
  }
  func.func @transform_1(%arg0: i32) -> (i32, i32) {
    %c0_i32 = arith.constant 0 : i32
    %c0_i32_0 = arith.constant 0 : i32
    return %arg0, %c0_i32 : i32, i32
  }
}

module attributes {stable_mosaic.version = 14 : i64} {
  func.func @body(%arg0: i32, %arg1: memref<8x512x128xf32, #tpu.memory_space<vmem>>, %arg2: memref<64x1024xf32, #tpu.memory_space<vmem>>, %arg3: memref<8x64x1024xf32, #tpu.memory_space<vmem>>) attributes {dimension_semantics = [#tpu.dimension_semantics<parallel>], iteration_bounds = array<i64: 25>, scalar_prefetch = 0 : i64, scratch_operands = 0 : i64, tpu.core_type = #tpu.core_type<tc>, window_params = [{transform_indices = @transform_0, window_bounds = array<i64: 8, 512, 128>}, {transform_indices = @transform_1, window_bounds = array<i64: 64, 1024>}, {transform_indices = @transform_2, window_bounds = array<i64: 8, 64, 1024>}]} {
    %get3A = arith.constant 0 : index
    %get3A_0 = arith.constant 0 : index
    %get3A_1 = arith.constant 0 : index
    %get3A_2 = vector.load %arg1[%get3A, %get3A_0, %get3A_1] : memref<8x512x128xf32, #tpu.memory_space<vmem>>, vector<1x512x128xf32>
    %get3A_3 = vector.shape_cast %get3A_2 : vector<1x512x128xf32> to vector<512x128xf32>
    %get3A_4 = arith.constant 0 : index
    %get3A_5 = arith.constant 0 : index
    %get3A_6 = vector.load %arg2[%get3A_4, %get3A_5] : memref<64x1024xf32, #tpu.memory_space<vmem>>, vector<64x1xf32>
    %slice3A = vector.extract_strided_slice %get3A_3 {offsets = [0, 0], sizes = [512, 64], strides = [1, 1]} : vector<512x128xf32> to vector<512x64xf32>
    %transpose3A = tpu.transpose %slice3A, [1, 0] : vector<512x64xf32> -> vector<64x512xf32>
    %slice3A_7 = vector.extract_strided_slice %get3A_3 {offsets = [0, 64], sizes = [512, 64], strides = [1, 1]} : vector<512x128xf32> to vector<512x64xf32>
    %transpose3A_8 = tpu.transpose %slice3A_7, [1, 0] : vector<512x64xf32> -> vector<64x512xf32>
    %concatenate3A = tpu.concatenate %transpose3A, %transpose3A_8 in 1 : vector<64x512xf32>, vector<64x512xf32> -> vector<64x1024xf32>
    %add3A = vector.broadcast %get3A_6 : vector<64x1xf32> to vector<64x1024xf32>
    %add3A_9 = arith.addf %concatenate3A, %add3A : vector<64x1024xf32>
    %swap3A = arith.constant 0 : index
    %swap3A_10 = arith.constant 0 : index
    %swap3A_11 = arith.constant 0 : index
    %swap3A_12 = vector.load %arg3[%swap3A, %swap3A_10, %swap3A_11] : memref<8x64x1024xf32, #tpu.memory_space<vmem>>, vector<1x64x1024xf32>
    %swap3A_13 = vector.shape_cast %swap3A_12 : vector<1x64x1024xf32> to vector<64x1024xf32>
    %swap3A_14 = vector.shape_cast %add3A_9 : vector<64x1024xf32> to vector<1x64x1024xf32>
    tpu.vector_store %arg3[%swap3A, %swap3A_10, %swap3A_11], %swap3A_14 {strides = array<i32>} : memref<8x64x1024xf32, #tpu.memory_space<vmem>>, vector<1x64x1024xf32>,
    %get3A_15 = arith.constant 1 : index
    %get3A_16 = arith.constant 0 : index
    %get3A_17 = arith.constant 0 : index
    %get3A_18 = vector.load %arg1[%get3A_15, %get3A_16, %get3A_17] : memref<8x512x128xf32, #tpu.memory_space<vmem>>, vector<1x512x128xf32>
    %get3A_19 = vector.shape_cast %get3A_18 : vector<1x512x128xf32> to vector<512x128xf32>
    %get3A_20 = arith.constant 0 : index
    %get3A_21 = arith.constant 128 : index
    %get3A_22 = vector.load %arg2[%get3A_20, %get3A_21] : memref<64x1024xf32, #tpu.memory_space<vmem>>, vector<64x1xf32>
    %slice3A_23 = vector.extract_strided_slice %get3A_19 {offsets = [0, 0], sizes = [512, 64], strides = [1, 1]} : vector<512x128xf32> to vector<512x64xf32>
    %transpose3A_24 = tpu.transpose %slice3A_23, [1, 0] : vector<512x64xf32> -> vector<64x512xf32>
    %slice3A_25 = vector.extract_strided_slice %get3A_19 {offsets = [0, 64], sizes = [512, 64], strides = [1, 1]} : vector<512x128xf32> to vector<512x64xf32>
    %transpose3A_26 = tpu.transpose %slice3A_25, [1, 0] : vector<512x64xf32> -> vector<64x512xf32>
    %concatenate3A_27 = tpu.concatenate %transpose3A_24, %transpose3A_26 in 1 : vector<64x512xf32>, vector<64x512xf32> -> vector<64x1024xf32>
    %add3A_28 = vector.broadcast %get3A_22 : vector<64x1xf32> to vector<64x1024xf32>
    %add3A_29 = arith.addf %concatenate3A_27, %add3A_28 : vector<64x1024xf32>
    %swap3A_30 = arith.constant 1 : index
    %swap3A_31 = arith.constant 0 : index
    %swap3A_32 = arith.constant 0 : index
    %swap3A_33 = vector.load %arg3[%swap3A_30, %swap3A_31, %swap3A_32] : memref<8x64x1024xf32, #tpu.memory_space<vmem>>, vector<1x64x1024xf32>
    %swap3A_34 = vector.shape_cast %swap3A_33 : vector<1x64x1024xf32> to vector<64x1024xf32>
    %swap3A_35 = vector.shape_cast %add3A_29 : vector<64x1024xf32> to vector<1x64x1024xf32>
    tpu.vector_store %arg3[%swap3A_30, %swap3A_31, %swap3A_32], %swap3A_35 {strides = array<i32>} : memref<8x64x1024xf32, #tpu.memory_space<vmem>>, vector<1x64x1024xf32>,
    %get3A_36 = arith.constant 2 : index
    %get3A_37 = arith.constant 0 : index
    %get3A_38 = arith.constant 0 : index
    %get3A_39 = vector.load %arg1[%get3A_36, %get3A_37, %get3A_38] : memref<8x512x128xf32, #tpu.memory_space<vmem>>, vector<1x512x128xf32>
    %get3A_40 = vector.shape_cast %get3A_39 : vector<1x512x128xf32> to vector<512x128xf32>
    %get3A_41 = arith.constant 0 : index
    %get3A_42 = arith.constant 256 : index
    %get3A_43 = vector.load %arg2[%get3A_41, %get3A_42] : memref<64x1024xf32, #tpu.memory_space<vmem>>, vector<64x1xf32>
    %slice3A_44 = vector.extract_strided_slice %get3A_40 {offsets = [0, 0], sizes = [512, 64], strides = [1, 1]} : vector<512x128xf32> to vector<512x64xf32>
    %transpose3A_45 = tpu.transpose %slice3A_44, [1, 0] : vector<512x64xf32> -> vector<64x512xf32>
    %slice3A_46 = vector.extract_strided_slice %get3A_40 {offsets = [0, 64], sizes = [512, 64], strides = [1, 1]} : vector<512x128xf32> to vector<512x64xf32>
    %transpose3A_47 = tpu.transpose %slice3A_46, [1, 0] : vector<512x64xf32> -> vector<64x512xf32>
    %concatenate3A_48 = tpu.concatenate %transpose3A_45, %transpose3A_47 in 1 : vector<64x512xf32>, vector<64x512xf32> -> vector<64x1024xf32>
    %add3A_49 = vector.broadcast %get3A_43 : vector<64x1xf32> to vector<64x1024xf32>
    %add3A_50 = arith.addf %concatenate3A_48, %add3A_49 : vector<64x1024xf32>
    %swap3A_51 = arith.constant 2 : index
    %swap3A_52 = arith.constant 0 : index
    %swap3A_53 = arith.constant 0 : index
    %swap3A_54 = vector.load %arg3[%swap3A_51, %swap3A_52, %swap3A_53] : memref<8x64x1024xf32, #tpu.memory_space<vmem>>, vector<1x64x1024xf32>
    %swap3A_55 = vector.shape_cast %swap3A_54 : vector<1x64x1024xf32> to vector<64x1024xf32>
    %swap3A_56 = vector.shape_cast %add3A_50 : vector<64x1024xf32> to vector<1x64x1024xf32>
    tpu.vector_store %arg3[%swap3A_51, %swap3A_52, %swap3A_53], %swap3A_56 {strides = array<i32>} : memref<8x64x1024xf32, #tpu.memory_space<vmem>>, vector<1x64x1024xf32>,
    %get3A_57 = arith.constant 3 : index
    %get3A_58 = arith.constant 0 : index
    %get3A_59 = arith.constant 0 : index
    %get3A_60 = vector.load %arg1[%get3A_57, %get3A_58, %get3A_59] : memref<8x512x128xf32, #tpu.memory_space<vmem>>, vector<1x512x128xf32>
    %get3A_61 = vector.shape_cast %get3A_60 : vector<1x512x128xf32> to vector<512x128xf32>
    %get3A_62 = arith.constant 0 : index
    %get3A_63 = arith.constant 384 : index
    %get3A_64 = vector.load %arg2[%get3A_62, %get3A_63] : memref<64x1024xf32, #tpu.memory_space<vmem>>, vector<64x1xf32>
    %slice3A_65 = vector.extract_strided_slice %get3A_61 {offsets = [0, 0], sizes = [512, 64], strides = [1, 1]} : vector<512x128xf32> to vector<512x64xf32>
    %transpose3A_66 = tpu.transpose %slice3A_65, [1, 0] : vector<512x64xf32> -> vector<64x512xf32>
    %slice3A_67 = vector.extract_strided_slice %get3A_61 {offsets = [0, 64], sizes = [512, 64], strides = [1, 1]} : vector<512x128xf32> to vector<512x64xf32>
    %transpose3A_68 = tpu.transpose %slice3A_67, [1, 0] : vector<512x64xf32> -> vector<64x512xf32>
    %concatenate3A_69 = tpu.concatenate %transpose3A_66, %transpose3A_68 in 1 : vector<64x512xf32>, vector<64x512xf32> -> vector<64x1024xf32>
    %add3A_70 = vector.broadcast %get3A_64 : vector<64x1xf32> to vector<64x1024xf32>
    %add3A_71 = arith.addf %concatenate3A_69, %add3A_70 : vector<64x1024xf32>
    %swap3A_72 = arith.constant 3 : index
    %swap3A_73 = arith.constant 0 : index
    %swap3A_74 = arith.constant 0 : index
    %swap3A_75 = vector.load %arg3[%swap3A_72, %swap3A_73, %swap3A_74] : memref<8x64x1024xf32, #tpu.memory_space<vmem>>, vector<1x64x1024xf32>
    %swap3A_76 = vector.shape_cast %swap3A_75 : vector<1x64x1024xf32> to vector<64x1024xf32>
    %swap3A_77 = vector.shape_cast %add3A_71 : vector<64x1024xf32> to vector<1x64x1024xf32>
    tpu.vector_store %arg3[%swap3A_72, %swap3A_73, %swap3A_74], %swap3A_77 {strides = array<i32>} : memref<8x64x1024xf32, #tpu.memory_space<vmem>>, vector<1x64x1024xf32>,
    %get3A_78 = arith.constant 4 : index
    %get3A_79 = arith.constant 0 : index
    %get3A_80 = arith.constant 0 : index
    %get3A_81 = vector.load %arg1[%get3A_78, %get3A_79, %get3A_80] : memref<8x512x128xf32, #tpu.memory_space<vmem>>, vector<1x512x128xf32>
    %get3A_82 = vector.shape_cast %get3A_81 : vector<1x512x128xf32> to vector<512x128xf32>
    %get3A_83 = arith.constant 0 : index
    %get3A_84 = arith.constant 512 : index
    %get3A_85 = vector.load %arg2[%get3A_83, %get3A_84] : memref<64x1024xf32, #tpu.memory_space<vmem>>, vector<64x1xf32>
    %slice3A_86 = vector.extract_strided_slice %get3A_82 {offsets = [0, 0], sizes = [512, 64], strides = [1, 1]} : vector<512x128xf32> to vector<512x64xf32>
    %transpose3A_87 = tpu.transpose %slice3A_86, [1, 0] : vector<512x64xf32> -> vector<64x512xf32>
    %slice3A_88 = vector.extract_strided_slice %get3A_82 {offsets = [0, 64], sizes = [512, 64], strides = [1, 1]} : vector<512x128xf32> to vector<512x64xf32>
    %transpose3A_89 = tpu.transpose %slice3A_88, [1, 0] : vector<512x64xf32> -> vector<64x512xf32>
    %concatenate3A_90 = tpu.concatenate %transpose3A_87, %transpose3A_89 in 1 : vector<64x512xf32>, vector<64x512xf32> -> vector<64x1024xf32>
    %add3A_91 = vector.broadcast %get3A_85 : vector<64x1xf32> to vector<64x1024xf32>
    %add3A_92 = arith.addf %concatenate3A_90, %add3A_91 : vector<64x1024xf32>
    %swap3A_93 = arith.constant 4 : index
    %swap3A_94 = arith.constant 0 : index
    %swap3A_95 = arith.constant 0 : index
    %swap3A_96 = vector.load %arg3[%swap3A_93, %swap3A_94, %swap3A_95] : memref<8x64x1024xf32, #tpu.memory_space<vmem>>, vector<1x64x1024xf32>
    %swap3A_97 = vector.shape_cast %swap3A_96 : vector<1x64x1024xf32> to vector<64x1024xf32>
    %swap3A_98 = vector.shape_cast %add3A_92 : vector<64x1024xf32> to vector<1x64x1024xf32>
    tpu.vector_store %arg3[%swap3A_93, %swap3A_94, %swap3A_95], %swap3A_98 {strides = array<i32>} : memref<8x64x1024xf32, #tpu.memory_space<vmem>>, vector<1x64x1024xf32>,
    %get3A_99 = arith.constant 5 : index
    %get3A_100 = arith.constant 0 : index
    %get3A_101 = arith.constant 0 : index
    %get3A_102 = vector.load %arg1[%get3A_99, %get3A_100, %get3A_101] : memref<8x512x128xf32, #tpu.memory_space<vmem>>, vector<1x512x128xf32>
    %get3A_103 = vector.shape_cast %get3A_102 : vector<1x512x128xf32> to vector<512x128xf32>
    %get3A_104 = arith.constant 0 : index
    %get3A_105 = arith.constant 640 : index
    %get3A_106 = vector.load %arg2[%get3A_104, %get3A_105] : memref<64x1024xf32, #tpu.memory_space<vmem>>, vector<64x1xf32>
    %slice3A_107 = vector.extract_strided_slice %get3A_103 {offsets = [0, 0], sizes = [512, 64], strides = [1, 1]} : vector<512x128xf32> to vector<512x64xf32>
    %transpose3A_108 = tpu.transpose %slice3A_107, [1, 0] : vector<512x64xf32> -> vector<64x512xf32>
    %slice3A_109 = vector.extract_strided_slice %get3A_103 {offsets = [0, 64], sizes = [512, 64], strides = [1, 1]} : vector<512x128xf32> to vector<512x64xf32>
    %transpose3A_110 = tpu.transpose %slice3A_109, [1, 0] : vector<512x64xf32> -> vector<64x512xf32>
    %concatenate3A_111 = tpu.concatenate %transpose3A_108, %transpose3A_110 in 1 : vector<64x512xf32>, vector<64x512xf32> -> vector<64x1024xf32>
    %add3A_112 = vector.broadcast %get3A_106 : vector<64x1xf32> to vector<64x1024xf32>
    %add3A_113 = arith.addf %concatenate3A_111, %add3A_112 : vector<64x1024xf32>
    %swap3A_114 = arith.constant 5 : index
    %swap3A_115 = arith.constant 0 : index
    %swap3A_116 = arith.constant 0 : index
    %swap3A_117 = vector.load %arg3[%swap3A_114, %swap3A_115, %swap3A_116] : memref<8x64x1024xf32, #tpu.memory_space<vmem>>, vector<1x64x1024xf32>
    %swap3A_118 = vector.shape_cast %swap3A_117 : vector<1x64x1024xf32> to vector<64x1024xf32>
    %swap3A_119 = vector.shape_cast %add3A_113 : vector<64x1024xf32> to vector<1x64x1024xf32>
    tpu.vector_store %arg3[%swap3A_114, %swap3A_115, %swap3A_116], %swap3A_119 {strides = array<i32>} : memref<8x64x1024xf32, #tpu.memory_space<vmem>>, vector<1x64x1024xf32>,
    %get3A_120 = arith.constant 6 : index
    %get3A_121 = arith.constant 0 : index
    %get3A_122 = arith.constant 0 : index
    %get3A_123 = vector.load %arg1[%get3A_120, %get3A_121, %get3A_122] : memref<8x512x128xf32, #tpu.memory_space<vmem>>, vector<1x512x128xf32>
    %get3A_124 = vector.shape_cast %get3A_123 : vector<1x512x128xf32> to vector<512x128xf32>
    %get3A_125 = arith.constant 0 : index
    %get3A_126 = arith.constant 768 : index
    %get3A_127 = vector.load %arg2[%get3A_125, %get3A_126] : memref<64x1024xf32, #tpu.memory_space<vmem>>, vector<64x1xf32>
    %slice3A_128 = vector.extract_strided_slice %get3A_124 {offsets = [0, 0], sizes = [512, 64], strides = [1, 1]} : vector<512x128xf32> to vector<512x64xf32>
    %transpose3A_129 = tpu.transpose %slice3A_128, [1, 0] : vector<512x64xf32> -> vector<64x512xf32>
    %slice3A_130 = vector.extract_strided_slice %get3A_124 {offsets = [0, 64], sizes = [512, 64], strides = [1, 1]} : vector<512x128xf32> to vector<512x64xf32>
    %transpose3A_131 = tpu.transpose %slice3A_130, [1, 0] : vector<512x64xf32> -> vector<64x512xf32>
    %concatenate3A_132 = tpu.concatenate %transpose3A_129, %transpose3A_131 in 1 : vector<64x512xf32>, vector<64x512xf32> -> vector<64x1024xf32>
    %add3A_133 = vector.broadcast %get3A_127 : vector<64x1xf32> to vector<64x1024xf32>
    %add3A_134 = arith.addf %concatenate3A_132, %add3A_133 : vector<64x1024xf32>
    %swap3A_135 = arith.constant 6 : index
    %swap3A_136 = arith.constant 0 : index
    %swap3A_137 = arith.constant 0 : index
    %swap3A_138 = vector.load %arg3[%swap3A_135, %swap3A_136, %swap3A_137] : memref<8x64x1024xf32, #tpu.memory_space<vmem>>, vector<1x64x1024xf32>
    %swap3A_139 = vector.shape_cast %swap3A_138 : vector<1x64x1024xf32> to vector<64x1024xf32>
    %swap3A_140 = vector.shape_cast %add3A_134 : vector<64x1024xf32> to vector<1x64x1024xf32>
    tpu.vector_store %arg3[%swap3A_135, %swap3A_136, %swap3A_137], %swap3A_140 {strides = array<i32>} : memref<8x64x1024xf32, #tpu.memory_space<vmem>>, vector<1x64x1024xf32>,
    %get3A_141 = arith.constant 7 : index
    %get3A_142 = arith.constant 0 : index
    %get3A_143 = arith.constant 0 : index
    %get3A_144 = vector.load %arg1[%get3A_141, %get3A_142, %get3A_143] : memref<8x512x128xf32, #tpu.memory_space<vmem>>, vector<1x512x128xf32>
    %get3A_145 = vector.shape_cast %get3A_144 : vector<1x512x128xf32> to vector<512x128xf32>
    %get3A_146 = arith.constant 0 : index
    %get3A_147 = arith.constant 896 : index
    %get3A_148 = vector.load %arg2[%get3A_146, %get3A_147] : memref<64x1024xf32, #tpu.memory_space<vmem>>, vector<64x1xf32>
    %slice3A_149 = vector.extract_strided_slice %get3A_145 {offsets = [0, 0], sizes = [512, 64], strides = [1, 1]} : vector<512x128xf32> to vector<512x64xf32>
    %transpose3A_150 = tpu.transpose %slice3A_149, [1, 0] : vector<512x64xf32> -> vector<64x512xf32>
    %slice3A_151 = vector.extract_strided_slice %get3A_145 {offsets = [0, 64], sizes = [512, 64], strides = [1, 1]} : vector<512x128xf32> to vector<512x64xf32>
    %transpose3A_152 = tpu.transpose %slice3A_151, [1, 0] : vector<512x64xf32> -> vector<64x512xf32>
    %concatenate3A_153 = tpu.concatenate %transpose3A_150, %transpose3A_152 in 1 : vector<64x512xf32>, vector<64x512xf32> -> vector<64x1024xf32>
    %add3A_154 = vector.broadcast %get3A_148 : vector<64x1xf32> to vector<64x1024xf32>
    %add3A_155 = arith.addf %concatenate3A_153, %add3A_154 : vector<64x1024xf32>
    %swap3A_156 = arith.constant 7 : index
    %swap3A_157 = arith.constant 0 : index
    %swap3A_158 = arith.constant 0 : index
    %swap3A_159 = vector.load %arg3[%swap3A_156, %swap3A_157, %swap3A_158] : memref<8x64x1024xf32, #tpu.memory_space<vmem>>, vector<1x64x1024xf32>
    %swap3A_160 = vector.shape_cast %swap3A_159 : vector<1x64x1024xf32> to vector<64x1024xf32>
    %swap3A_161 = vector.shape_cast %add3A_155 : vector<64x1024xf32> to vector<1x64x1024xf32>
    tpu.vector_store %arg3[%swap3A_156, %swap3A_157, %swap3A_158], %swap3A_161 {strides = array<i32>} : memref<8x64x1024xf32, #tpu.memory_space<vmem>>, vector<1x64x1024xf32>,
    return
  }
  func.func @transform_0(%arg0: i32) -> (i32, i32, i32) {
    %c0_i32 = arith.constant 0 : i32
    %c0_i32_0 = arith.constant 0 : i32
    %c0_i32_1 = arith.constant 0 : i32
    return %arg0, %c0_i32, %c0_i32_0 : i32, i32, i32
  }
  func.func @transform_1(%arg0: i32) -> (i32, i32) {
    %c0_i32 = arith.constant 0 : i32
    %c0_i32_0 = arith.constant 0 : i32
    return %c0_i32, %arg0 : i32, i32
  }
  func.func @transform_2(%arg0: i32) -> (i32, i32, i32) {
    %c0_i32 = arith.constant 0 : i32
    %c0_i32_0 = arith.constant 0 : i32
    %c0_i32_1 = arith.constant 0 : i32
    return %arg0, %c0_i32, %c0_i32_0 : i32, i32, i32
  }
}

</mosaic_0001>

<sc_bundles>
// kernel: kernel.5.cloned.1.call-start
scs
__scs_entry_jumppad:
0x0: {  	(pc) =	sbr.rel $0x88, $3  }
0x1: {  	(tag) =	ssettag $0x0;
	lr =	simm.s32 $0x1  }
0x2: {  	[smem:$0x3F9E] =	sst lr;
	_ =	strace $0xD0000000  }
0x3: {  	_ = 	snop  }
0x4: {  	_ = 	snop  }
0x5: {  	_ = 	snop  }
0x6: {  	_ = 	snop  }
0x7: {  	_ = 	snop  }
__scs_overlays_trampoline_lowered:
0x8: {  	[smem:$0x3FAD] =	sst s0  }
0x9: {  	[smem:$0x3FAE] =	sst s1  }
0xa: {  	[smem:$0x3FAF] =	sst s2  }
0xb: {  	[smem:$0x3FB0] =	sst s3  }
0xc: {  	[smem:$0x3FB1] =	sst s4  }
0xd: {  	[smem:$0x3FB2] =	sst s5  }
0xe: {  	[smem:$0x3FB3] =	sst s6  }
0xf: {  	[smem:$0x3FB4] =	sst s7  }
0x10: {  	[smem:$0x3FB5] =	sst s8  }
0x11: {  	[smem:$0x3FB6] =	sst s9;
	s0 =	simm.s32 @!p0 $0x0  }
0x12: {  	s1 =	sld [smem:$0x3F9C];
	s0 =	simm.s32 @p0 $0x1  }
0x13: {  	[smem:$0x3FB7] =	sst s0;
	s0 =	simm.s32 @!p1 $0x0  }
0x14: {  	s2 =	sld [smem:$0x3F9B];
	s0 =	simm.s32 @p1 $0x1  }
0x15: {  	[smem:$0x3FB8] =	sst s0;
	s0 =	simm.s32 @!p2 $0x0  }
0x16: {  	s3 =	sld [smem:$0x3FDB];
	s0 =	simm.s32 @p2 $0x1  }
0x17: {  	s4 =	simm.s32 $0x1BF5;
	[smem:$0x3FBA] =	sst s0  }
0x18: {  	s0 =	sld [smem:$0x3F9D];
	_ =	swait.ge [sflag:s4], $0x0  }
0x19: {  	s7 =	sld [smem:$0x3F9E]  }
0x1a: {  	s8 =	sadd.s32 $0xFFFFE003, lr  }
0x1b: {  	s9 =	sadd.s32 $0xFFFFFEF7, lr;
	s5 =	simm.s32 $0xFFFFFFFF;
	p2 =	slt.u32 s8, $0xFFFFF086  }
0x1c: {  	p1 =	slt.u32 s9, $0xF7A;
	s5 =	simm.s32 @!p2 $0x0  }
0x1d: {  	s5 =	simm.s32 @p1 $0x1;
	p0 =	seq.s32 s7, s2  }
0x1e: {  	s7 =	smul.u32 @!p0 $0xF7A, s2;
	p2 =	seq.s32 @!p0 s5, $0x0  }
0x1f: {  	s9 =	smul.u32 $0xF7A, s1;
	s8 =	simm.s32 @!p0 $0x1BF5;
	p2 =	por !p2, p0  }
0x20: {  	[sflag:s8] =	ssyncset.s32 @!p0 $0xFFFFF086;
	s6 =	sadd.s32 @!p0 s3, s7;
	s7 =	simm.s32 @!p0 $0x108  }
0x21: {  	s3 =	sadd.s32 s3, s9;
	s6 =	sadd.s32 @!p0 $0x88, s6;
	s7 =	simm.s32 @p2 $0x1082  }
0x22: {  	[simem:s7], [sflag:s8] =	dma.local @!p0 [hbm:s6], $0xF7A  }
0x23: {  	s9 =	sor.u32 $0xD0000000, s2;
	s6 =	simm.s32 $0x108;
	_ =	swait.ge @!p0 [sflag:s8], $0x0  }
0x24: {  	s3 =	sadd.s32 $0x88, s3;
	s6 =	simm.s32 @!p1 $0x1082;
	[sflag:s4] =	ssyncset.s32 $0xFFFFF086  }
0x25: {  	[simem:s6], [sflag:s4] =	dma.local [hbm:s3], $0xF7A  }
0x26: {  	[smem:$0x3F9E] =	sst s1;
	(tag) =	ssettag s2;
	_ =	strace s9  }
0x27: {  	s1 =	sld [smem:$0x3FAE]  }
0x28: {  	s2 =	sld [smem:$0x3FAF]  }
0x29: {  	s4 =	sld [smem:$0x3FB1]  }
0x2a: {  	p0 =	seq.s32 s5, $0x0;
	s5 =	sld [smem:$0x3FB2]  }
0x2b: {  	s6 =	sld [smem:$0x3FB3]  }
0x2c: {  	s7 =	sld [smem:$0x3FB4]  }
0x2d: {  	s3 =	simm.s32 $0x108;
	s8 =	sld [smem:$0x3FB5]  }
0x2e: {  	s3 =	simm.s32 @!p0 $0x1082;
	s9 =	sld [smem:$0x3FB6]  }
0x2f: {  	lr =	sadd.s32 s0, s3;
	s0 =	sld [smem:$0x3FAD]  }
0x30: {  	s3 =	sld [smem:$0x3FB0]  }
0x31: {  	[smem:$0x3FB9] =	sst s10  }
0x32: {  	s10 =	sld [smem:$0x3FB7];
	_ =	sdelay $0x3  }
0x33: {  	p0 =	seq.s32 s10, $0x1;
	s10 =	sld [smem:$0x3FB9];
	_ =	sdelay $0x3  }
0x34: {  	[smem:$0x3FB9] =	sst s10  }
0x35: {  	s10 =	sld [smem:$0x3FB8];
	_ =	sdelay $0x3  }
0x36: {  	p1 =	seq.s32 s10, $0x1;
	s10 =	sld [smem:$0x3FB9];
	_ =	sdelay $0x3  }
0x37: {  	[smem:$0x3FB9] =	sst s10  }
0x38: {  	s10 =	sld [smem:$0x3FBA]  }
0x39: {  	_ = 	snop;
	(pc) =	sbr.ind lr, $3  }
0x3a: {  	_ = 	snop  }
0x3b: {  	_ = 	snop  }
0x3c: {  	p2 =	seq.s32 s10, $0x1;
	s10 =	sld [smem:$0x3FB9]  }
0x3d: {  	_ =	shalt  }
0x3e: {  	_ =	shalt  }
0x3f: {  	_ =	shalt  }
0x40: {  	_ =	shalt  }
0x41: {  	_ =	shalt  }
0x42: {  	_ =	shalt  }
0x43: {  	_ =	shalt  }
0x44: {  	_ =	shalt  }
0x45: {  	_ =	shalt  }
0x46: {  	_ =	shalt  }
0x47: {  	_ =	shalt  }
0x48: {  	_ =	shalt  }
0x49: {  	_ =	shalt  }
0x4a: {  	_ =	shalt  }
0x4b: {  	_ =	shalt  }
0x4c: {  	_ =	shalt  }
0x4d: {  	_ =	shalt  }
0x4e: {  	_ =	shalt  }
0x4f: {  	_ =	shalt  }
0x50: {  	_ =	shalt  }
0x51: {  	_ =	shalt  }
0x52: {  	_ =	shalt  }
0x53: {  	_ =	shalt  }
0x54: {  	_ =	shalt  }
0x55: {  	_ =	shalt  }
0x56: {  	_ =	shalt  }
0x57: {  	_ =	shalt  }
0x58: {  	_ =	shalt  }
0x59: {  	_ =	shalt  }
0x5a: {  	_ =	shalt  }
0x5b: {  	_ =	shalt  }
0x5c: {  	_ =	shalt  }
0x5d: {  	_ =	shalt  }
0x5e: {  	_ =	shalt  }
0x5f: {  	_ =	shalt  }
0x60: {  	_ =	shalt  }
0x61: {  	_ =	shalt  }
0x62: {  	_ =	shalt  }
0x63: {  	_ =	shalt  }
0x64: {  	_ =	shalt  }
0x65: {  	_ =	shalt  }
0x66: {  	_ =	shalt  }
0x67: {  	_ =	shalt  }
0x68: {  	_ =	shalt  }
0x69: {  	_ =	shalt  }
0x6a: {  	_ =	shalt  }
0x6b: {  	_ =	shalt  }
0x6c: {  	_ =	shalt  }
0x6d: {  	_ =	shalt  }
0x6e: {  	_ =	shalt  }
0x6f: {  	_ =	shalt  }
0x70: {  	_ =	shalt  }
0x71: {  	_ =	shalt  }
0x72: {  	_ =	shalt  }
0x73: {  	_ =	shalt  }
0x74: {  	_ =	shalt  }
0x75: {  	_ =	shalt  }
0x76: {  	_ =	shalt  }
0x77: {  	_ =	shalt  }
0x78: {  	_ =	shalt  }
0x79: {  	_ =	shalt  }
0x7a: {  	_ =	shalt  }
0x7b: {  	_ =	shalt  }
0x7c: {  	_ =	shalt  }
0x7d: {  	_ =	shalt  }
0x7e: {  	_ =	shalt  }
0x7f: {  	_ =	shalt  }
0x80: {  	_ =	shalt  }
0x81: {  	_ =	shalt  }
0x82: {  	_ =	shalt  }
0x83: {  	_ =	shalt  }
0x84: {  	_ =	shalt  }
0x85: {  	_ =	shalt  }
0x86: {  	_ =	shalt  }
0x87: {  	_ =	shalt  }
.Lfunc_end0:
.L_simem_size_0:
called_computation_lowered:
.L_overlay_start_0:
0x88: {  	s2 =	sld [smem:$0x3FD9]  }
0x89: {  	s3 =	sld [smem:$0x3FFE];
	_ =	sdelay $0x1  }
0x8a: {  	s1 =	srdreg.scid  }
0x8b: {  	s0 =	sand.u32 $0x1, s1  }
0x8c: {  	s17 =	sshll.u32 s0, $0xA;
	s2 =	sadd.s32 s3, s2  }
0x8d: {  	s2 =	sadd.s32 s2, s17  }
0x8e: {  	[smem:$0x3FC5] =	sst s2  }
0x8f: {  	_ = 	snop  }
0x90: {  	s2 =	sld [smem:$0x3FD0];
	(tm) =	ssettm $0x1  }
0x91: {  	s18 =	sld [smem:$0x3FFB];
	_ =	sdelay $0x3  }
0x92: {  	_ =	strace s18  }
0x93: {  	s3 =	sld [smem:$0x3FFC];
	_ =	sdelay $0x3  }
0x94: {  	_ =	strace s3  }
0x95: {  	s3 =	sld [smem:$0x3FFD];
	_ =	sdelay $0x3  }
0x96: {  	_ =	strace s3  }
0x97: {  	_ =	strace $0x8FFFFFFF  }
0x98: {  	s19 =	sld [smem:$0x3FDB];
	_ =	sdelay $0x1  }
0x99: {  	s4 =	simm.s32 $_scs_section_size  }
0x9a: {  	s5 =	simm.s32 $_size__tile_overlayer_lowered;
	s6 =	simm.s32 $_tile_overlayer_lowered  }
0x9b: {  	s22 =	simm.s32 $0x1BFF;
	s21 =	sshll.u32 s6, $0x1;
	s3 =	sadd.s32 s4, s19  }
0x9c: {  	s7 =	simm.s32 $0x0;
	s20 =	sshll.u32 s5, $0x1;
	s5 =	sadd.s32 s21, s3  }
0x9d: {  	[timem:s7], [sflag:s22] =	dma.local [hbm:s5], s20  }
0x9e: {  	_ =	swait.ge [sflag:s22], s20  }
0x9f: {  	s4 =	ssub.s32 $0x0, s20;
	[sflag:s22] =	ssyncset.done $0x0  }
0xa0: {  	[sflag:s22] =	ssyncadd.s32 s4;
	_ =	sdelay $0x1  }
0xa1: {  	s23 =	simm.s32 $0x1B8B  }
0xa2: {  	_ =	swait.ge [sflag:s23], $0x1  }
0xa3: {  	[sflag:s23] =	ssyncset.done $0x0  }
0xa4: {  	s25 =	simm.s32 $0x1B8E;
	s24 =	sld [smem:$0x3FFE];
	[sflag:s23] =	ssyncadd.s32 $0xFFFFFFFF  }
0xa5: {  	s26 =	simm.s32 $execute0_lowered;
	[smem:$0x3FD2] =	sst s25  }
0xa6: {  	s5 =	sshll.u32 s26, $0x1;
	_ =	strace $0x80000046;
	[dreg:$0x1] =	wrdreg $0xFFFFFFFF  }
0xa7: {  	s28 =	simm.s32 $_size_execute0_lowered;
	s3 =	sadd.s32 s3, s5;
	[dreg:$0x0] =	wrdreg $0x0  }
0xa8: {  	s5 =	sshll.u32 s28, $0x1;
	[dreg:$0x2] =	wrdreg s3  }
0xa9: {  	[dreg:$0x3] =	wrdreg s5  }
0xaa: {  	[dreg:$0x4] =	wrdreg $0xC0  }
0xab: {  	_ =	task [dreg:s7], $0x5FFFF  }
0xac: {  	[dreg:$0x1] =	wrdreg $0xFFFFFFFF  }
0xad: {  	[dreg:$0x0] =	wrdreg $0x60  }
0xae: {  	[dreg:$0x2] =	wrdreg s24  }
0xaf: {  	[dreg:$0x3] =	wrdreg s2  }
0xb0: {  	[dreg:$0x4] =	wrdreg $0x9  }
0xb1: {  	_ =	task.clear_ibuf [dreg:s7], $0x5FFFF;
	_ =	strace $0x90000046  }
0xb2: {  	s29 =	simm.s32 $0x9;
	_ =	strace $0x80000048  }
0xb3: {  	_ =	swait.ge [sflag:s29], $0x1  }
0xb4: {  	[sflag:s29] =	ssyncadd.s32 $0xFFFFFFFF  }
0xb5: {  	_ =	strace $0x90000048  }
0xb6: {  	_ =	sfence  }
0xb7: {  	s30 =	sld [smem:$0x0];
	_ =	sdelay $0x2  }
0xb8: {  	s31 =	sshll.u32 s1, $0xD;
	s1 =	sshrl.u32 s1, $0x2  }
0xb9: {  	s3 =	sand.u32 $0x4000, s31;
	s1 =	sadd.s32 s1, s30  }
0xba: {  	s0 =	sor.u32 s3, s0;
	s1 =	sshll.u32 s1, $0x11  }
0xbb: {  	s0 =	sor.u32 s1, s0  }
0xbc: {  	s0 =	sadd.s32 $0x8F2B, s0  }
0xbd: {  	[sflag:s0] =	ssyncadd.remote.s32 $0x1  }
0xbe: {  	_ =	sfence.sel $0xFFFF  }
0xbf: {  	[dreg:$0x0] =	wrdreg $0xFFFFFFFF;
	(pc) =	sbr.abs _section_cstart, $3  }
0xc0: {  	[dreg:$0x1] =	wrdreg $0xFFFFFFFF  }
0xc1: {  	_ =	task.clear_ibuf [dreg:s7], $0x2FFFF;
	_ =	strace $0x9FFFFFFF  }
0xc2: {  	(tm) =	ssettm $0x7FFFFFFF  }
0xc3: {  	_ =	shalt  }
tec
execute0_lowered:
.L_overlay_start_1:
0x0: {  	(tag) =	ssettag $0x1  }
0x1: {  	s0 =	srdreg.scid;
	s17 =	stileid.u32  }
0x2: {  	s1 =	sand.u32 $0x1, s0;
	s25 =	sshll.u32 s17, $0x1  }
0x3: {  	s0 =	sor.u32 s1, s25  }
0x4: {  	s5 =	smul.u32 $0x320, s0  }
0x5: {  	s3 =	rddreg [dreg:$0x0];
	s2 =	simm.s32 $0x0;
	s6 =	smul.u32 $0xC800, s0  }
0x6: {  	[smem:$0x7FF] =	sst s2;
	s0 =	smul.u32 $0x64000, s0  }
0x7: {  	s4 =	rddreg [dreg:$0x1];
	s7 =	sadd.s32 $0x7C0800, s3;
	_ =	strace $0x80000047  }
0x8: {  	s4 =	sadd.s32 s4, s5;
	s30 =	sadd.s32 s7, s6;
	s0 =	sshrl.u32 s0, $0x3  }
0x9: {  	[dreg:$0x3] =	wrdreg s4;
	s26 =	sadd.s32 $0x400, s30;
	s4 =	sadd.s32 s7, s0  }
0xa: {  	[dreg:$0x4] =	wrdreg s26;
	s0 =	sadd.s32 $0x800, s4  }
0xb: {  	s6 =	sadd.s32 $0xC00, s4;
	[dreg:$0x5] =	wrdreg s0  }
0xc: {  	s7 =	sadd.s32 $0x1000, s4;
	[dreg:$0x6] =	wrdreg s6  }
0xd: {  	s8 =	sadd.s32 $0x1400, s4;
	[dreg:$0x7] =	wrdreg s7  }
0xe: {  	s9 =	sadd.s32 $0x1800, s4;
	[dreg:$0x8] =	wrdreg s8  }
0xf: {  	s10 =	sadd.s32 $0x1C00, s4;
	[dreg:$0x9] =	wrdreg s9  }
0x10: {  	s11 =	sadd.s32 $0x2000, s4;
	[dreg:$0xa] =	wrdreg s10  }
0x11: {  	s12 =	sadd.s32 $0x2400, s4;
	[dreg:$0xb] =	wrdreg s11  }
0x12: {  	s13 =	sadd.s32 $0x2800, s4;
	[dreg:$0xc] =	wrdreg s12  }
0x13: {  	s14 =	sadd.s32 $0x2C00, s4;
	[dreg:$0xd] =	wrdreg s13  }
0x14: {  	s15 =	sadd.s32 $0x3000, s4;
	[dreg:$0xe] =	wrdreg s14  }
0x15: {  	s16 =	sadd.s32 $0x3400, s4;
	[dreg:$0xf] =	wrdreg s15  }
0x16: {  	s18 =	sadd.s32 $0x3800, s4;
	[dreg:$0x10] =	wrdreg s16  }
0x17: {  	s19 =	sadd.s32 $0x3C00, s4;
	[dreg:$0x11] =	wrdreg s18  }
0x18: {  	s20 =	sadd.s32 $0x4000, s4;
	[dreg:$0x12] =	wrdreg s19  }
0x19: {  	s21 =	sadd.s32 $0x4400, s4;
	[dreg:$0x13] =	wrdreg s20  }
0x1a: {  	s22 =	sadd.s32 $0x4800, s4;
	[dreg:$0x14] =	wrdreg s21  }
0x1b: {  	s23 =	sadd.s32 $0x4C00, s4;
	[dreg:$0x15] =	wrdreg s22  }
0x1c: {  	s24 =	sadd.s32 $0x5000, s4;
	[dreg:$0x16] =	wrdreg s23  }
0x1d: {  	s25 =	sadd.s32 $0x5400, s4;
	[dreg:$0x17] =	wrdreg s24  }
0x1e: {  	s26 =	sadd.s32 $0x5800, s4;
	[dreg:$0x18] =	wrdreg s25  }
0x1f: {  	s5 =	sadd.s32 $0x5C00, s4;
	[dreg:$0x19] =	wrdreg s26  }
0x20: {  	[dreg:$0x1a] =	wrdreg s5  }
0x21: {  	s6 =	sadd.s32 $0x6000, s4;
	s0 =	rddreg [dreg:$0x3]  }
0x22: {  	s7 =	sadd.s32 $0x6400, s4;
	[dreg:$0x1b] =	wrdreg s6  }
0x23: {  	s8 =	sadd.s32 $0x6800, s4;
	[dreg:$0x1c] =	wrdreg s7  }
0x24: {  	s9 =	sadd.s32 $0x6C00, s4;
	[dreg:$0x1d] =	wrdreg s8  }
0x25: {  	s10 =	sadd.s32 $0x7000, s4;
	[dreg:$0x1e] =	wrdreg s9  }
0x26: {  	s11 =	sadd.s32 $0x7400, s4;
	[dreg:$0x1f] =	wrdreg s10  }
0x27: {  	s12 =	sadd.s32 $0x7800, s4;
	[smem:$0x7C5] =	sst s11  }
0x28: {  	s13 =	sadd.s32 $0x7C00, s4;
	[smem:$0x7C6] =	sst s12  }
0x29: {  	s14 =	sadd.s32 $0x8000, s4;
	[smem:$0x7C7] =	sst s13  }
0x2a: {  	s15 =	sadd.s32 $0x8400, s4;
	[smem:$0x7C8] =	sst s14  }
0x2b: {  	s16 =	sadd.s32 $0x8800, s4;
	[smem:$0x7C9] =	sst s15  }
0x2c: {  	s18 =	sadd.s32 $0x8C00, s4;
	[smem:$0x7CA] =	sst s16  }
0x2d: {  	s19 =	sadd.s32 $0x9000, s4;
	[smem:$0x7CB] =	sst s18  }
0x2e: {  	s20 =	sadd.s32 $0x9400, s4;
	[smem:$0x7CC] =	sst s19  }
0x2f: {  	s21 =	sadd.s32 $0x9800, s4;
	[smem:$0x7CD] =	sst s20  }
0x30: {  	s22 =	sadd.s32 $0x9C00, s4;
	[smem:$0x7CE] =	sst s21  }
0x31: {  	s23 =	sadd.s32 $0xA000, s4;
	[smem:$0x7CF] =	sst s22  }
0x32: {  	s24 =	sadd.s32 $0xA400, s4;
	[smem:$0x7D0] =	sst s23  }
0x33: {  	s25 =	sadd.s32 $0xA800, s4;
	[smem:$0x7D1] =	sst s24  }
0x34: {  	s26 =	sadd.s32 $0xAC00, s4;
	[smem:$0x7D2] =	sst s25  }
0x35: {  	s5 =	sadd.s32 $0xB000, s4;
	[smem:$0x7D3] =	sst s26  }
0x36: {  	[smem:$0x7D4] =	sst s5;
	s6 =	sadd.s32 $0xB400, s4  }
0x37: {  	s7 =	sadd.s32 $0xB800, s4;
	[smem:$0x7D5] =	sst s6  }
0x38: {  	s8 =	sadd.s32 $0xBC00, s4;
	[smem:$0x7D6] =	sst s7  }
0x39: {  	s9 =	sadd.s32 $0xC000, s4;
	[smem:$0x7D7] =	sst s8  }
0x3a: {  	s10 =	sadd.s32 $0xC400, s4;
	[smem:$0x7D8] =	sst s9  }
0x3b: {  	s11 =	simm.s32 $0x100;
	[smem:$0x7D9] =	sst s10  }
0x3c: {  	s12 =	simm.s32 $0x180;
	[smem:$0x7DA] =	sst s11  }
0x3d: {  	s13 =	simm.s32 $0x200;
	[smem:$0x7DB] =	sst s12  }
0x3e: {  	s14 =	simm.s32 $0x280;
	[smem:$0x7DC] =	sst s13  }
0x3f: {  	s15 =	simm.s32 $0x300;
	[smem:$0x7DD] =	sst s14  }
0x40: {  	s16 =	simm.s32 $0x380;
	[smem:$0x7DE] =	sst s15  }
0x41: {  	s18 =	simm.s32 $0x400;
	[smem:$0x7DF] =	sst s16  }
0x42: {  	s19 =	simm.s32 $0x480;
	[smem:$0x7E0] =	sst s18  }
0x43: {  	s20 =	simm.s32 $0x500;
	[smem:$0x7E1] =	sst s19  }
0x44: {  	s21 =	simm.s32 $0x580;
	[smem:$0x7E2] =	sst s20  }
0x45: {  	s22 =	simm.s32 $0x600;
	[smem:$0x7E3] =	sst s21  }
0x46: {  	s23 =	simm.s32 $0x680;
	[smem:$0x7E4] =	sst s22  }
0x47: {  	s24 =	simm.s32 $0x700;
	[smem:$0x7E5] =	sst s23  }
0x48: {  	s31 =	simm.s32 $0x9;
	s25 =	simm.s32 $0x780;
	[smem:$0x7E6] =	sst s24  }
0x49: {  	s29 =	simm.s32 $0x1380;
	s26 =	simm.s32 $0x800;
	[smem:$0x7E7] =	sst s25  }
0x4a: {  	s28 =	simm.s32 $0x1400;
	s4 =	simm.s32 $0x880;
	[smem:$0x7E8] =	sst s26  }
0x4b: {  	p0 =	por $0x0, $0x0;
	s5 =	simm.s32 $0x900;
	[smem:$0x7E9] =	sst s4  }
0x4c: {  	s3 =	sadd.s32 $0x800, s3;
	[smem:$0x7EA] =	sst s5;
	s6 =	simm.s32 $0x980  }
0x4d: {  	s1 =	ssub.s32 $0x2, s1;
	s7 =	simm.s32 $0xA00;
	[smem:$0x7EB] =	sst s6  }
0x4e: {  	s8 =	simm.s32 $0xA80;
	s9 =	sshrl.u32 s1, $0x1;
	[smem:$0x7EC] =	sst s7  }
0x4f: {  	s10 =	simm.s32 $0xB00;
	s11 =	simm.s32 $0xB80;
	[smem:$0x7ED] =	sst s8  }
0x50: {  	s12 =	simm.s32 $0xC00;
	s13 =	simm.s32 $0xC80;
	[smem:$0x7EE] =	sst s10  }
0x51: {  	s14 =	simm.s32 $0xD00;
	s5 =	simm.s32 $0x1900;
	[smem:$0x7EF] =	sst s11  }
0x52: {  	s15 =	simm.s32 $0xD80;
	s4 =	simm.s32 $0x3900;
	[smem:$0x7F0] =	sst s12  }
0x53: {  	s16 =	simm.s32 $0xE00;
	s18 =	simm.s32 $0xE80;
	[smem:$0x7F1] =	sst s13  }
0x54: {  	s19 =	simm.s32 $0xF00;
	s20 =	simm.s32 $0xF80;
	[smem:$0x7F2] =	sst s14  }
0x55: {  	s21 =	simm.s32 $0x1000;
	s22 =	simm.s32 $0x1080;
	[smem:$0x7F3] =	sst s15  }
0x56: {  	s23 =	simm.s32 $0x1100;
	s24 =	simm.s32 $0x1180;
	[smem:$0x7F4] =	sst s16  }
0x57: {  	s25 =	simm.s32 $0x1200;
	s26 =	simm.s32 $0x1280;
	[smem:$0x7F5] =	sst s18  }
0x58: {  	s1 =	ssub.s32 s1, s9;
	s7 =	simm.s32 $0x80;
	[smem:$0x7F6] =	sst s19  }
0x59: {  	s12 =	simm.s32 $0x5900;
	s11 =	simm.s32 $0x7900;
	[smem:$0x7F7] =	sst s20  }
0x5a: {  	s10 =	simm.s32 $0x1;
	s9 =	simm.s32 $0x2;
	[smem:$0x7F8] =	sst s21  }
0x5b: {  	s6 =	simm.s32 $0x5;
	s16 =	simm.s32 $0x3;
	[smem:$0x7F9] =	sst s22  }
0x5c: {  	s8 =	simm.s32 $0x6;
	[smem:$0x7FA] =	sst s23;
	s1 =	smax.u32 s1, $0x1  }
0x5d: {  	s15 =	simm.s32 $0x4;
	[smem:$0x7FB] =	sst s24;
	p1 =	sne.s32 s1, $0x1  }
.Ltmp0:
0x5e: {  	s13 =	simm.s32 $0x7;
	[smem:$0x7FC] =	sst s25;
	(pc) =	sbr.rel @!p1 .LBB2_1-.Ltmp0, $4  }
0x5f: {  	s14 =	simm.s32 $0x8;
	[smem:$0x7FD] =	sst s26;
	s26 =	simm.s32 $0x1480  }
0x60: {  	s25 =	simm.s32 $0x1500;
	s24 =	simm.s32 $0x1580;
	s23 =	simm.s32 $0x1600  }
0x61: {  	s22 =	simm.s32 $0x1680;
	s21 =	simm.s32 $0x1700;
	s20 =	simm.s32 $0x1780  }
0x62: {  	s19 =	simm.s32 $0x1800;
	s18 =	simm.s32 $0x1880;
	s1 =	sadd.s32 $0xFFFFFFFF, s1  }
0x63: {  	[tilespmem:s2], [sflag:$0x9] =	stream.linear.gather [hbm4b:s0+s2], $0x1900, $0x38;
	[tilespmem:$0x9900] =	vst v63  }
0x64: {  	_ =	swait.ge [sflag:s31], $0x1900  }
0x65: {  	[sflag:s31] =	ssyncset.done $0x0  }
0x66: {  	[sflag:s31] =	ssyncadd.s32 $0xFFFFE700  }
0x67: {  	[tilespmem:s5], [sflag:$0x1] =	stream.indirect.gather [hbm4b:s3+s7], $0x40, s2, s7, $0xb8;
	[tilespmem:$0x9900] =	vst v63  }
0x68: {  	s0 =	sld [smem:$0x7DA]  }
0x69: {  	[tilespmem:s4], [sflag:$0x2] =	stream.indirect.gather [hbm4b:s3+s7], $0x40, s7, s7, $0xb8;
	[tilespmem:$0x9900] =	vst v63  }
0x6a: {  	s17 =	smov.u32 s1;
	s1 =	sld [smem:$0x7DB]  }
0x6b: {  	[tilespmem:s12], [sflag:$0x3] =	stream.indirect.gather [hbm4b:s3+s7], $0x40, s0, s7, $0xb8;
	[tilespmem:$0x9900] =	vst v63  }
0x6c: {  	_ = 	snop  }
0x6d: {  	[tilespmem:s11], [sflag:$0x4] =	stream.indirect.gather [hbm4b:s3+s7], $0x40, s1, s7, $0xb8;
	[tilespmem:$0x9900] =	vst v63  }
0x6e: {  	_ =	swait.ge [sflag:s10], $0x2000  }
0x6f: {  	[sflag:s10] =	ssyncset.done $0x0  }
0x70: {  	[sflag:s10] =	ssyncadd.s32 $0xFFFFE000  }
0x71: {  	[hbm4b:s30+s2] =	stream.linear.scatter [tilespmem:s5], [sflag:$0x5], $0x2000, $0x38;
	[tilespmem:$0x9900] =	vst v63  }
0x72: {  	_ =	swait.ge [sflag:s9], $0x2000  }
0x73: {  	[sflag:s9] =	ssyncset.done $0x0  }
0x74: {  	s1 =	rddreg [dreg:$0x4];
	[sflag:s9] =	ssyncadd.s32 $0xFFFFE000  }
0x75: {  	[hbm4b:s1+s2] =	stream.linear.scatter [tilespmem:s4], [sflag:$0x6], $0x2000, $0x38;
	[tilespmem:$0x9900] =	vst v63  }
0x76: {  	_ =	swait.ge [sflag:s6], $0x2000  }
0x77: {  	s1 =	sld [smem:$0x7DC]  }
0x78: {  	[sflag:s6] =	ssyncset.done $0x0  }
0x79: {  	[sflag:s6] =	ssyncadd.s32 $0xFFFFE000  }
0x7a: {  	[tilespmem:s5], [sflag:$0x1] =	stream.indirect.gather [hbm4b:s3+s7], $0x40, s1, s7, $0xb8;
	[tilespmem:$0x9900] =	vst v63  }
0x7b: {  	_ =	swait.ge [sflag:s16], $0x2000  }
0x7c: {  	[sflag:s16] =	ssyncset.done $0x0  }
0x7d: {  	s1 =	rddreg [dreg:$0x5];
	[sflag:s16] =	ssyncadd.s32 $0xFFFFE000  }
0x7e: {  	[hbm4b:s1+s2] =	stream.linear.scatter [tilespmem:s12], [sflag:$0x7], $0x2000, $0x38;
	[tilespmem:$0x9900] =	vst v63  }
0x7f: {  	_ =	swait.ge [sflag:s8], $0x2000  }
0x80: {  	s1 =	sld [smem:$0x7DD]  }
0x81: {  	[sflag:s8] =	ssyncset.done $0x0  }
0x82: {  	[sflag:s8] =	ssyncadd.s32 $0xFFFFE000  }
0x83: {  	[tilespmem:s4], [sflag:$0x2] =	stream.indirect.gather [hbm4b:s3+s7], $0x40, s1, s7, $0xb8;
	[tilespmem:$0x9900] =	vst v63  }
0x84: {  	_ =	swait.ge [sflag:s15], $0x2000  }
0x85: {  	[sflag:s15] =	ssyncset.done $0x0  }
0x86: {  	s1 =	rddreg [dreg:$0x6];
	[sflag:s15] =	ssyncadd.s32 $0xFFFFE000  }
0x87: {  	[hbm4b:s1+s2] =	stream.linear.scatter [tilespmem:s11], [sflag:$0x8], $0x2000, $0x38;
	[tilespmem:$0x9900] =	vst v63  }
0x88: {  	_ =	swait.ge [sflag:s13], $0x2000  }
0x89: {  	s1 =	sld [smem:$0x7DE]  }
0x8a: {  	[sflag:s13] =	ssyncset.done $0x0  }
0x8b: {  	[sflag:s13] =	ssyncadd.s32 $0xFFFFE000  }
0x8c: {  	[tilespmem:s12], [sflag:$0x3] =	stream.indirect.gather [hbm4b:s3+s7], $0x40, s1, s7, $0xb8;
	[tilespmem:$0x9900] =	vst v63  }
0x8d: {  	_ =	swait.ge [sflag:s10], $0x2000  }
0x8e: {  	[sflag:s10] =	ssyncset.done $0x0  }
0x8f: {  	s1 =	rddreg [dreg:$0x7];
	[sflag:s10] =	ssyncadd.s32 $0xFFFFE000  }
0x90: {  	[hbm4b:s1+s2] =	stream.linear.scatter [tilespmem:s5], [sflag:$0x5], $0x2000, $0x38;
	[tilespmem:$0x9900] =	vst v63  }
0x91: {  	_ =	swait.ge [sflag:s14], $0x2000  }
0x92: {  	s1 =	sld [smem:$0x7DF]  }
0x93: {  	[sflag:s14] =	ssyncset.done $0x0  }
0x94: {  	[sflag:s14] =	ssyncadd.s32 $0xFFFFE000  }
0x95: {  	[tilespmem:s11], [sflag:$0x4] =	stream.indirect.gather [hbm4b:s3+s7], $0x40, s1, s7, $0xb8;
	[tilespmem:$0x9900] =	vst v63  }
0x96: {  	_ =	swait.ge [sflag:s9], $0x2000  }
0x97: {  	[sflag:s9] =	ssyncset.done $0x0  }
0x98: {  	s1 =	rddreg [dreg:$0x8];
	[sflag:s9] =	ssyncadd.s32 $0xFFFFE000  }
0x99: {  	[hbm4b:s1+s2] =	stream.linear.scatter [tilespmem:s4], [sflag:$0x6], $0x2000, $0x38;
	[tilespmem:$0x9900] =	vst v63  }
0x9a: {  	_ =	swait.ge [sflag:s6], $0x2000  }
0x9b: {  	s1 =	sld [smem:$0x7E0]  }
0x9c: {  	[sflag:s6] =	ssyncset.done $0x0  }
0x9d: {  	[sflag:s6] =	ssyncadd.s32 $0xFFFFE000  }
0x9e: {  	[tilespmem:s5], [sflag:$0x1] =	stream.indirect.gather [hbm4b:s3+s7], $0x40, s1, s7, $0xb8;
	[tilespmem:$0x9900] =	vst v63  }
0x9f: {  	_ =	swait.ge [sflag:s16], $0x2000  }
0xa0: {  	[sflag:s16] =	ssyncset.done $0x0  }
0xa1: {  	s1 =	rddreg [dreg:$0x9];
	[sflag:s16] =	ssyncadd.s32 $0xFFFFE000  }
0xa2: {  	[hbm4b:s1+s2] =	stream.linear.scatter [tilespmem:s12], [sflag:$0x7], $0x2000, $0x38;
	[tilespmem:$0x9900] =	vst v63  }
0xa3: {  	_ =	swait.ge [sflag:s8], $0x2000  }
0xa4: {  	s1 =	sld [smem:$0x7E1]  }
0xa5: {  	[sflag:s8] =	ssyncset.done $0x0  }
0xa6: {  	[sflag:s8] =	ssyncadd.s32 $0xFFFFE000  }
0xa7: {  	[tilespmem:s4], [sflag:$0x2] =	stream.indirect.gather [hbm4b:s3+s7], $0x40, s1, s7, $0xb8;
	[tilespmem:$0x9900] =	vst v63  }
0xa8: {  	_ =	swait.ge [sflag:s15], $0x2000  }
0xa9: {  	[sflag:s15] =	ssyncset.done $0x0  }
0xaa: {  	s1 =	rddreg [dreg:$0xa];
	[sflag:s15] =	ssyncadd.s32 $0xFFFFE000  }
0xab: {  	[hbm4b:s1+s2] =	stream.linear.scatter [tilespmem:s11], [sflag:$0x8], $0x2000, $0x38;
	[tilespmem:$0x9900] =	vst v63  }
0xac: {  	_ =	swait.ge [sflag:s13], $0x2000  }
0xad: {  	s1 =	sld [smem:$0x7E2]  }
0xae: {  	[sflag:s13] =	ssyncset.done $0x0  }
0xaf: {  	[sflag:s13] =	ssyncadd.s32 $0xFFFFE000  }
0xb0: {  	[tilespmem:s12], [sflag:$0x3] =	stream.indirect.gather [hbm4b:s3+s7], $0x40, s1, s7, $0xb8;
	[tilespmem:$0x9900] =	vst v63  }
0xb1: {  	_ =	swait.ge [sflag:s10], $0x2000  }
0xb2: {  	[sflag:s10] =	ssyncset.done $0x0  }
0xb3: {  	s1 =	rddreg [dreg:$0xb];
	[sflag:s10] =	ssyncadd.s32 $0xFFFFE000  }
0xb4: {  	[hbm4b:s1+s2] =	stream.linear.scatter [tilespmem:s5], [sflag:$0x5], $0x2000, $0x38;
	[tilespmem:$0x9900] =	vst v63  }
0xb5: {  	_ =	swait.ge [sflag:s14], $0x2000  }
0xb6: {  	s1 =	sld [smem:$0x7E3]  }
0xb7: {  	[sflag:s14] =	ssyncset.done $0x0  }
0xb8: {  	[sflag:s14] =	ssyncadd.s32 $0xFFFFE000  }
0xb9: {  	[tilespmem:s11], [sflag:$0x4] =	stream.indirect.gather [hbm4b:s3+s7], $0x40, s1, s7, $0xb8;
	[tilespmem:$0x9900] =	vst v63  }
0xba: {  	_ =	swait.ge [sflag:s9], $0x2000  }
0xbb: {  	[sflag:s9] =	ssyncset.done $0x0  }
0xbc: {  	s1 =	rddreg [dreg:$0xc];
	[sflag:s9] =	ssyncadd.s32 $0xFFFFE000  }
0xbd: {  	[hbm4b:s1+s2] =	stream.linear.scatter [tilespmem:s4], [sflag:$0x6], $0x2000, $0x38;
	[tilespmem:$0x9900] =	vst v63  }
0xbe: {  	_ =	swait.ge [sflag:s6], $0x2000  }
0xbf: {  	s1 =	sld [smem:$0x7E4]  }
0xc0: {  	[sflag:s6] =	ssyncset.done $0x0  }
0xc1: {  	[sflag:s6] =	ssyncadd.s32 $0xFFFFE000  }
0xc2: {  	[tilespmem:s5], [sflag:$0x1] =	stream.indirect.gather [hbm4b:s3+s7], $0x40, s1, s7, $0xb8;
	[tilespmem:$0x9900] =	vst v63  }
0xc3: {  	_ =	swait.ge [sflag:s16], $0x2000  }
0xc4: {  	[sflag:s16] =	ssyncset.done $0x0  }
0xc5: {  	s1 =	rddreg [dreg:$0xd];
	[sflag:s16] =	ssyncadd.s32 $0xFFFFE000  }
0xc6: {  	[hbm4b:s1+s2] =	stream.linear.scatter [tilespmem:s12], [sflag:$0x7], $0x2000, $0x38;
	[tilespmem:$0x9900] =	vst v63  }
0xc7: {  	_ =	swait.ge [sflag:s8], $0x2000  }
0xc8: {  	s1 =	sld [smem:$0x7E5]  }
0xc9: {  	[sflag:s8] =	ssyncset.done $0x0  }
0xca: {  	[sflag:s8] =	ssyncadd.s32 $0xFFFFE000  }
0xcb: {  	[tilespmem:s4], [sflag:$0x2] =	stream.indirect.gather [hbm4b:s3+s7], $0x40, s1, s7, $0xb8;
	[tilespmem:$0x9900] =	vst v63  }
0xcc: {  	_ =	swait.ge [sflag:s15], $0x2000  }
0xcd: {  	[sflag:s15] =	ssyncset.done $0x0  }
0xce: {  	s1 =	rddreg [dreg:$0xe];
	[sflag:s15] =	ssyncadd.s32 $0xFFFFE000  }
0xcf: {  	[hbm4b:s1+s2] =	stream.linear.scatter [tilespmem:s11], [sflag:$0x8], $0x2000, $0x38;
	[tilespmem:$0x9900] =	vst v63  }
0xd0: {  	_ =	swait.ge [sflag:s13], $0x2000  }
0xd1: {  	s1 =	sld [smem:$0x7E6]  }
0xd2: {  	[sflag:s13] =	ssyncset.done $0x0  }
0xd3: {  	[sflag:s13] =	ssyncadd.s32 $0xFFFFE000  }
0xd4: {  	[tilespmem:s12], [sflag:$0x3] =	stream.indirect.gather [hbm4b:s3+s7], $0x40, s1, s7, $0xb8;
	[tilespmem:$0x9900] =	vst v63  }
0xd5: {  	_ =	swait.ge [sflag:s10], $0x2000  }
0xd6: {  	[sflag:s10] =	ssyncset.done $0x0  }
0xd7: {  	s1 =	rddreg [dreg:$0xf];
	[sflag:s10] =	ssyncadd.s32 $0xFFFFE000  }
0xd8: {  	[hbm4b:s1+s2] =	stream.linear.scatter [tilespmem:s5], [sflag:$0x5], $0x2000, $0x38;
	[tilespmem:$0x9900] =	vst v63  }
0xd9: {  	_ =	swait.ge [sflag:s14], $0x2000  }
0xda: {  	s1 =	sld [smem:$0x7E7]  }
0xdb: {  	[sflag:s14] =	ssyncset.done $0x0  }
0xdc: {  	[sflag:s14] =	ssyncadd.s32 $0xFFFFE000  }
0xdd: {  	[tilespmem:s11], [sflag:$0x4] =	stream.indirect.gather [hbm4b:s3+s7], $0x40, s1, s7, $0xb8;
	[tilespmem:$0x9900] =	vst v63  }
0xde: {  	_ =	swait.ge [sflag:s9], $0x2000  }
0xdf: {  	[sflag:s9] =	ssyncset.done $0x0  }
0xe0: {  	s1 =	rddreg [dreg:$0x10];
	[sflag:s9] =	ssyncadd.s32 $0xFFFFE000  }
0xe1: {  	[hbm4b:s1+s2] =	stream.linear.scatter [tilespmem:s4], [sflag:$0x6], $0x2000, $0x38;
	[tilespmem:$0x9900] =	vst v63  }
0xe2: {  	_ =	swait.ge [sflag:s6], $0x2000  }
0xe3: {  	s1 =	sld [smem:$0x7E8]  }
0xe4: {  	[sflag:s6] =	ssyncset.done $0x0  }
0xe5: {  	[sflag:s6] =	ssyncadd.s32 $0xFFFFE000  }
0xe6: {  	[tilespmem:s5], [sflag:$0x1] =	stream.indirect.gather [hbm4b:s3+s7], $0x40, s1, s7, $0xb8;
	[tilespmem:$0x9900] =	vst v63  }
0xe7: {  	_ =	swait.ge [sflag:s16], $0x2000  }
0xe8: {  	[sflag:s16] =	ssyncset.done $0x0  }
0xe9: {  	s1 =	rddreg [dreg:$0x11];
	[sflag:s16] =	ssyncadd.s32 $0xFFFFE000  }
0xea: {  	[hbm4b:s1+s2] =	stream.linear.scatter [tilespmem:s12], [sflag:$0x7], $0x2000, $0x38;
	[tilespmem:$0x9900] =	vst v63  }
0xeb: {  	_ =	swait.ge [sflag:s8], $0x2000  }
0xec: {  	s1 =	sld [smem:$0x7E9]  }
0xed: {  	[sflag:s8] =	ssyncset.done $0x0  }
0xee: {  	[sflag:s8] =	ssyncadd.s32 $0xFFFFE000  }
0xef: {  	[tilespmem:s4], [sflag:$0x2] =	stream.indirect.gather [hbm4b:s3+s7], $0x40, s1, s7, $0xb8;
	[tilespmem:$0x9900] =	vst v63  }
0xf0: {  	_ =	swait.ge [sflag:s15], $0x2000  }
0xf1: {  	[sflag:s15] =	ssyncset.done $0x0  }
0xf2: {  	s1 =	rddreg [dreg:$0x12];
	[sflag:s15] =	ssyncadd.s32 $0xFFFFE000  }
0xf3: {  	[hbm4b:s1+s2] =	stream.linear.scatter [tilespmem:s11], [sflag:$0x8], $0x2000, $0x38;
	[tilespmem:$0x9900] =	vst v63  }
0xf4: {  	_ =	swait.ge [sflag:s13], $0x2000  }
0xf5: {  	s1 =	sld [smem:$0x7EA]  }
0xf6: {  	[sflag:s13] =	ssyncset.done $0x0  }
0xf7: {  	[sflag:s13] =	ssyncadd.s32 $0xFFFFE000  }
0xf8: {  	[tilespmem:s12], [sflag:$0x3] =	stream.indirect.gather [hbm4b:s3+s7], $0x40, s1, s7, $0xb8;
	[tilespmem:$0x9900] =	vst v63  }
0xf9: {  	_ =	swait.ge [sflag:s10], $0x2000  }
0xfa: {  	[sflag:s10] =	ssyncset.done $0x0  }
0xfb: {  	s1 =	rddreg [dreg:$0x13];
	[sflag:s10] =	ssyncadd.s32 $0xFFFFE000  }
0xfc: {  	[hbm4b:s1+s2] =	stream.linear.scatter [tilespmem:s5], [sflag:$0x5], $0x2000, $0x38;
	[tilespmem:$0x9900] =	vst v63  }
0xfd: {  	_ =	swait.ge [sflag:s14], $0x2000  }
0xfe: {  	s1 =	sld [smem:$0x7EB]  }
0xff: {  	[sflag:s14] =	ssyncset.done $0x0  }
0x100: {  	[sflag:s14] =	ssyncadd.s32 $0xFFFFE000  }
0x101: {  	[tilespmem:s11], [sflag:$0x4] =	stream.indirect.gather [hbm4b:s3+s7], $0x40, s1, s7, $0xb8;
	[tilespmem:$0x9900] =	vst v63  }
0x102: {  	_ =	swait.ge [sflag:s9], $0x2000  }
0x103: {  	[sflag:s9] =	ssyncset.done $0x0  }
0x104: {  	s1 =	rddreg [dreg:$0x14];
	[sflag:s9] =	ssyncadd.s32 $0xFFFFE000  }
0x105: {  	[hbm4b:s1+s2] =	stream.linear.scatter [tilespmem:s4], [sflag:$0x6], $0x2000, $0x38;
	[tilespmem:$0x9900] =	vst v63  }
0x106: {  	_ =	swait.ge [sflag:s6], $0x2000  }
0x107: {  	s1 =	sld [smem:$0x7EC]  }
0x108: {  	[sflag:s6] =	ssyncset.done $0x0  }
0x109: {  	[sflag:s6] =	ssyncadd.s32 $0xFFFFE000  }
0x10a: {  	[tilespmem:s5], [sflag:$0x1] =	stream.indirect.gather [hbm4b:s3+s7], $0x40, s1, s7, $0xb8;
	[tilespmem:$0x9900] =	vst v63  }
0x10b: {  	_ =	swait.ge [sflag:s16], $0x2000  }
0x10c: {  	[sflag:s16] =	ssyncset.done $0x0  }
0x10d: {  	s1 =	rddreg [dreg:$0x15];
	[sflag:s16] =	ssyncadd.s32 $0xFFFFE000  }
0x10e: {  	[hbm4b:s1+s2] =	stream.linear.scatter [tilespmem:s12], [sflag:$0x7], $0x2000, $0x38;
	[tilespmem:$0x9900] =	vst v63  }
0x10f: {  	_ =	swait.ge [sflag:s8], $0x2000  }
0x110: {  	s1 =	sld [smem:$0x7ED]  }
0x111: {  	[sflag:s8] =	ssyncset.done $0x0  }
0x112: {  	[sflag:s8] =	ssyncadd.s32 $0xFFFFE000  }
0x113: {  	[tilespmem:s4], [sflag:$0x2] =	stream.indirect.gather [hbm4b:s3+s7], $0x40, s1, s7, $0xb8;
	[tilespmem:$0x9900] =	vst v63  }
0x114: {  	_ =	swait.ge [sflag:s15], $0x2000  }
0x115: {  	[sflag:s15] =	ssyncset.done $0x0  }
0x116: {  	s1 =	rddreg [dreg:$0x16];
	[sflag:s15] =	ssyncadd.s32 $0xFFFFE000  }
0x117: {  	[hbm4b:s1+s2] =	stream.linear.scatter [tilespmem:s11], [sflag:$0x8], $0x2000, $0x38;
	[tilespmem:$0x9900] =	vst v63  }
0x118: {  	_ =	swait.ge [sflag:s13], $0x2000  }
0x119: {  	s1 =	sld [smem:$0x7EE]  }
0x11a: {  	[sflag:s13] =	ssyncset.done $0x0  }
0x11b: {  	[sflag:s13] =	ssyncadd.s32 $0xFFFFE000  }
0x11c: {  	[tilespmem:s12], [sflag:$0x3] =	stream.indirect.gather [hbm4b:s3+s7], $0x40, s1, s7, $0xb8;
	[tilespmem:$0x9900] =	vst v63  }
0x11d: {  	_ =	swait.ge [sflag:s10], $0x2000  }
0x11e: {  	[sflag:s10] =	ssyncset.done $0x0  }
0x11f: {  	s1 =	rddreg [dreg:$0x17];
	[sflag:s10] =	ssyncadd.s32 $0xFFFFE000  }
0x120: {  	[hbm4b:s1+s2] =	stream.linear.scatter [tilespmem:s5], [sflag:$0x5], $0x2000, $0x38;
	[tilespmem:$0x9900] =	vst v63  }
0x121: {  	_ =	swait.ge [sflag:s14], $0x2000  }
0x122: {  	s1 =	sld [smem:$0x7EF]  }
0x123: {  	[sflag:s14] =	ssyncset.done $0x0  }
0x124: {  	[sflag:s14] =	ssyncadd.s32 $0xFFFFE000  }
0x125: {  	[tilespmem:s11], [sflag:$0x4] =	stream.indirect.gather [hbm4b:s3+s7], $0x40, s1, s7, $0xb8;
	[tilespmem:$0x9900] =	vst v63  }
0x126: {  	_ =	swait.ge [sflag:s9], $0x2000  }
0x127: {  	[sflag:s9] =	ssyncset.done $0x0  }
0x128: {  	s1 =	rddreg [dreg:$0x18];
	[sflag:s9] =	ssyncadd.s32 $0xFFFFE000  }
0x129: {  	[hbm4b:s1+s2] =	stream.linear.scatter [tilespmem:s4], [sflag:$0x6], $0x2000, $0x38;
	[tilespmem:$0x9900] =	vst v63  }
0x12a: {  	_ =	swait.ge [sflag:s6], $0x2000  }
0x12b: {  	s1 =	sld [smem:$0x7F0]  }
0x12c: {  	[sflag:s6] =	ssyncset.done $0x0  }
0x12d: {  	[sflag:s6] =	ssyncadd.s32 $0xFFFFE000  }
0x12e: {  	[tilespmem:s5], [sflag:$0x1] =	stream.indirect.gather [hbm4b:s3+s7], $0x40, s1, s7, $0xb8;
	[tilespmem:$0x9900] =	vst v63  }
0x12f: {  	_ =	swait.ge [sflag:s16], $0x2000  }
0x130: {  	[sflag:s16] =	ssyncset.done $0x0  }
0x131: {  	s1 =	rddreg [dreg:$0x19];
	[sflag:s16] =	ssyncadd.s32 $0xFFFFE000  }
0x132: {  	[hbm4b:s1+s2] =	stream.linear.scatter [tilespmem:s12], [sflag:$0x7], $0x2000, $0x38;
	[tilespmem:$0x9900] =	vst v63  }
0x133: {  	_ =	swait.ge [sflag:s8], $0x2000  }
0x134: {  	s1 =	sld [smem:$0x7F1]  }
0x135: {  	[sflag:s8] =	ssyncset.done $0x0  }
0x136: {  	[sflag:s8] =	ssyncadd.s32 $0xFFFFE000  }
0x137: {  	[tilespmem:s4], [sflag:$0x2] =	stream.indirect.gather [hbm4b:s3+s7], $0x40, s1, s7, $0xb8;
	[tilespmem:$0x9900] =	vst v63  }
0x138: {  	_ =	swait.ge [sflag:s15], $0x2000  }
0x139: {  	[sflag:s15] =	ssyncset.done $0x0  }
0x13a: {  	s1 =	rddreg [dreg:$0x1a];
	[sflag:s15] =	ssyncadd.s32 $0xFFFFE000  }
0x13b: {  	[hbm4b:s1+s2] =	stream.linear.scatter [tilespmem:s11], [sflag:$0x8], $0x2000, $0x38;
	[tilespmem:$0x9900] =	vst v63  }
0x13c: {  	_ =	swait.ge [sflag:s13], $0x2000  }
0x13d: {  	s1 =	sld [smem:$0x7F2]  }
0x13e: {  	[sflag:s13] =	ssyncset.done $0x0  }
0x13f: {  	[sflag:s13] =	ssyncadd.s32 $0xFFFFE000  }
0x140: {  	[tilespmem:s12], [sflag:$0x3] =	stream.indirect.gather [hbm4b:s3+s7], $0x40, s1, s7, $0xb8;
	[tilespmem:$0x9900] =	vst v63  }
0x141: {  	_ =	swait.ge [sflag:s10], $0x2000  }
0x142: {  	[sflag:s10] =	ssyncset.done $0x0  }
0x143: {  	s1 =	rddreg [dreg:$0x1b];
	[sflag:s10] =	ssyncadd.s32 $0xFFFFE000  }
0x144: {  	[hbm4b:s1+s2] =	stream.linear.scatter [tilespmem:s5], [sflag:$0x5], $0x2000, $0x38;
	[tilespmem:$0x9900] =	vst v63  }
0x145: {  	_ =	swait.ge [sflag:s14], $0x2000  }
0x146: {  	s1 =	sld [smem:$0x7F3]  }
0x147: {  	[sflag:s14] =	ssyncset.done $0x0  }
0x148: {  	[sflag:s14] =	ssyncadd.s32 $0xFFFFE000  }
0x149: {  	[tilespmem:s11], [sflag:$0x4] =	stream.indirect.gather [hbm4b:s3+s7], $0x40, s1, s7, $0xb8;
	[tilespmem:$0x9900] =	vst v63  }
0x14a: {  	_ =	swait.ge [sflag:s9], $0x2000  }
0x14b: {  	[sflag:s9] =	ssyncset.done $0x0  }
0x14c: {  	s1 =	rddreg [dreg:$0x1c];
	[sflag:s9] =	ssyncadd.s32 $0xFFFFE000  }
0x14d: {  	[hbm4b:s1+s2] =	stream.linear.scatter [tilespmem:s4], [sflag:$0x6], $0x2000, $0x38;
	[tilespmem:$0x9900] =	vst v63  }
0x14e: {  	_ =	swait.ge [sflag:s6], $0x2000  }
0x14f: {  	s1 =	sld [smem:$0x7F4]  }
0x150: {  	[sflag:s6] =	ssyncset.done $0x0  }
0x151: {  	[sflag:s6] =	ssyncadd.s32 $0xFFFFE000  }
0x152: {  	[tilespmem:s5], [sflag:$0x1] =	stream.indirect.gather [hbm4b:s3+s7], $0x40, s1, s7, $0xb8;
	[tilespmem:$0x9900] =	vst v63  }
0x153: {  	_ =	swait.ge [sflag:s16], $0x2000  }
0x154: {  	[sflag:s16] =	ssyncset.done $0x0  }
0x155: {  	s1 =	rddreg [dreg:$0x1d];
	[sflag:s16] =	ssyncadd.s32 $0xFFFFE000  }
0x156: {  	[hbm4b:s1+s2] =	stream.linear.scatter [tilespmem:s12], [sflag:$0x7], $0x2000, $0x38;
	[tilespmem:$0x9900] =	vst v63  }
0x157: {  	_ =	swait.ge [sflag:s8], $0x2000  }
0x158: {  	s1 =	sld [smem:$0x7F5]  }
0x159: {  	[sflag:s8] =	ssyncset.done $0x0  }
0x15a: {  	[sflag:s8] =	ssyncadd.s32 $0xFFFFE000  }
0x15b: {  	[tilespmem:s4], [sflag:$0x2] =	stream.indirect.gather [hbm4b:s3+s7], $0x40, s1, s7, $0xb8;
	[tilespmem:$0x9900] =	vst v63  }
0x15c: {  	_ =	swait.ge [sflag:s15], $0x2000  }
0x15d: {  	[sflag:s15] =	ssyncset.done $0x0  }
0x15e: {  	s1 =	rddreg [dreg:$0x1e];
	[sflag:s15] =	ssyncadd.s32 $0xFFFFE000  }
0x15f: {  	[hbm4b:s1+s2] =	stream.linear.scatter [tilespmem:s11], [sflag:$0x8], $0x2000, $0x38;
	[tilespmem:$0x9900] =	vst v63  }
0x160: {  	_ =	swait.ge [sflag:s13], $0x2000  }
0x161: {  	s1 =	sld [smem:$0x7F6]  }
0x162: {  	[sflag:s13] =	ssyncset.done $0x0  }
0x163: {  	[sflag:s13] =	ssyncadd.s32 $0xFFFFE000  }
0x164: {  	[tilespmem:s12], [sflag:$0x3] =	stream.indirect.gather [hbm4b:s3+s7], $0x40, s1, s7, $0xb8;
	[tilespmem:$0x9900] =	vst v63  }
0x165: {  	_ =	swait.ge [sflag:s10], $0x2000  }
0x166: {  	[sflag:s10] =	ssyncset.done $0x0  }
0x167: {  	s1 =	rddreg [dreg:$0x1f];
	[sflag:s10] =	ssyncadd.s32 $0xFFFFE000  }
0x168: {  	[hbm4b:s1+s2] =	stream.linear.scatter [tilespmem:s5], [sflag:$0x5], $0x2000, $0x38;
	[tilespmem:$0x9900] =	vst v63  }
0x169: {  	_ =	swait.ge [sflag:s14], $0x2000  }
0x16a: {  	s1 =	sld [smem:$0x7F7]  }
0x16b: {  	[sflag:s14] =	ssyncset.done $0x0  }
0x16c: {  	[sflag:s14] =	ssyncadd.s32 $0xFFFFE000  }
0x16d: {  	[tilespmem:s11], [sflag:$0x4] =	stream.indirect.gather [hbm4b:s3+s7], $0x40, s1, s7, $0xb8;
	[tilespmem:$0x9900] =	vst v63  }
0x16e: {  	_ =	swait.ge [sflag:s9], $0x2000  }
0x16f: {  	s1 =	sld [smem:$0x7C5]  }
0x170: {  	[sflag:s9] =	ssyncset.done $0x0  }
0x171: {  	[sflag:s9] =	ssyncadd.s32 $0xFFFFE000  }
0x172: {  	[hbm4b:s1+s2] =	stream.linear.scatter [tilespmem:s4], [sflag:$0x6], $0x2000, $0x38;
	[tilespmem:$0x9900] =	vst v63  }
0x173: {  	_ =	swait.ge [sflag:s6], $0x2000  }
0x174: {  	s1 =	sld [smem:$0x7F8]  }
0x175: {  	[sflag:s6] =	ssyncset.done $0x0  }
0x176: {  	[sflag:s6] =	ssyncadd.s32 $0xFFFFE000  }
0x177: {  	[tilespmem:s5], [sflag:$0x1] =	stream.indirect.gather [hbm4b:s3+s7], $0x40, s1, s7, $0xb8;
	[tilespmem:$0x9900] =	vst v63  }
0x178: {  	_ =	swait.ge [sflag:s16], $0x2000  }
0x179: {  	s1 =	sld [smem:$0x7C6]  }
0x17a: {  	[sflag:s16] =	ssyncset.done $0x0  }
0x17b: {  	[sflag:s16] =	ssyncadd.s32 $0xFFFFE000  }
0x17c: {  	[hbm4b:s1+s2] =	stream.linear.scatter [tilespmem:s12], [sflag:$0x7], $0x2000, $0x38;
	[tilespmem:$0x9900] =	vst v63  }
0x17d: {  	_ =	swait.ge [sflag:s8], $0x2000  }
0x17e: {  	s1 =	sld [smem:$0x7F9]  }
0x17f: {  	[sflag:s8] =	ssyncset.done $0x0  }
0x180: {  	[sflag:s8] =	ssyncadd.s32 $0xFFFFE000  }
0x181: {  	[tilespmem:s4], [sflag:$0x2] =	stream.indirect.gather [hbm4b:s3+s7], $0x40, s1, s7, $0xb8;
	[tilespmem:$0x9900] =	vst v63  }
0x182: {  	_ =	swait.ge [sflag:s15], $0x2000  }
0x183: {  	s1 =	sld [smem:$0x7C7]  }
0x184: {  	[sflag:s15] =	ssyncset.done $0x0  }
0x185: {  	[sflag:s15] =	ssyncadd.s32 $0xFFFFE000  }
0x186: {  	[hbm4b:s1+s2] =	stream.linear.scatter [tilespmem:s11], [sflag:$0x8], $0x2000, $0x38;
	[tilespmem:$0x9900] =	vst v63  }
0x187: {  	_ =	swait.ge [sflag:s13], $0x2000  }
0x188: {  	s1 =	sld [smem:$0x7FA]  }
0x189: {  	[sflag:s13] =	ssyncset.done $0x0  }
0x18a: {  	[sflag:s13] =	ssyncadd.s32 $0xFFFFE000  }
0x18b: {  	[tilespmem:s12], [sflag:$0x3] =	stream.indirect.gather [hbm4b:s3+s7], $0x40, s1, s7, $0xb8;
	[tilespmem:$0x9900] =	vst v63  }
0x18c: {  	_ =	swait.ge [sflag:s10], $0x2000  }
0x18d: {  	s1 =	sld [smem:$0x7C8]  }
0x18e: {  	[sflag:s10] =	ssyncset.done $0x0  }
0x18f: {  	[sflag:s10] =	ssyncadd.s32 $0xFFFFE000  }
0x190: {  	[hbm4b:s1+s2] =	stream.linear.scatter [tilespmem:s5], [sflag:$0x5], $0x2000, $0x38;
	[tilespmem:$0x9900] =	vst v63  }
0x191: {  	_ =	swait.ge [sflag:s14], $0x2000  }
0x192: {  	s1 =	sld [smem:$0x7FB]  }
0x193: {  	[sflag:s14] =	ssyncset.done $0x0  }
0x194: {  	[sflag:s14] =	ssyncadd.s32 $0xFFFFE000  }
0x195: {  	[tilespmem:s11], [sflag:$0x4] =	stream.indirect.gather [hbm4b:s3+s7], $0x40, s1, s7, $0xb8;
	[tilespmem:$0x9900] =	vst v63  }
0x196: {  	_ =	swait.ge [sflag:s9], $0x2000  }
0x197: {  	s1 =	sld [smem:$0x7C9]  }
0x198: {  	[sflag:s9] =	ssyncset.done $0x0  }
0x199: {  	[sflag:s9] =	ssyncadd.s32 $0xFFFFE000  }
0x19a: {  	[hbm4b:s1+s2] =	stream.linear.scatter [tilespmem:s4], [sflag:$0x6], $0x2000, $0x38;
	[tilespmem:$0x9900] =	vst v63  }
0x19b: {  	_ =	swait.ge [sflag:s6], $0x2000  }
0x19c: {  	s1 =	sld [smem:$0x7FC]  }
0x19d: {  	[sflag:s6] =	ssyncset.done $0x0  }
0x19e: {  	[sflag:s6] =	ssyncadd.s32 $0xFFFFE000  }
0x19f: {  	[tilespmem:s5], [sflag:$0x1] =	stream.indirect.gather [hbm4b:s3+s7], $0x40, s1, s7, $0xb8;
	[tilespmem:$0x9900] =	vst v63  }
0x1a0: {  	_ =	swait.ge [sflag:s16], $0x2000  }
0x1a1: {  	s1 =	sld [smem:$0x7CA]  }
0x1a2: {  	[sflag:s16] =	ssyncset.done $0x0  }
0x1a3: {  	[sflag:s16] =	ssyncadd.s32 $0xFFFFE000  }
0x1a4: {  	[hbm4b:s1+s2] =	stream.linear.scatter [tilespmem:s12], [sflag:$0x7], $0x2000, $0x38;
	[tilespmem:$0x9900] =	vst v63  }
0x1a5: {  	_ =	swait.ge [sflag:s8], $0x2000  }
0x1a6: {  	s1 =	sld [smem:$0x7FD]  }
0x1a7: {  	[sflag:s8] =	ssyncset.done $0x0  }
0x1a8: {  	[sflag:s8] =	ssyncadd.s32 $0xFFFFE000  }
0x1a9: {  	[tilespmem:s4], [sflag:$0x2] =	stream.indirect.gather [hbm4b:s3+s7], $0x40, s1, s7, $0xb8;
	[tilespmem:$0x9900] =	vst v63  }
0x1aa: {  	_ =	swait.ge [sflag:s15], $0x2000  }
0x1ab: {  	s1 =	sld [smem:$0x7CB]  }
0x1ac: {  	[sflag:s15] =	ssyncset.done $0x0  }
0x1ad: {  	[sflag:s15] =	ssyncadd.s32 $0xFFFFE000  }
0x1ae: {  	[hbm4b:s1+s2] =	stream.linear.scatter [tilespmem:s11], [sflag:$0x8], $0x2000, $0x38;
	[tilespmem:$0x9900] =	vst v63  }
0x1af: {  	_ =	swait.ge [sflag:s13], $0x2000  }
0x1b0: {  	[sflag:s13] =	ssyncset.done $0x0  }
0x1b1: {  	s1 =	simm.s32 $0x1300;
	[sflag:s13] =	ssyncadd.s32 $0xFFFFE000  }
0x1b2: {  	[tilespmem:s12], [sflag:$0x3] =	stream.indirect.gather [hbm4b:s3+s7], $0x40, s1, s7, $0xb8;
	[tilespmem:$0x9900] =	vst v63  }
0x1b3: {  	_ =	swait.ge [sflag:s10], $0x2000  }
0x1b4: {  	s1 =	sld [smem:$0x7CC]  }
0x1b5: {  	[sflag:s10] =	ssyncset.done $0x0  }
0x1b6: {  	[sflag:s10] =	ssyncadd.s32 $0xFFFFE000  }
0x1b7: {  	[hbm4b:s1+s2] =	stream.linear.scatter [tilespmem:s5], [sflag:$0x5], $0x2000, $0x38;
	[tilespmem:$0x9900] =	vst v63  }
0x1b8: {  	_ =	swait.ge [sflag:s14], $0x2000  }
0x1b9: {  	[sflag:s14] =	ssyncset.done $0x0  }
0x1ba: {  	[sflag:s14] =	ssyncadd.s32 $0xFFFFE000  }
0x1bb: {  	[tilespmem:s11], [sflag:$0x4] =	stream.indirect.gather [hbm4b:s3+s7], $0x40, s29, s7, $0xb8;
	[tilespmem:$0x9900] =	vst v63  }
0x1bc: {  	_ =	swait.ge [sflag:s9], $0x2000  }
0x1bd: {  	s1 =	sld [smem:$0x7CD]  }
0x1be: {  	[sflag:s9] =	ssyncset.done $0x0  }
0x1bf: {  	[sflag:s9] =	ssyncadd.s32 $0xFFFFE000  }
0x1c0: {  	[hbm4b:s1+s2] =	stream.linear.scatter [tilespmem:s4], [sflag:$0x6], $0x2000, $0x38;
	[tilespmem:$0x9900] =	vst v63  }
0x1c1: {  	_ =	swait.ge [sflag:s6], $0x2000  }
0x1c2: {  	[sflag:s6] =	ssyncset.done $0x0  }
0x1c3: {  	[sflag:s6] =	ssyncadd.s32 $0xFFFFE000  }
0x1c4: {  	[tilespmem:s5], [sflag:$0x1] =	stream.indirect.gather [hbm4b:s3+s7], $0x40, s28, s7, $0xb8;
	[tilespmem:$0x9900] =	vst v63  }
0x1c5: {  	_ =	swait.ge [sflag:s16], $0x2000  }
0x1c6: {  	s1 =	sld [smem:$0x7CE]  }
0x1c7: {  	[sflag:s16] =	ssyncset.done $0x0  }
0x1c8: {  	[sflag:s16] =	ssyncadd.s32 $0xFFFFE000  }
0x1c9: {  	[hbm4b:s1+s2] =	stream.linear.scatter [tilespmem:s12], [sflag:$0x7], $0x2000, $0x38;
	[tilespmem:$0x9900] =	vst v63  }
0x1ca: {  	_ =	swait.ge [sflag:s8], $0x2000  }
0x1cb: {  	[sflag:s8] =	ssyncset.done $0x0  }
0x1cc: {  	[sflag:s8] =	ssyncadd.s32 $0xFFFFE000  }
0x1cd: {  	[tilespmem:s4], [sflag:$0x2] =	stream.indirect.gather [hbm4b:s3+s7], $0x40, s26, s7, $0xb8;
	[tilespmem:$0x9900] =	vst v63  }
0x1ce: {  	_ =	swait.ge [sflag:s15], $0x2000  }
0x1cf: {  	s1 =	sld [smem:$0x7CF]  }
0x1d0: {  	[sflag:s15] =	ssyncset.done $0x0  }
0x1d1: {  	[sflag:s15] =	ssyncadd.s32 $0xFFFFE000  }
0x1d2: {  	[hbm4b:s1+s2] =	stream.linear.scatter [tilespmem:s11], [sflag:$0x8], $0x2000, $0x38;
	[tilespmem:$0x9900] =	vst v63  }
0x1d3: {  	_ =	swait.ge [sflag:s13], $0x2000  }
0x1d4: {  	[sflag:s13] =	ssyncset.done $0x0  }
0x1d5: {  	[sflag:s13] =	ssyncadd.s32 $0xFFFFE000  }
0x1d6: {  	[tilespmem:s12], [sflag:$0x3] =	stream.indirect.gather [hbm4b:s3+s7], $0x40, s25, s7, $0xb8;
	[tilespmem:$0x9900] =	vst v63  }
0x1d7: {  	_ =	swait.ge [sflag:s10], $0x2000  }
0x1d8: {  	s1 =	sld [smem:$0x7D0]  }
0x1d9: {  	[sflag:s10] =	ssyncset.done $0x0  }
0x1da: {  	[sflag:s10] =	ssyncadd.s32 $0xFFFFE000  }
0x1db: {  	[hbm4b:s1+s2] =	stream.linear.scatter [tilespmem:s5], [sflag:$0x5], $0x2000, $0x38;
	[tilespmem:$0x9900] =	vst v63  }
0x1dc: {  	_ =	swait.ge [sflag:s14], $0x2000  }
0x1dd: {  	[sflag:s14] =	ssyncset.done $0x0  }
0x1de: {  	[sflag:s14] =	ssyncadd.s32 $0xFFFFE000  }
0x1df: {  	[tilespmem:s11], [sflag:$0x4] =	stream.indirect.gather [hbm4b:s3+s7], $0x40, s24, s7, $0xb8;
	[tilespmem:$0x9900] =	vst v63  }
0x1e0: {  	_ =	swait.ge [sflag:s9], $0x2000  }
0x1e1: {  	s1 =	sld [smem:$0x7D1]  }
0x1e2: {  	[sflag:s9] =	ssyncset.done $0x0  }
0x1e3: {  	[sflag:s9] =	ssyncadd.s32 $0xFFFFE000  }
0x1e4: {  	[hbm4b:s1+s2] =	stream.linear.scatter [tilespmem:s4], [sflag:$0x6], $0x2000, $0x38;
	[tilespmem:$0x9900] =	vst v63  }
0x1e5: {  	_ =	swait.ge [sflag:s6], $0x2000  }
0x1e6: {  	[sflag:s6] =	ssyncset.done $0x0  }
0x1e7: {  	[sflag:s6] =	ssyncadd.s32 $0xFFFFE000  }
0x1e8: {  	[tilespmem:s5], [sflag:$0x1] =	stream.indirect.gather [hbm4b:s3+s7], $0x40, s23, s7, $0xb8;
	[tilespmem:$0x9900] =	vst v63  }
0x1e9: {  	_ =	swait.ge [sflag:s16], $0x2000  }
0x1ea: {  	s1 =	sld [smem:$0x7D2]  }
0x1eb: {  	[sflag:s16] =	ssyncset.done $0x0  }
0x1ec: {  	[sflag:s16] =	ssyncadd.s32 $0xFFFFE000  }
0x1ed: {  	[hbm4b:s1+s2] =	stream.linear.scatter [tilespmem:s12], [sflag:$0x7], $0x2000, $0x38;
	[tilespmem:$0x9900] =	vst v63  }
0x1ee: {  	_ =	swait.ge [sflag:s8], $0x2000  }
0x1ef: {  	[sflag:s8] =	ssyncset.done $0x0  }
0x1f0: {  	[sflag:s8] =	ssyncadd.s32 $0xFFFFE000  }
0x1f1: {  	[tilespmem:s4], [sflag:$0x2] =	stream.indirect.gather [hbm4b:s3+s7], $0x40, s22, s7, $0xb8;
	[tilespmem:$0x9900] =	vst v63  }
0x1f2: {  	_ =	swait.ge [sflag:s15], $0x2000  }
0x1f3: {  	s1 =	sld [smem:$0x7D3]  }
0x1f4: {  	[sflag:s15] =	ssyncset.done $0x0  }
0x1f5: {  	[sflag:s15] =	ssyncadd.s32 $0xFFFFE000  }
0x1f6: {  	[hbm4b:s1+s2] =	stream.linear.scatter [tilespmem:s11], [sflag:$0x8], $0x2000, $0x38;
	[tilespmem:$0x9900] =	vst v63  }
0x1f7: {  	_ =	swait.ge [sflag:s13], $0x2000  }
0x1f8: {  	[sflag:s13] =	ssyncset.done $0x0  }
0x1f9: {  	[sflag:s13] =	ssyncadd.s32 $0xFFFFE000  }
0x1fa: {  	[tilespmem:s12], [sflag:$0x3] =	stream.indirect.gather [hbm4b:s3+s7], $0x40, s21, s7, $0xb8;
	[tilespmem:$0x9900] =	vst v63  }
0x1fb: {  	_ =	swait.ge [sflag:s10], $0x2000  }
0x1fc: {  	s1 =	sld [smem:$0x7D4]  }
0x1fd: {  	[sflag:s10] =	ssyncset.done $0x0  }
0x1fe: {  	[sflag:s10] =	ssyncadd.s32 $0xFFFFE000  }
0x1ff: {  	[hbm4b:s1+s2] =	stream.linear.scatter [tilespmem:s5], [sflag:$0x5], $0x2000, $0x38;
	[tilespmem:$0x9900] =	vst v63  }
0x200: {  	_ =	swait.ge [sflag:s14], $0x2000  }
0x201: {  	[sflag:s14] =	ssyncset.done $0x0  }
0x202: {  	[sflag:s14] =	ssyncadd.s32 $0xFFFFE000  }
0x203: {  	[tilespmem:s11], [sflag:$0x4] =	stream.indirect.gather [hbm4b:s3+s7], $0x40, s20, s7, $0xb8;
	[tilespmem:$0x9900] =	vst v63  }
0x204: {  	_ =	swait.ge [sflag:s9], $0x2000  }
0x205: {  	s1 =	sld [smem:$0x7D5]  }
0x206: {  	[sflag:s9] =	ssyncset.done $0x0  }
0x207: {  	[sflag:s9] =	ssyncadd.s32 $0xFFFFE000  }
0x208: {  	[hbm4b:s1+s2] =	stream.linear.scatter [tilespmem:s4], [sflag:$0x6], $0x2000, $0x38;
	[tilespmem:$0x9900] =	vst v63  }
0x209: {  	_ =	swait.ge [sflag:s6], $0x2000  }
0x20a: {  	[sflag:s6] =	ssyncset.done $0x0  }
0x20b: {  	[sflag:s6] =	ssyncadd.s32 $0xFFFFE000  }
0x20c: {  	[tilespmem:s5], [sflag:$0x1] =	stream.indirect.gather [hbm4b:s3+s7], $0x40, s19, s7, $0xb8;
	[tilespmem:$0x9900] =	vst v63  }
0x20d: {  	_ =	swait.ge [sflag:s16], $0x2000  }
0x20e: {  	s1 =	sld [smem:$0x7D6]  }
0x20f: {  	[sflag:s16] =	ssyncset.done $0x0  }
0x210: {  	[sflag:s16] =	ssyncadd.s32 $0xFFFFE000  }
0x211: {  	[hbm4b:s1+s2] =	stream.linear.scatter [tilespmem:s12], [sflag:$0x7], $0x2000, $0x38;
	[tilespmem:$0x9900] =	vst v63  }
0x212: {  	_ =	swait.ge [sflag:s8], $0x2000  }
0x213: {  	[sflag:s8] =	ssyncset.done $0x0  }
0x214: {  	[sflag:s8] =	ssyncadd.s32 $0xFFFFE000  }
0x215: {  	[tilespmem:s4], [sflag:$0x2] =	stream.indirect.gather [hbm4b:s3+s7], $0x40, s18, s7, $0xb8;
	[tilespmem:$0x9900] =	vst v63  }
0x216: {  	_ =	swait.ge [sflag:s15], $0x2000  }
0x217: {  	s1 =	sld [smem:$0x7D7]  }
0x218: {  	[sflag:s15] =	ssyncset.done $0x0  }
0x219: {  	[sflag:s15] =	ssyncadd.s32 $0xFFFFE000  }
0x21a: {  	[hbm4b:s1+s2] =	stream.linear.scatter [tilespmem:s11], [sflag:$0x8], $0x2000, $0x38;
	[tilespmem:$0x9900] =	vst v63  }
0x21b: {  	_ =	swait.ge [sflag:s10], $0x2000  }
0x21c: {  	s1 =	sld [smem:$0x7D8]  }
0x21d: {  	[sflag:s10] =	ssyncset.done $0x0  }
0x21e: {  	[sflag:s10] =	ssyncadd.s32 $0xFFFFE000  }
0x21f: {  	[hbm4b:s1+s2] =	stream.linear.scatter [tilespmem:s5], [sflag:$0x5], $0x2000, $0x38;
	[tilespmem:$0x9900] =	vst v63  }
0x220: {  	_ =	swait.ge [sflag:s9], $0x2000  }
0x221: {  	s1 =	sld [smem:$0x7D9]  }
0x222: {  	[sflag:s9] =	ssyncset.done $0x0  }
0x223: {  	[sflag:s9] =	ssyncadd.s32 $0xFFFFE000  }
0x224: {  	[hbm4b:s1+s2] =	stream.linear.scatter [tilespmem:s4], [sflag:$0x6], $0x2000, $0x38;
	[tilespmem:$0x9900] =	vst v63  }
0x225: {  	_ =	swait.ge [sflag:s13], $0x2000  }
0x226: {  	[sflag:s13] =	ssyncset.done $0x0  }
0x227: {  	[sflag:s13] =	ssyncadd.s32 $0xFFFFE000  }
0x228: {  	_ =	swait.ge [sflag:s14], $0x2000  }
0x229: {  	[sflag:s14] =	ssyncset.done $0x0  }
0x22a: {  	p1 =	sne.s32 s17, $0x1;
	[sflag:s14] =	ssyncadd.s32 $0xFFFFE000  }
.Ltmp1:
0x22b: {  	_ =	swait.ge [sflag:s6], $0x2000;
	(pc) =	sbr.rel @!p1 .LBB2_3-.Ltmp1, $4  }
0x22c: {  	[sflag:s6] =	ssyncset.done $0x0  }
0x22d: {  	[sflag:s6] =	ssyncadd.s32 $0xFFFFE000  }
0x22e: {  	p0 =	por $0x1, $0x1;
	_ =	swait.ge [sflag:s8], $0x2000  }
0x22f: {  	s1 =	sadd.s32 $0xFFFFFFFF, s17;
	s0 =	rddreg [dreg:$0x3];
	[sflag:s8] =	ssyncset.done $0x0  }
.LBB2_4:
0x230: {  	[sflag:s8] =	ssyncadd.s32 $0xFFFFE000  }
0x231: {  	[tilespmem:s2], [sflag:$0x9] =	stream.linear.gather [hbm4b:s0+s2], $0x1900, $0x38;
	[tilespmem:$0x9900] =	vst v63  }
0x232: {  	_ =	swait.ge [sflag:s31], $0x1900  }
0x233: {  	[sflag:s31] =	ssyncset.done $0x0  }
0x234: {  	[sflag:s31] =	ssyncadd.s32 $0xFFFFE700  }
0x235: {  	[tilespmem:s5], [sflag:$0x1] =	stream.indirect.gather [hbm4b:s3+s7], $0x40, s2, s7, $0xb8;
	[tilespmem:$0x9900] =	vst v63  }
0x236: {  	s0 =	sld [smem:$0x7DA]  }
0x237: {  	[tilespmem:s4], [sflag:$0x2] =	stream.indirect.gather [hbm4b:s3+s7], $0x40, s7, s7, $0xb8;
	[tilespmem:$0x9900] =	vst v63  }
0x238: {  	s17 =	sld [smem:$0x7DB]  }
0x239: {  	[tilespmem:s12], [sflag:$0x3] =	stream.indirect.gather [hbm4b:s3+s7], $0x40, s0, s7, $0xb8;
	[tilespmem:$0x9900] =	vst v63  }
0x23a: {  	_ = 	snop  }
0x23b: {  	[tilespmem:s11], [sflag:$0x4] =	stream.indirect.gather [hbm4b:s3+s7], $0x40, s17, s7, $0xb8;
	[tilespmem:$0x9900] =	vst v63  }
0x23c: {  	_ =	swait.ge [sflag:s10], $0x2000  }
0x23d: {  	[sflag:s10] =	ssyncset.done $0x0  }
0x23e: {  	[sflag:s10] =	ssyncadd.s32 $0xFFFFE000  }
0x23f: {  	[hbm4b:s30+s2] =	stream.linear.scatter [tilespmem:s5], [sflag:$0x5], $0x2000, $0x38;
	[tilespmem:$0x9900] =	vst v63  }
0x240: {  	_ =	swait.ge [sflag:s9], $0x2000  }
0x241: {  	[sflag:s9] =	ssyncset.done $0x0  }
0x242: {  	s17 =	rddreg [dreg:$0x4];
	[sflag:s9] =	ssyncadd.s32 $0xFFFFE000  }
0x243: {  	[hbm4b:s17+s2] =	stream.linear.scatter [tilespmem:s4], [sflag:$0x6], $0x2000, $0x38;
	[tilespmem:$0x9900] =	vst v63  }
0x244: {  	_ =	swait.ge [sflag:s6], $0x2000  }
0x245: {  	s17 =	sld [smem:$0x7DC]  }
0x246: {  	[sflag:s6] =	ssyncset.done $0x0  }
0x247: {  	[sflag:s6] =	ssyncadd.s32 $0xFFFFE000  }
0x248: {  	[tilespmem:s5], [sflag:$0x1] =	stream.indirect.gather [hbm4b:s3+s7], $0x40, s17, s7, $0xb8;
	[tilespmem:$0x9900] =	vst v63  }
0x249: {  	_ =	swait.ge [sflag:s16], $0x2000  }
0x24a: {  	[sflag:s16] =	ssyncset.done $0x0  }
0x24b: {  	s17 =	rddreg [dreg:$0x5];
	[sflag:s16] =	ssyncadd.s32 $0xFFFFE000  }
0x24c: {  	[hbm4b:s17+s2] =	stream.linear.scatter [tilespmem:s12], [sflag:$0x7], $0x2000, $0x38;
	[tilespmem:$0x9900] =	vst v63  }
0x24d: {  	_ =	swait.ge [sflag:s8], $0x2000  }
0x24e: {  	s17 =	sld [smem:$0x7DD]  }
0x24f: {  	[sflag:s8] =	ssyncset.done $0x0  }
0x250: {  	[sflag:s8] =	ssyncadd.s32 $0xFFFFE000  }
0x251: {  	[tilespmem:s4], [sflag:$0x2] =	stream.indirect.gather [hbm4b:s3+s7], $0x40, s17, s7, $0xb8;
	[tilespmem:$0x9900] =	vst v63  }
0x252: {  	_ =	swait.ge [sflag:s15], $0x2000  }
0x253: {  	[sflag:s15] =	ssyncset.done $0x0  }
0x254: {  	s17 =	rddreg [dreg:$0x6];
	[sflag:s15] =	ssyncadd.s32 $0xFFFFE000  }
0x255: {  	[hbm4b:s17+s2] =	stream.linear.scatter [tilespmem:s11], [sflag:$0x8], $0x2000, $0x38;
	[tilespmem:$0x9900] =	vst v63  }
0x256: {  	_ =	swait.ge [sflag:s13], $0x2000  }
0x257: {  	s17 =	sld [smem:$0x7DE]  }
0x258: {  	[sflag:s13] =	ssyncset.done $0x0  }
0x259: {  	[sflag:s13] =	ssyncadd.s32 $0xFFFFE000  }
0x25a: {  	[tilespmem:s12], [sflag:$0x3] =	stream.indirect.gather [hbm4b:s3+s7], $0x40, s17, s7, $0xb8;
	[tilespmem:$0x9900] =	vst v63  }
0x25b: {  	_ =	swait.ge [sflag:s10], $0x2000  }
0x25c: {  	[sflag:s10] =	ssyncset.done $0x0  }
0x25d: {  	s17 =	rddreg [dreg:$0x7];
	[sflag:s10] =	ssyncadd.s32 $0xFFFFE000  }
0x25e: {  	[hbm4b:s17+s2] =	stream.linear.scatter [tilespmem:s5], [sflag:$0x5], $0x2000, $0x38;
	[tilespmem:$0x9900] =	vst v63  }
0x25f: {  	_ =	swait.ge [sflag:s14], $0x2000  }
0x260: {  	s17 =	sld [smem:$0x7DF]  }
0x261: {  	[sflag:s14] =	ssyncset.done $0x0  }
0x262: {  	[sflag:s14] =	ssyncadd.s32 $0xFFFFE000  }
0x263: {  	[tilespmem:s11], [sflag:$0x4] =	stream.indirect.gather [hbm4b:s3+s7], $0x40, s17, s7, $0xb8;
	[tilespmem:$0x9900] =	vst v63  }
0x264: {  	_ =	swait.ge [sflag:s9], $0x2000  }
0x265: {  	[sflag:s9] =	ssyncset.done $0x0  }
0x266: {  	s17 =	rddreg [dreg:$0x8];
	[sflag:s9] =	ssyncadd.s32 $0xFFFFE000  }
0x267: {  	[hbm4b:s17+s2] =	stream.linear.scatter [tilespmem:s4], [sflag:$0x6], $0x2000, $0x38;
	[tilespmem:$0x9900] =	vst v63  }
0x268: {  	_ =	swait.ge [sflag:s6], $0x2000  }
0x269: {  	s17 =	sld [smem:$0x7E0]  }
0x26a: {  	[sflag:s6] =	ssyncset.done $0x0  }
0x26b: {  	[sflag:s6] =	ssyncadd.s32 $0xFFFFE000  }
0x26c: {  	[tilespmem:s5], [sflag:$0x1] =	stream.indirect.gather [hbm4b:s3+s7], $0x40, s17, s7, $0xb8;
	[tilespmem:$0x9900] =	vst v63  }
0x26d: {  	_ =	swait.ge [sflag:s16], $0x2000  }
0x26e: {  	[sflag:s16] =	ssyncset.done $0x0  }
0x26f: {  	s17 =	rddreg [dreg:$0x9];
	[sflag:s16] =	ssyncadd.s32 $0xFFFFE000  }
0x270: {  	[hbm4b:s17+s2] =	stream.linear.scatter [tilespmem:s12], [sflag:$0x7], $0x2000, $0x38;
	[tilespmem:$0x9900] =	vst v63  }
0x271: {  	_ =	swait.ge [sflag:s8], $0x2000  }
0x272: {  	s17 =	sld [smem:$0x7E1]  }
0x273: {  	[sflag:s8] =	ssyncset.done $0x0  }
0x274: {  	[sflag:s8] =	ssyncadd.s32 $0xFFFFE000  }
0x275: {  	[tilespmem:s4], [sflag:$0x2] =	stream.indirect.gather [hbm4b:s3+s7], $0x40, s17, s7, $0xb8;
	[tilespmem:$0x9900] =	vst v63  }
0x276: {  	_ =	swait.ge [sflag:s15], $0x2000  }
0x277: {  	[sflag:s15] =	ssyncset.done $0x0  }
0x278: {  	s17 =	rddreg [dreg:$0xa];
	[sflag:s15] =	ssyncadd.s32 $0xFFFFE000  }
0x279: {  	[hbm4b:s17+s2] =	stream.linear.scatter [tilespmem:s11], [sflag:$0x8], $0x2000, $0x38;
	[tilespmem:$0x9900] =	vst v63  }
0x27a: {  	_ =	swait.ge [sflag:s13], $0x2000  }
0x27b: {  	s17 =	sld [smem:$0x7E2]  }
0x27c: {  	[sflag:s13] =	ssyncset.done $0x0  }
0x27d: {  	[sflag:s13] =	ssyncadd.s32 $0xFFFFE000  }
0x27e: {  	[tilespmem:s12], [sflag:$0x3] =	stream.indirect.gather [hbm4b:s3+s7], $0x40, s17, s7, $0xb8;
	[tilespmem:$0x9900] =	vst v63  }
0x27f: {  	_ =	swait.ge [sflag:s10], $0x2000  }
0x280: {  	[sflag:s10] =	ssyncset.done $0x0  }
0x281: {  	s17 =	rddreg [dreg:$0xb];
	[sflag:s10] =	ssyncadd.s32 $0xFFFFE000  }
0x282: {  	[hbm4b:s17+s2] =	stream.linear.scatter [tilespmem:s5], [sflag:$0x5], $0x2000, $0x38;
	[tilespmem:$0x9900] =	vst v63  }
0x283: {  	_ =	swait.ge [sflag:s14], $0x2000  }
0x284: {  	s17 =	sld [smem:$0x7E3]  }
0x285: {  	[sflag:s14] =	ssyncset.done $0x0  }
0x286: {  	[sflag:s14] =	ssyncadd.s32 $0xFFFFE000  }
0x287: {  	[tilespmem:s11], [sflag:$0x4] =	stream.indirect.gather [hbm4b:s3+s7], $0x40, s17, s7, $0xb8;
	[tilespmem:$0x9900] =	vst v63  }
0x288: {  	_ =	swait.ge [sflag:s9], $0x2000  }
0x289: {  	[sflag:s9] =	ssyncset.done $0x0  }
0x28a: {  	s17 =	rddreg [dreg:$0xc];
	[sflag:s9] =	ssyncadd.s32 $0xFFFFE000  }
0x28b: {  	[hbm4b:s17+s2] =	stream.linear.scatter [tilespmem:s4], [sflag:$0x6], $0x2000, $0x38;
	[tilespmem:$0x9900] =	vst v63  }
0x28c: {  	_ =	swait.ge [sflag:s6], $0x2000  }
0x28d: {  	s17 =	sld [smem:$0x7E4]  }
0x28e: {  	[sflag:s6] =	ssyncset.done $0x0  }
0x28f: {  	[sflag:s6] =	ssyncadd.s32 $0xFFFFE000  }
0x290: {  	[tilespmem:s5], [sflag:$0x1] =	stream.indirect.gather [hbm4b:s3+s7], $0x40, s17, s7, $0xb8;
	[tilespmem:$0x9900] =	vst v63  }
0x291: {  	_ =	swait.ge [sflag:s16], $0x2000  }
0x292: {  	[sflag:s16] =	ssyncset.done $0x0  }
0x293: {  	s17 =	rddreg [dreg:$0xd];
	[sflag:s16] =	ssyncadd.s32 $0xFFFFE000  }
0x294: {  	[hbm4b:s17+s2] =	stream.linear.scatter [tilespmem:s12], [sflag:$0x7], $0x2000, $0x38;
	[tilespmem:$0x9900] =	vst v63  }
0x295: {  	_ =	swait.ge [sflag:s8], $0x2000  }
0x296: {  	s17 =	sld [smem:$0x7E5]  }
0x297: {  	[sflag:s8] =	ssyncset.done $0x0  }
0x298: {  	[sflag:s8] =	ssyncadd.s32 $0xFFFFE000  }
0x299: {  	[tilespmem:s4], [sflag:$0x2] =	stream.indirect.gather [hbm4b:s3+s7], $0x40, s17, s7, $0xb8;
	[tilespmem:$0x9900] =	vst v63  }
0x29a: {  	_ =	swait.ge [sflag:s15], $0x2000  }
0x29b: {  	[sflag:s15] =	ssyncset.done $0x0  }
0x29c: {  	s17 =	rddreg [dreg:$0xe];
	[sflag:s15] =	ssyncadd.s32 $0xFFFFE000  }
0x29d: {  	[hbm4b:s17+s2] =	stream.linear.scatter [tilespmem:s11], [sflag:$0x8], $0x2000, $0x38;
	[tilespmem:$0x9900] =	vst v63  }
0x29e: {  	_ =	swait.ge [sflag:s13], $0x2000  }
0x29f: {  	s17 =	sld [smem:$0x7E6]  }
0x2a0: {  	[sflag:s13] =	ssyncset.done $0x0  }
0x2a1: {  	[sflag:s13] =	ssyncadd.s32 $0xFFFFE000  }
0x2a2: {  	[tilespmem:s12], [sflag:$0x3] =	stream.indirect.gather [hbm4b:s3+s7], $0x40, s17, s7, $0xb8;
	[tilespmem:$0x9900] =	vst v63  }
0x2a3: {  	_ =	swait.ge [sflag:s10], $0x2000  }
0x2a4: {  	[sflag:s10] =	ssyncset.done $0x0  }
0x2a5: {  	s17 =	rddreg [dreg:$0xf];
	[sflag:s10] =	ssyncadd.s32 $0xFFFFE000  }
0x2a6: {  	[hbm4b:s17+s2] =	stream.linear.scatter [tilespmem:s5], [sflag:$0x5], $0x2000, $0x38;
	[tilespmem:$0x9900] =	vst v63  }
0x2a7: {  	_ =	swait.ge [sflag:s14], $0x2000  }
0x2a8: {  	s17 =	sld [smem:$0x7E7]  }
0x2a9: {  	[sflag:s14] =	ssyncset.done $0x0  }
0x2aa: {  	[sflag:s14] =	ssyncadd.s32 $0xFFFFE000  }
0x2ab: {  	[tilespmem:s11], [sflag:$0x4] =	stream.indirect.gather [hbm4b:s3+s7], $0x40, s17, s7, $0xb8;
	[tilespmem:$0x9900] =	vst v63  }
0x2ac: {  	_ =	swait.ge [sflag:s9], $0x2000  }
0x2ad: {  	[sflag:s9] =	ssyncset.done $0x0  }
0x2ae: {  	s17 =	rddreg [dreg:$0x10];
	[sflag:s9] =	ssyncadd.s32 $0xFFFFE000  }
0x2af: {  	[hbm4b:s17+s2] =	stream.linear.scatter [tilespmem:s4], [sflag:$0x6], $0x2000, $0x38;
	[tilespmem:$0x9900] =	vst v63  }
0x2b0: {  	_ =	swait.ge [sflag:s6], $0x2000  }
0x2b1: {  	s17 =	sld [smem:$0x7E8]  }
0x2b2: {  	[sflag:s6] =	ssyncset.done $0x0  }
0x2b3: {  	[sflag:s6] =	ssyncadd.s32 $0xFFFFE000  }
0x2b4: {  	[tilespmem:s5], [sflag:$0x1] =	stream.indirect.gather [hbm4b:s3+s7], $0x40, s17, s7, $0xb8;
	[tilespmem:$0x9900] =	vst v63  }
0x2b5: {  	_ =	swait.ge [sflag:s16], $0x2000  }
0x2b6: {  	[sflag:s16] =	ssyncset.done $0x0  }
0x2b7: {  	s17 =	rddreg [dreg:$0x11];
	[sflag:s16] =	ssyncadd.s32 $0xFFFFE000  }
0x2b8: {  	[hbm4b:s17+s2] =	stream.linear.scatter [tilespmem:s12], [sflag:$0x7], $0x2000, $0x38;
	[tilespmem:$0x9900] =	vst v63  }
0x2b9: {  	_ =	swait.ge [sflag:s8], $0x2000  }
0x2ba: {  	s17 =	sld [smem:$0x7E9]  }
0x2bb: {  	[sflag:s8] =	ssyncset.done $0x0  }
0x2bc: {  	[sflag:s8] =	ssyncadd.s32 $0xFFFFE000  }
0x2bd: {  	[tilespmem:s4], [sflag:$0x2] =	stream.indirect.gather [hbm4b:s3+s7], $0x40, s17, s7, $0xb8;
	[tilespmem:$0x9900] =	vst v63  }
0x2be: {  	_ =	swait.ge [sflag:s15], $0x2000  }
0x2bf: {  	[sflag:s15] =	ssyncset.done $0x0  }
0x2c0: {  	s17 =	rddreg [dreg:$0x12];
	[sflag:s15] =	ssyncadd.s32 $0xFFFFE000  }
0x2c1: {  	[hbm4b:s17+s2] =	stream.linear.scatter [tilespmem:s11], [sflag:$0x8], $0x2000, $0x38;
	[tilespmem:$0x9900] =	vst v63  }
0x2c2: {  	_ =	swait.ge [sflag:s13], $0x2000  }
0x2c3: {  	s17 =	sld [smem:$0x7EA]  }
0x2c4: {  	[sflag:s13] =	ssyncset.done $0x0  }
0x2c5: {  	[sflag:s13] =	ssyncadd.s32 $0xFFFFE000  }
0x2c6: {  	[tilespmem:s12], [sflag:$0x3] =	stream.indirect.gather [hbm4b:s3+s7], $0x40, s17, s7, $0xb8;
	[tilespmem:$0x9900] =	vst v63  }
0x2c7: {  	_ =	swait.ge [sflag:s10], $0x2000  }
0x2c8: {  	[sflag:s10] =	ssyncset.done $0x0  }
0x2c9: {  	s17 =	rddreg [dreg:$0x13];
	[sflag:s10] =	ssyncadd.s32 $0xFFFFE000  }
0x2ca: {  	[hbm4b:s17+s2] =	stream.linear.scatter [tilespmem:s5], [sflag:$0x5], $0x2000, $0x38;
	[tilespmem:$0x9900] =	vst v63  }
0x2cb: {  	_ =	swait.ge [sflag:s14], $0x2000  }
0x2cc: {  	s17 =	sld [smem:$0x7EB]  }
0x2cd: {  	[sflag:s14] =	ssyncset.done $0x0  }
0x2ce: {  	[sflag:s14] =	ssyncadd.s32 $0xFFFFE000  }
0x2cf: {  	[tilespmem:s11], [sflag:$0x4] =	stream.indirect.gather [hbm4b:s3+s7], $0x40, s17, s7, $0xb8;
	[tilespmem:$0x9900] =	vst v63  }
0x2d0: {  	_ =	swait.ge [sflag:s9], $0x2000  }
0x2d1: {  	[sflag:s9] =	ssyncset.done $0x0  }
0x2d2: {  	s17 =	rddreg [dreg:$0x14];
	[sflag:s9] =	ssyncadd.s32 $0xFFFFE000  }
0x2d3: {  	[hbm4b:s17+s2] =	stream.linear.scatter [tilespmem:s4], [sflag:$0x6], $0x2000, $0x38;
	[tilespmem:$0x9900] =	vst v63  }
0x2d4: {  	_ =	swait.ge [sflag:s6], $0x2000  }
0x2d5: {  	s17 =	sld [smem:$0x7EC]  }
0x2d6: {  	[sflag:s6] =	ssyncset.done $0x0  }
0x2d7: {  	[sflag:s6] =	ssyncadd.s32 $0xFFFFE000  }
0x2d8: {  	[tilespmem:s5], [sflag:$0x1] =	stream.indirect.gather [hbm4b:s3+s7], $0x40, s17, s7, $0xb8;
	[tilespmem:$0x9900] =	vst v63  }
0x2d9: {  	_ =	swait.ge [sflag:s16], $0x2000  }
0x2da: {  	[sflag:s16] =	ssyncset.done $0x0  }
0x2db: {  	s17 =	rddreg [dreg:$0x15];
	[sflag:s16] =	ssyncadd.s32 $0xFFFFE000  }
0x2dc: {  	[hbm4b:s17+s2] =	stream.linear.scatter [tilespmem:s12], [sflag:$0x7], $0x2000, $0x38;
	[tilespmem:$0x9900] =	vst v63  }
0x2dd: {  	_ =	swait.ge [sflag:s8], $0x2000  }
0x2de: {  	s17 =	sld [smem:$0x7ED]  }
0x2df: {  	[sflag:s8] =	ssyncset.done $0x0  }
0x2e0: {  	[sflag:s8] =	ssyncadd.s32 $0xFFFFE000  }
0x2e1: {  	[tilespmem:s4], [sflag:$0x2] =	stream.indirect.gather [hbm4b:s3+s7], $0x40, s17, s7, $0xb8;
	[tilespmem:$0x9900] =	vst v63  }
0x2e2: {  	_ =	swait.ge [sflag:s15], $0x2000  }
0x2e3: {  	[sflag:s15] =	ssyncset.done $0x0  }
0x2e4: {  	s17 =	rddreg [dreg:$0x16];
	[sflag:s15] =	ssyncadd.s32 $0xFFFFE000  }
0x2e5: {  	[hbm4b:s17+s2] =	stream.linear.scatter [tilespmem:s11], [sflag:$0x8], $0x2000, $0x38;
	[tilespmem:$0x9900] =	vst v63  }
0x2e6: {  	_ =	swait.ge [sflag:s13], $0x2000  }
0x2e7: {  	s17 =	sld [smem:$0x7EE]  }
0x2e8: {  	[sflag:s13] =	ssyncset.done $0x0  }
0x2e9: {  	[sflag:s13] =	ssyncadd.s32 $0xFFFFE000  }
0x2ea: {  	[tilespmem:s12], [sflag:$0x3] =	stream.indirect.gather [hbm4b:s3+s7], $0x40, s17, s7, $0xb8;
	[tilespmem:$0x9900] =	vst v63  }
0x2eb: {  	_ =	swait.ge [sflag:s10], $0x2000  }
0x2ec: {  	[sflag:s10] =	ssyncset.done $0x0  }
0x2ed: {  	s17 =	rddreg [dreg:$0x17];
	[sflag:s10] =	ssyncadd.s32 $0xFFFFE000  }
0x2ee: {  	[hbm4b:s17+s2] =	stream.linear.scatter [tilespmem:s5], [sflag:$0x5], $0x2000, $0x38;
	[tilespmem:$0x9900] =	vst v63  }
0x2ef: {  	_ =	swait.ge [sflag:s14], $0x2000  }
0x2f0: {  	s17 =	sld [smem:$0x7EF]  }
0x2f1: {  	[sflag:s14] =	ssyncset.done $0x0  }
0x2f2: {  	[sflag:s14] =	ssyncadd.s32 $0xFFFFE000  }
0x2f3: {  	[tilespmem:s11], [sflag:$0x4] =	stream.indirect.gather [hbm4b:s3+s7], $0x40, s17, s7, $0xb8;
	[tilespmem:$0x9900] =	vst v63  }
0x2f4: {  	_ =	swait.ge [sflag:s9], $0x2000  }
0x2f5: {  	[sflag:s9] =	ssyncset.done $0x0  }
0x2f6: {  	s17 =	rddreg [dreg:$0x18];
	[sflag:s9] =	ssyncadd.s32 $0xFFFFE000  }
0x2f7: {  	[hbm4b:s17+s2] =	stream.linear.scatter [tilespmem:s4], [sflag:$0x6], $0x2000, $0x38;
	[tilespmem:$0x9900] =	vst v63  }
0x2f8: {  	_ =	swait.ge [sflag:s6], $0x2000  }
0x2f9: {  	s17 =	sld [smem:$0x7F0]  }
0x2fa: {  	[sflag:s6] =	ssyncset.done $0x0  }
0x2fb: {  	[sflag:s6] =	ssyncadd.s32 $0xFFFFE000  }
0x2fc: {  	[tilespmem:s5], [sflag:$0x1] =	stream.indirect.gather [hbm4b:s3+s7], $0x40, s17, s7, $0xb8;
	[tilespmem:$0x9900] =	vst v63  }
0x2fd: {  	_ =	swait.ge [sflag:s16], $0x2000  }
0x2fe: {  	[sflag:s16] =	ssyncset.done $0x0  }
0x2ff: {  	s17 =	rddreg [dreg:$0x19];
	[sflag:s16] =	ssyncadd.s32 $0xFFFFE000  }
0x300: {  	[hbm4b:s17+s2] =	stream.linear.scatter [tilespmem:s12], [sflag:$0x7], $0x2000, $0x38;
	[tilespmem:$0x9900] =	vst v63  }
0x301: {  	_ =	swait.ge [sflag:s8], $0x2000  }
0x302: {  	s17 =	sld [smem:$0x7F1]  }
0x303: {  	[sflag:s8] =	ssyncset.done $0x0  }
0x304: {  	[sflag:s8] =	ssyncadd.s32 $0xFFFFE000  }
0x305: {  	[tilespmem:s4], [sflag:$0x2] =	stream.indirect.gather [hbm4b:s3+s7], $0x40, s17, s7, $0xb8;
	[tilespmem:$0x9900] =	vst v63  }
0x306: {  	_ =	swait.ge [sflag:s15], $0x2000  }
0x307: {  	[sflag:s15] =	ssyncset.done $0x0  }
0x308: {  	s17 =	rddreg [dreg:$0x1a];
	[sflag:s15] =	ssyncadd.s32 $0xFFFFE000  }
0x309: {  	[hbm4b:s17+s2] =	stream.linear.scatter [tilespmem:s11], [sflag:$0x8], $0x2000, $0x38;
	[tilespmem:$0x9900] =	vst v63  }
0x30a: {  	_ =	swait.ge [sflag:s13], $0x2000  }
0x30b: {  	s17 =	sld [smem:$0x7F2]  }
0x30c: {  	[sflag:s13] =	ssyncset.done $0x0  }
0x30d: {  	[sflag:s13] =	ssyncadd.s32 $0xFFFFE000  }
0x30e: {  	[tilespmem:s12], [sflag:$0x3] =	stream.indirect.gather [hbm4b:s3+s7], $0x40, s17, s7, $0xb8;
	[tilespmem:$0x9900] =	vst v63  }
0x30f: {  	_ =	swait.ge [sflag:s10], $0x2000  }
0x310: {  	[sflag:s10] =	ssyncset.done $0x0  }
0x311: {  	s17 =	rddreg [dreg:$0x1b];
	[sflag:s10] =	ssyncadd.s32 $0xFFFFE000  }
0x312: {  	[hbm4b:s17+s2] =	stream.linear.scatter [tilespmem:s5], [sflag:$0x5], $0x2000, $0x38;
	[tilespmem:$0x9900] =	vst v63  }
0x313: {  	_ =	swait.ge [sflag:s14], $0x2000  }
0x314: {  	s17 =	sld [smem:$0x7F3]  }
0x315: {  	[sflag:s14] =	ssyncset.done $0x0  }
0x316: {  	[sflag:s14] =	ssyncadd.s32 $0xFFFFE000  }
0x317: {  	[tilespmem:s11], [sflag:$0x4] =	stream.indirect.gather [hbm4b:s3+s7], $0x40, s17, s7, $0xb8;
	[tilespmem:$0x9900] =	vst v63  }
0x318: {  	_ =	swait.ge [sflag:s9], $0x2000  }
0x319: {  	[sflag:s9] =	ssyncset.done $0x0  }
0x31a: {  	s17 =	rddreg [dreg:$0x1c];
	[sflag:s9] =	ssyncadd.s32 $0xFFFFE000  }
0x31b: {  	[hbm4b:s17+s2] =	stream.linear.scatter [tilespmem:s4], [sflag:$0x6], $0x2000, $0x38;
	[tilespmem:$0x9900] =	vst v63  }
0x31c: {  	_ =	swait.ge [sflag:s6], $0x2000  }
0x31d: {  	s17 =	sld [smem:$0x7F4]  }
0x31e: {  	[sflag:s6] =	ssyncset.done $0x0  }
0x31f: {  	[sflag:s6] =	ssyncadd.s32 $0xFFFFE000  }
0x320: {  	[tilespmem:s5], [sflag:$0x1] =	stream.indirect.gather [hbm4b:s3+s7], $0x40, s17, s7, $0xb8;
	[tilespmem:$0x9900] =	vst v63  }
0x321: {  	_ =	swait.ge [sflag:s16], $0x2000  }
0x322: {  	[sflag:s16] =	ssyncset.done $0x0  }
0x323: {  	s17 =	rddreg [dreg:$0x1d];
	[sflag:s16] =	ssyncadd.s32 $0xFFFFE000  }
0x324: {  	[hbm4b:s17+s2] =	stream.linear.scatter [tilespmem:s12], [sflag:$0x7], $0x2000, $0x38;
	[tilespmem:$0x9900] =	vst v63  }
0x325: {  	_ =	swait.ge [sflag:s8], $0x2000  }
0x326: {  	s17 =	sld [smem:$0x7F5]  }
0x327: {  	[sflag:s8] =	ssyncset.done $0x0  }
0x328: {  	[sflag:s8] =	ssyncadd.s32 $0xFFFFE000  }
0x329: {  	[tilespmem:s4], [sflag:$0x2] =	stream.indirect.gather [hbm4b:s3+s7], $0x40, s17, s7, $0xb8;
	[tilespmem:$0x9900] =	vst v63  }
0x32a: {  	_ =	swait.ge [sflag:s15], $0x2000  }
0x32b: {  	[sflag:s15] =	ssyncset.done $0x0  }
0x32c: {  	s17 =	rddreg [dreg:$0x1e];
	[sflag:s15] =	ssyncadd.s32 $0xFFFFE000  }
0x32d: {  	[hbm4b:s17+s2] =	stream.linear.scatter [tilespmem:s11], [sflag:$0x8], $0x2000, $0x38;
	[tilespmem:$0x9900] =	vst v63  }
0x32e: {  	_ =	swait.ge [sflag:s13], $0x2000  }
0x32f: {  	s17 =	sld [smem:$0x7F6]  }
0x330: {  	[sflag:s13] =	ssyncset.done $0x0  }
0x331: {  	[sflag:s13] =	ssyncadd.s32 $0xFFFFE000  }
0x332: {  	[tilespmem:s12], [sflag:$0x3] =	stream.indirect.gather [hbm4b:s3+s7], $0x40, s17, s7, $0xb8;
	[tilespmem:$0x9900] =	vst v63  }
0x333: {  	_ =	swait.ge [sflag:s10], $0x2000  }
0x334: {  	[sflag:s10] =	ssyncset.done $0x0  }
0x335: {  	s17 =	rddreg [dreg:$0x1f];
	[sflag:s10] =	ssyncadd.s32 $0xFFFFE000  }
0x336: {  	[hbm4b:s17+s2] =	stream.linear.scatter [tilespmem:s5], [sflag:$0x5], $0x2000, $0x38;
	[tilespmem:$0x9900] =	vst v63  }
0x337: {  	_ =	swait.ge [sflag:s14], $0x2000  }
0x338: {  	s17 =	sld [smem:$0x7F7]  }
0x339: {  	[sflag:s14] =	ssyncset.done $0x0  }
0x33a: {  	[sflag:s14] =	ssyncadd.s32 $0xFFFFE000  }
0x33b: {  	[tilespmem:s11], [sflag:$0x4] =	stream.indirect.gather [hbm4b:s3+s7], $0x40, s17, s7, $0xb8;
	[tilespmem:$0x9900] =	vst v63  }
0x33c: {  	_ =	swait.ge [sflag:s9], $0x2000  }
0x33d: {  	s17 =	sld [smem:$0x7C5]  }
0x33e: {  	[sflag:s9] =	ssyncset.done $0x0  }
0x33f: {  	[sflag:s9] =	ssyncadd.s32 $0xFFFFE000  }
0x340: {  	[hbm4b:s17+s2] =	stream.linear.scatter [tilespmem:s4], [sflag:$0x6], $0x2000, $0x38;
	[tilespmem:$0x9900] =	vst v63  }
0x341: {  	_ =	swait.ge [sflag:s6], $0x2000  }
0x342: {  	s17 =	sld [smem:$0x7F8]  }
0x343: {  	[sflag:s6] =	ssyncset.done $0x0  }
0x344: {  	[sflag:s6] =	ssyncadd.s32 $0xFFFFE000  }
0x345: {  	[tilespmem:s5], [sflag:$0x1] =	stream.indirect.gather [hbm4b:s3+s7], $0x40, s17, s7, $0xb8;
	[tilespmem:$0x9900] =	vst v63  }
0x346: {  	_ =	swait.ge [sflag:s16], $0x2000  }
0x347: {  	s17 =	sld [smem:$0x7C6]  }
0x348: {  	[sflag:s16] =	ssyncset.done $0x0  }
0x349: {  	[sflag:s16] =	ssyncadd.s32 $0xFFFFE000  }
0x34a: {  	[hbm4b:s17+s2] =	stream.linear.scatter [tilespmem:s12], [sflag:$0x7], $0x2000, $0x38;
	[tilespmem:$0x9900] =	vst v63  }
0x34b: {  	_ =	swait.ge [sflag:s8], $0x2000  }
0x34c: {  	s17 =	sld [smem:$0x7F9]  }
0x34d: {  	[sflag:s8] =	ssyncset.done $0x0  }
0x34e: {  	[sflag:s8] =	ssyncadd.s32 $0xFFFFE000  }
0x34f: {  	[tilespmem:s4], [sflag:$0x2] =	stream.indirect.gather [hbm4b:s3+s7], $0x40, s17, s7, $0xb8;
	[tilespmem:$0x9900] =	vst v63  }
0x350: {  	_ =	swait.ge [sflag:s15], $0x2000  }
0x351: {  	s17 =	sld [smem:$0x7C7]  }
0x352: {  	[sflag:s15] =	ssyncset.done $0x0  }
0x353: {  	[sflag:s15] =	ssyncadd.s32 $0xFFFFE000  }
0x354: {  	[hbm4b:s17+s2] =	stream.linear.scatter [tilespmem:s11], [sflag:$0x8], $0x2000, $0x38;
	[tilespmem:$0x9900] =	vst v63  }
0x355: {  	_ =	swait.ge [sflag:s13], $0x2000  }
0x356: {  	s17 =	sld [smem:$0x7FA]  }
0x357: {  	[sflag:s13] =	ssyncset.done $0x0  }
0x358: {  	[sflag:s13] =	ssyncadd.s32 $0xFFFFE000  }
0x359: {  	[tilespmem:s12], [sflag:$0x3] =	stream.indirect.gather [hbm4b:s3+s7], $0x40, s17, s7, $0xb8;
	[tilespmem:$0x9900] =	vst v63  }
0x35a: {  	_ =	swait.ge [sflag:s10], $0x2000  }
0x35b: {  	s17 =	sld [smem:$0x7C8]  }
0x35c: {  	[sflag:s10] =	ssyncset.done $0x0  }
0x35d: {  	[sflag:s10] =	ssyncadd.s32 $0xFFFFE000  }
0x35e: {  	[hbm4b:s17+s2] =	stream.linear.scatter [tilespmem:s5], [sflag:$0x5], $0x2000, $0x38;
	[tilespmem:$0x9900] =	vst v63  }
0x35f: {  	_ =	swait.ge [sflag:s14], $0x2000  }
0x360: {  	s17 =	sld [smem:$0x7FB]  }
0x361: {  	[sflag:s14] =	ssyncset.done $0x0  }
0x362: {  	[sflag:s14] =	ssyncadd.s32 $0xFFFFE000  }
0x363: {  	[tilespmem:s11], [sflag:$0x4] =	stream.indirect.gather [hbm4b:s3+s7], $0x40, s17, s7, $0xb8;
	[tilespmem:$0x9900] =	vst v63  }
0x364: {  	_ =	swait.ge [sflag:s9], $0x2000  }
0x365: {  	s17 =	sld [smem:$0x7C9]  }
0x366: {  	[sflag:s9] =	ssyncset.done $0x0  }
0x367: {  	[sflag:s9] =	ssyncadd.s32 $0xFFFFE000  }
0x368: {  	[hbm4b:s17+s2] =	stream.linear.scatter [tilespmem:s4], [sflag:$0x6], $0x2000, $0x38;
	[tilespmem:$0x9900] =	vst v63  }
0x369: {  	_ =	swait.ge [sflag:s6], $0x2000  }
0x36a: {  	s17 =	sld [smem:$0x7FC]  }
0x36b: {  	[sflag:s6] =	ssyncset.done $0x0  }
0x36c: {  	[sflag:s6] =	ssyncadd.s32 $0xFFFFE000  }
0x36d: {  	[tilespmem:s5], [sflag:$0x1] =	stream.indirect.gather [hbm4b:s3+s7], $0x40, s17, s7, $0xb8;
	[tilespmem:$0x9900] =	vst v63  }
0x36e: {  	_ =	swait.ge [sflag:s16], $0x2000  }
0x36f: {  	s17 =	sld [smem:$0x7CA]  }
0x370: {  	[sflag:s16] =	ssyncset.done $0x0  }
0x371: {  	[sflag:s16] =	ssyncadd.s32 $0xFFFFE000  }
0x372: {  	[hbm4b:s17+s2] =	stream.linear.scatter [tilespmem:s12], [sflag:$0x7], $0x2000, $0x38;
	[tilespmem:$0x9900] =	vst v63  }
0x373: {  	_ =	swait.ge [sflag:s8], $0x2000  }
0x374: {  	s17 =	sld [smem:$0x7FD]  }
0x375: {  	[sflag:s8] =	ssyncset.done $0x0  }
0x376: {  	[sflag:s8] =	ssyncadd.s32 $0xFFFFE000  }
0x377: {  	[tilespmem:s4], [sflag:$0x2] =	stream.indirect.gather [hbm4b:s3+s7], $0x40, s17, s7, $0xb8;
	[tilespmem:$0x9900] =	vst v63  }
0x378: {  	_ =	swait.ge [sflag:s15], $0x2000  }
0x379: {  	s17 =	sld [smem:$0x7CB]  }
0x37a: {  	[sflag:s15] =	ssyncset.done $0x0  }
0x37b: {  	[sflag:s15] =	ssyncadd.s32 $0xFFFFE000  }
0x37c: {  	[hbm4b:s17+s2] =	stream.linear.scatter [tilespmem:s11], [sflag:$0x8], $0x2000, $0x38;
	[tilespmem:$0x9900] =	vst v63  }
0x37d: {  	_ =	swait.ge [sflag:s13], $0x2000  }
0x37e: {  	[sflag:s13] =	ssyncset.done $0x0  }
0x37f: {  	s17 =	simm.s32 $0x1300;
	[sflag:s13] =	ssyncadd.s32 $0xFFFFE000  }
0x380: {  	[tilespmem:s12], [sflag:$0x3] =	stream.indirect.gather [hbm4b:s3+s7], $0x40, s17, s7, $0xb8;
	[tilespmem:$0x9900] =	vst v63  }
0x381: {  	_ =	swait.ge [sflag:s10], $0x2000  }
0x382: {  	s17 =	sld [smem:$0x7CC]  }
0x383: {  	[sflag:s10] =	ssyncset.done $0x0  }
0x384: {  	[sflag:s10] =	ssyncadd.s32 $0xFFFFE000  }
0x385: {  	[hbm4b:s17+s2] =	stream.linear.scatter [tilespmem:s5], [sflag:$0x5], $0x2000, $0x38;
	[tilespmem:$0x9900] =	vst v63  }
0x386: {  	_ =	swait.ge [sflag:s14], $0x2000  }
0x387: {  	[sflag:s14] =	ssyncset.done $0x0  }
0x388: {  	[sflag:s14] =	ssyncadd.s32 $0xFFFFE000  }
0x389: {  	[tilespmem:s11], [sflag:$0x4] =	stream.indirect.gather [hbm4b:s3+s7], $0x40, s29, s7, $0xb8;
	[tilespmem:$0x9900] =	vst v63  }
0x38a: {  	_ =	swait.ge [sflag:s9], $0x2000  }
0x38b: {  	s17 =	sld [smem:$0x7CD]  }
0x38c: {  	[sflag:s9] =	ssyncset.done $0x0  }
0x38d: {  	[sflag:s9] =	ssyncadd.s32 $0xFFFFE000  }
0x38e: {  	[hbm4b:s17+s2] =	stream.linear.scatter [tilespmem:s4], [sflag:$0x6], $0x2000, $0x38;
	[tilespmem:$0x9900] =	vst v63  }
0x38f: {  	_ =	swait.ge [sflag:s6], $0x2000  }
0x390: {  	[sflag:s6] =	ssyncset.done $0x0  }
0x391: {  	[sflag:s6] =	ssyncadd.s32 $0xFFFFE000  }
0x392: {  	[tilespmem:s5], [sflag:$0x1] =	stream.indirect.gather [hbm4b:s3+s7], $0x40, s28, s7, $0xb8;
	[tilespmem:$0x9900] =	vst v63  }
0x393: {  	_ =	swait.ge [sflag:s16], $0x2000  }
0x394: {  	s17 =	sld [smem:$0x7CE]  }
0x395: {  	[sflag:s16] =	ssyncset.done $0x0  }
0x396: {  	[sflag:s16] =	ssyncadd.s32 $0xFFFFE000  }
0x397: {  	[hbm4b:s17+s2] =	stream.linear.scatter [tilespmem:s12], [sflag:$0x7], $0x2000, $0x38;
	[tilespmem:$0x9900] =	vst v63  }
0x398: {  	_ =	swait.ge [sflag:s8], $0x2000  }
0x399: {  	[sflag:s8] =	ssyncset.done $0x0  }
0x39a: {  	[sflag:s8] =	ssyncadd.s32 $0xFFFFE000  }
0x39b: {  	[tilespmem:s4], [sflag:$0x2] =	stream.indirect.gather [hbm4b:s3+s7], $0x40, s26, s7, $0xb8;
	[tilespmem:$0x9900] =	vst v63  }
0x39c: {  	_ =	swait.ge [sflag:s15], $0x2000  }
0x39d: {  	s17 =	sld [smem:$0x7CF]  }
0x39e: {  	[sflag:s15] =	ssyncset.done $0x0  }
0x39f: {  	[sflag:s15] =	ssyncadd.s32 $0xFFFFE000  }
0x3a0: {  	[hbm4b:s17+s2] =	stream.linear.scatter [tilespmem:s11], [sflag:$0x8], $0x2000, $0x38;
	[tilespmem:$0x9900] =	vst v63  }
0x3a1: {  	_ =	swait.ge [sflag:s13], $0x2000  }
0x3a2: {  	[sflag:s13] =	ssyncset.done $0x0  }
0x3a3: {  	[sflag:s13] =	ssyncadd.s32 $0xFFFFE000  }
0x3a4: {  	[tilespmem:s12], [sflag:$0x3] =	stream.indirect.gather [hbm4b:s3+s7], $0x40, s25, s7, $0xb8;
	[tilespmem:$0x9900] =	vst v63  }
0x3a5: {  	_ =	swait.ge [sflag:s10], $0x2000  }
0x3a6: {  	s17 =	sld [smem:$0x7D0]  }
0x3a7: {  	[sflag:s10] =	ssyncset.done $0x0  }
0x3a8: {  	[sflag:s10] =	ssyncadd.s32 $0xFFFFE000  }
0x3a9: {  	[hbm4b:s17+s2] =	stream.linear.scatter [tilespmem:s5], [sflag:$0x5], $0x2000, $0x38;
	[tilespmem:$0x9900] =	vst v63  }
0x3aa: {  	_ =	swait.ge [sflag:s14], $0x2000  }
0x3ab: {  	[sflag:s14] =	ssyncset.done $0x0  }
0x3ac: {  	[sflag:s14] =	ssyncadd.s32 $0xFFFFE000  }
0x3ad: {  	[tilespmem:s11], [sflag:$0x4] =	stream.indirect.gather [hbm4b:s3+s7], $0x40, s24, s7, $0xb8;
	[tilespmem:$0x9900] =	vst v63  }
0x3ae: {  	_ =	swait.ge [sflag:s9], $0x2000  }
0x3af: {  	s17 =	sld [smem:$0x7D1]  }
0x3b0: {  	[sflag:s9] =	ssyncset.done $0x0  }
0x3b1: {  	[sflag:s9] =	ssyncadd.s32 $0xFFFFE000  }
0x3b2: {  	[hbm4b:s17+s2] =	stream.linear.scatter [tilespmem:s4], [sflag:$0x6], $0x2000, $0x38;
	[tilespmem:$0x9900] =	vst v63  }
0x3b3: {  	_ =	swait.ge [sflag:s6], $0x2000  }
0x3b4: {  	[sflag:s6] =	ssyncset.done $0x0  }
0x3b5: {  	[sflag:s6] =	ssyncadd.s32 $0xFFFFE000  }
0x3b6: {  	[tilespmem:s5], [sflag:$0x1] =	stream.indirect.gather [hbm4b:s3+s7], $0x40, s23, s7, $0xb8;
	[tilespmem:$0x9900] =	vst v63  }
0x3b7: {  	_ =	swait.ge [sflag:s16], $0x2000  }
0x3b8: {  	s17 =	sld [smem:$0x7D2]  }
0x3b9: {  	[sflag:s16] =	ssyncset.done $0x0  }
0x3ba: {  	[sflag:s16] =	ssyncadd.s32 $0xFFFFE000  }
0x3bb: {  	[hbm4b:s17+s2] =	stream.linear.scatter [tilespmem:s12], [sflag:$0x7], $0x2000, $0x38;
	[tilespmem:$0x9900] =	vst v63  }
0x3bc: {  	_ =	swait.ge [sflag:s8], $0x2000  }
0x3bd: {  	[sflag:s8] =	ssyncset.done $0x0  }
0x3be: {  	[sflag:s8] =	ssyncadd.s32 $0xFFFFE000  }
0x3bf: {  	[tilespmem:s4], [sflag:$0x2] =	stream.indirect.gather [hbm4b:s3+s7], $0x40, s22, s7, $0xb8;
	[tilespmem:$0x9900] =	vst v63  }
0x3c0: {  	_ =	swait.ge [sflag:s15], $0x2000  }
0x3c1: {  	s17 =	sld [smem:$0x7D3]  }
0x3c2: {  	[sflag:s15] =	ssyncset.done $0x0  }
0x3c3: {  	[sflag:s15] =	ssyncadd.s32 $0xFFFFE000  }
0x3c4: {  	[hbm4b:s17+s2] =	stream.linear.scatter [tilespmem:s11], [sflag:$0x8], $0x2000, $0x38;
	[tilespmem:$0x9900] =	vst v63  }
0x3c5: {  	_ =	swait.ge [sflag:s13], $0x2000  }
0x3c6: {  	[sflag:s13] =	ssyncset.done $0x0  }
0x3c7: {  	[sflag:s13] =	ssyncadd.s32 $0xFFFFE000  }
0x3c8: {  	[tilespmem:s12], [sflag:$0x3] =	stream.indirect.gather [hbm4b:s3+s7], $0x40, s21, s7, $0xb8;
	[tilespmem:$0x9900] =	vst v63  }
0x3c9: {  	_ =	swait.ge [sflag:s10], $0x2000  }
0x3ca: {  	s17 =	sld [smem:$0x7D4]  }
0x3cb: {  	[sflag:s10] =	ssyncset.done $0x0  }
0x3cc: {  	[sflag:s10] =	ssyncadd.s32 $0xFFFFE000  }
0x3cd: {  	[hbm4b:s17+s2] =	stream.linear.scatter [tilespmem:s5], [sflag:$0x5], $0x2000, $0x38;
	[tilespmem:$0x9900] =	vst v63  }
0x3ce: {  	_ =	swait.ge [sflag:s14], $0x2000  }
0x3cf: {  	[sflag:s14] =	ssyncset.done $0x0  }
0x3d0: {  	[sflag:s14] =	ssyncadd.s32 $0xFFFFE000  }
0x3d1: {  	[tilespmem:s11], [sflag:$0x4] =	stream.indirect.gather [hbm4b:s3+s7], $0x40, s20, s7, $0xb8;
	[tilespmem:$0x9900] =	vst v63  }
0x3d2: {  	_ =	swait.ge [sflag:s9], $0x2000  }
0x3d3: {  	s17 =	sld [smem:$0x7D5]  }
0x3d4: {  	[sflag:s9] =	ssyncset.done $0x0  }
0x3d5: {  	[sflag:s9] =	ssyncadd.s32 $0xFFFFE000  }
0x3d6: {  	[hbm4b:s17+s2] =	stream.linear.scatter [tilespmem:s4], [sflag:$0x6], $0x2000, $0x38;
	[tilespmem:$0x9900] =	vst v63  }
0x3d7: {  	_ =	swait.ge [sflag:s6], $0x2000  }
0x3d8: {  	[sflag:s6] =	ssyncset.done $0x0  }
0x3d9: {  	[sflag:s6] =	ssyncadd.s32 $0xFFFFE000  }
0x3da: {  	[tilespmem:s5], [sflag:$0x1] =	stream.indirect.gather [hbm4b:s3+s7], $0x40, s19, s7, $0xb8;
	[tilespmem:$0x9900] =	vst v63  }
0x3db: {  	_ =	swait.ge [sflag:s16], $0x2000  }
0x3dc: {  	s17 =	sld [smem:$0x7D6]  }
0x3dd: {  	[sflag:s16] =	ssyncset.done $0x0  }
0x3de: {  	[sflag:s16] =	ssyncadd.s32 $0xFFFFE000  }
0x3df: {  	[hbm4b:s17+s2] =	stream.linear.scatter [tilespmem:s12], [sflag:$0x7], $0x2000, $0x38;
	[tilespmem:$0x9900] =	vst v63  }
0x3e0: {  	_ =	swait.ge [sflag:s8], $0x2000  }
0x3e1: {  	[sflag:s8] =	ssyncset.done $0x0  }
0x3e2: {  	[sflag:s8] =	ssyncadd.s32 $0xFFFFE000  }
0x3e3: {  	[tilespmem:s4], [sflag:$0x2] =	stream.indirect.gather [hbm4b:s3+s7], $0x40, s18, s7, $0xb8;
	[tilespmem:$0x9900] =	vst v63  }
0x3e4: {  	_ =	swait.ge [sflag:s15], $0x2000  }
0x3e5: {  	s17 =	sld [smem:$0x7D7]  }
0x3e6: {  	[sflag:s15] =	ssyncset.done $0x0  }
0x3e7: {  	[sflag:s15] =	ssyncadd.s32 $0xFFFFE000  }
0x3e8: {  	[hbm4b:s17+s2] =	stream.linear.scatter [tilespmem:s11], [sflag:$0x8], $0x2000, $0x38;
	[tilespmem:$0x9900] =	vst v63  }
0x3e9: {  	_ =	swait.ge [sflag:s10], $0x2000  }
0x3ea: {  	s17 =	sld [smem:$0x7D8]  }
0x3eb: {  	[sflag:s10] =	ssyncset.done $0x0  }
0x3ec: {  	[sflag:s10] =	ssyncadd.s32 $0xFFFFE000  }
0x3ed: {  	[hbm4b:s17+s2] =	stream.linear.scatter [tilespmem:s5], [sflag:$0x5], $0x2000, $0x38;
	[tilespmem:$0x9900] =	vst v63  }
0x3ee: {  	_ =	swait.ge [sflag:s9], $0x2000  }
0x3ef: {  	s17 =	sld [smem:$0x7D9]  }
0x3f0: {  	[sflag:s9] =	ssyncset.done $0x0  }
0x3f1: {  	[sflag:s9] =	ssyncadd.s32 $0xFFFFE000  }
0x3f2: {  	[hbm4b:s17+s2] =	stream.linear.scatter [tilespmem:s4], [sflag:$0x6], $0x2000, $0x38;
	[tilespmem:$0x9900] =	vst v63  }
0x3f3: {  	_ =	swait.ge [sflag:s13], $0x2000  }
0x3f4: {  	[sflag:s13] =	ssyncset.done $0x0  }
0x3f5: {  	[sflag:s13] =	ssyncadd.s32 $0xFFFFE000  }
0x3f6: {  	_ =	swait.ge [sflag:s14], $0x2000  }
0x3f7: {  	[sflag:s14] =	ssyncset.done $0x0  }
0x3f8: {  	p1 =	sne.s32 s1, $0x1;
	[sflag:s14] =	ssyncadd.s32 $0xFFFFE000  }
.Ltmp2:
0x3f9: {  	_ =	swait.ge [sflag:s6], $0x2000;
	(pc) =	sbr.rel @p1 .LBB2_4-.Ltmp2, $4  }
0x3fa: {  	[sflag:s6] =	ssyncset.done $0x0  }
0x3fb: {  	[sflag:s6] =	ssyncadd.s32 $0xFFFFE000  }
0x3fc: {  	_ =	swait.ge [sflag:s8], $0x2000  }
0x3fd: {  	s1 =	sadd.s32 $0xFFFFFFFF, s1;
	s0 =	rddreg [dreg:$0x3];
	[sflag:s8] =	ssyncset.done $0x0  }
0x3fe: {  	s18 =	simm.s32 $0x1300;
	s29 =	simm.s32 $0x1380;
	s28 =	simm.s32 $0x1400  }
0x3ff: {  	s26 =	simm.s32 $0x1480;
	s25 =	simm.s32 $0x1500;
	s24 =	simm.s32 $0x1580  }
0x400: {  	s23 =	simm.s32 $0x1600;
	s22 =	simm.s32 $0x1680;
	s21 =	simm.s32 $0x1700  }
0x401: {  	s20 =	simm.s32 $0x1780;
	s19 =	simm.s32 $0x1800;
	s17 =	stileid.u32  }
.LBB2_6:
0x402: {  	[sflag:s8] =	ssyncadd.s32 @p0 $0xFFFFE000  }
0x403: {  	[tilespmem:s2], [sflag:$0x9] =	stream.linear.gather [hbm4b:s0+s2], $0x1900, $0x38;
	[tilespmem:$0x9900] =	vst v63  }
0x404: {  	_ =	swait.ge [sflag:s31], $0x1900  }
0x405: {  	[sflag:s31] =	ssyncset.done $0x0  }
0x406: {  	[sflag:s31] =	ssyncadd.s32 $0xFFFFE700  }
0x407: {  	[tilespmem:s5], [sflag:$0x1] =	stream.indirect.gather [hbm4b:s3+s7], $0x40, s2, s7, $0xb8;
	[tilespmem:$0x9900] =	vst v63  }
0x408: {  	s31 =	sld [smem:$0x7DA]  }
0x409: {  	[tilespmem:s4], [sflag:$0x2] =	stream.indirect.gather [hbm4b:s3+s7], $0x40, s7, s7, $0xb8;
	[tilespmem:$0x9900] =	vst v63  }
0x40a: {  	s1 =	sld [smem:$0x7DB]  }
0x40b: {  	[tilespmem:s12], [sflag:$0x3] =	stream.indirect.gather [hbm4b:s3+s7], $0x40, s31, s7, $0xb8;
	[tilespmem:$0x9900] =	vst v63  }
0x40c: {  	_ = 	snop  }
0x40d: {  	[tilespmem:s11], [sflag:$0x4] =	stream.indirect.gather [hbm4b:s3+s7], $0x40, s1, s7, $0xb8;
	[tilespmem:$0x9900] =	vst v63  }
0x40e: {  	_ =	swait.ge [sflag:s10], $0x2000  }
0x40f: {  	[sflag:s10] =	ssyncset.done $0x0  }
0x410: {  	[sflag:s10] =	ssyncadd.s32 $0xFFFFE000  }
0x411: {  	[hbm4b:s30+s2] =	stream.linear.scatter [tilespmem:s5], [sflag:$0x5], $0x2000, $0x38;
	[tilespmem:$0x9900] =	vst v63  }
0x412: {  	_ =	swait.ge [sflag:s9], $0x2000  }
0x413: {  	[sflag:s9] =	ssyncset.done $0x0  }
0x414: {  	s1 =	rddreg [dreg:$0x4];
	[sflag:s9] =	ssyncadd.s32 $0xFFFFE000  }
0x415: {  	[hbm4b:s1+s2] =	stream.linear.scatter [tilespmem:s4], [sflag:$0x6], $0x2000, $0x38;
	[tilespmem:$0x9900] =	vst v63  }
0x416: {  	_ =	swait.ge [sflag:s6], $0x2000  }
0x417: {  	s30 =	sld [smem:$0x7DC]  }
0x418: {  	[sflag:s6] =	ssyncset.done $0x0  }
0x419: {  	[sflag:s6] =	ssyncadd.s32 $0xFFFFE000  }
0x41a: {  	[tilespmem:s5], [sflag:$0x1] =	stream.indirect.gather [hbm4b:s3+s7], $0x40, s30, s7, $0xb8;
	[tilespmem:$0x9900] =	vst v63  }
0x41b: {  	_ =	swait.ge [sflag:s16], $0x2000  }
0x41c: {  	[sflag:s16] =	ssyncset.done $0x0  }
0x41d: {  	s31 =	rddreg [dreg:$0x5];
	[sflag:s16] =	ssyncadd.s32 $0xFFFFE000  }
0x41e: {  	[hbm4b:s31+s2] =	stream.linear.scatter [tilespmem:s12], [sflag:$0x7], $0x2000, $0x38;
	[tilespmem:$0x9900] =	vst v63  }
0x41f: {  	_ =	swait.ge [sflag:s8], $0x2000  }
0x420: {  	s1 =	sld [smem:$0x7DD]  }
0x421: {  	[sflag:s8] =	ssyncset.done $0x0  }
0x422: {  	[sflag:s8] =	ssyncadd.s32 $0xFFFFE000  }
0x423: {  	[tilespmem:s4], [sflag:$0x2] =	stream.indirect.gather [hbm4b:s3+s7], $0x40, s1, s7, $0xb8;
	[tilespmem:$0x9900] =	vst v63  }
0x424: {  	_ =	swait.ge [sflag:s15], $0x2000  }
0x425: {  	[sflag:s15] =	ssyncset.done $0x0  }
0x426: {  	s30 =	rddreg [dreg:$0x6];
	[sflag:s15] =	ssyncadd.s32 $0xFFFFE000  }
0x427: {  	[hbm4b:s30+s2] =	stream.linear.scatter [tilespmem:s11], [sflag:$0x8], $0x2000, $0x38;
	[tilespmem:$0x9900] =	vst v63  }
0x428: {  	_ =	swait.ge [sflag:s13], $0x2000  }
0x429: {  	s31 =	sld [smem:$0x7DE]  }
0x42a: {  	[sflag:s13] =	ssyncset.done $0x0  }
0x42b: {  	[sflag:s13] =	ssyncadd.s32 $0xFFFFE000  }
0x42c: {  	[tilespmem:s12], [sflag:$0x3] =	stream.indirect.gather [hbm4b:s3+s7], $0x40, s31, s7, $0xb8;
	[tilespmem:$0x9900] =	vst v63  }
0x42d: {  	_ =	swait.ge [sflag:s10], $0x2000  }
0x42e: {  	[sflag:s10] =	ssyncset.done $0x0  }
0x42f: {  	s1 =	rddreg [dreg:$0x7];
	[sflag:s10] =	ssyncadd.s32 $0xFFFFE000  }
0x430: {  	[hbm4b:s1+s2] =	stream.linear.scatter [tilespmem:s5], [sflag:$0x5], $0x2000, $0x38;
	[tilespmem:$0x9900] =	vst v63  }
0x431: {  	_ =	swait.ge [sflag:s14], $0x2000  }
0x432: {  	s30 =	sld [smem:$0x7DF]  }
0x433: {  	[sflag:s14] =	ssyncset.done $0x0  }
0x434: {  	[sflag:s14] =	ssyncadd.s32 $0xFFFFE000  }
0x435: {  	[tilespmem:s11], [sflag:$0x4] =	stream.indirect.gather [hbm4b:s3+s7], $0x40, s30, s7, $0xb8;
	[tilespmem:$0x9900] =	vst v63  }
0x436: {  	_ =	swait.ge [sflag:s9], $0x2000  }
0x437: {  	[sflag:s9] =	ssyncset.done $0x0  }
0x438: {  	s31 =	rddreg [dreg:$0x8];
	[sflag:s9] =	ssyncadd.s32 $0xFFFFE000  }
0x439: {  	[hbm4b:s31+s2] =	stream.linear.scatter [tilespmem:s4], [sflag:$0x6], $0x2000, $0x38;
	[tilespmem:$0x9900] =	vst v63  }
0x43a: {  	_ =	swait.ge [sflag:s6], $0x2000  }
0x43b: {  	s1 =	sld [smem:$0x7E0]  }
0x43c: {  	[sflag:s6] =	ssyncset.done $0x0  }
0x43d: {  	[sflag:s6] =	ssyncadd.s32 $0xFFFFE000  }
0x43e: {  	[tilespmem:s5], [sflag:$0x1] =	stream.indirect.gather [hbm4b:s3+s7], $0x40, s1, s7, $0xb8;
	[tilespmem:$0x9900] =	vst v63  }
0x43f: {  	_ =	swait.ge [sflag:s16], $0x2000  }
0x440: {  	[sflag:s16] =	ssyncset.done $0x0  }
0x441: {  	s30 =	rddreg [dreg:$0x9];
	[sflag:s16] =	ssyncadd.s32 $0xFFFFE000  }
0x442: {  	[hbm4b:s30+s2] =	stream.linear.scatter [tilespmem:s12], [sflag:$0x7], $0x2000, $0x38;
	[tilespmem:$0x9900] =	vst v63  }
0x443: {  	_ =	swait.ge [sflag:s8], $0x2000  }
0x444: {  	s31 =	sld [smem:$0x7E1]  }
0x445: {  	[sflag:s8] =	ssyncset.done $0x0  }
0x446: {  	[sflag:s8] =	ssyncadd.s32 $0xFFFFE000  }
0x447: {  	[tilespmem:s4], [sflag:$0x2] =	stream.indirect.gather [hbm4b:s3+s7], $0x40, s31, s7, $0xb8;
	[tilespmem:$0x9900] =	vst v63  }
0x448: {  	_ =	swait.ge [sflag:s15], $0x2000  }
0x449: {  	[sflag:s15] =	ssyncset.done $0x0  }
0x44a: {  	s1 =	rddreg [dreg:$0xa];
	[sflag:s15] =	ssyncadd.s32 $0xFFFFE000  }
0x44b: {  	[hbm4b:s1+s2] =	stream.linear.scatter [tilespmem:s11], [sflag:$0x8], $0x2000, $0x38;
	[tilespmem:$0x9900] =	vst v63  }
0x44c: {  	_ =	swait.ge [sflag:s13], $0x2000  }
0x44d: {  	s30 =	sld [smem:$0x7E2]  }
0x44e: {  	[sflag:s13] =	ssyncset.done $0x0  }
0x44f: {  	[sflag:s13] =	ssyncadd.s32 $0xFFFFE000  }
0x450: {  	[tilespmem:s12], [sflag:$0x3] =	stream.indirect.gather [hbm4b:s3+s7], $0x40, s30, s7, $0xb8;
	[tilespmem:$0x9900] =	vst v63  }
0x451: {  	_ =	swait.ge [sflag:s10], $0x2000  }
0x452: {  	[sflag:s10] =	ssyncset.done $0x0  }
0x453: {  	s31 =	rddreg [dreg:$0xb];
	[sflag:s10] =	ssyncadd.s32 $0xFFFFE000  }
0x454: {  	[hbm4b:s31+s2] =	stream.linear.scatter [tilespmem:s5], [sflag:$0x5], $0x2000, $0x38;
	[tilespmem:$0x9900] =	vst v63  }
0x455: {  	_ =	swait.ge [sflag:s14], $0x2000  }
0x456: {  	s1 =	sld [smem:$0x7E3]  }
0x457: {  	[sflag:s14] =	ssyncset.done $0x0  }
0x458: {  	[sflag:s14] =	ssyncadd.s32 $0xFFFFE000  }
0x459: {  	[tilespmem:s11], [sflag:$0x4] =	stream.indirect.gather [hbm4b:s3+s7], $0x40, s1, s7, $0xb8;
	[tilespmem:$0x9900] =	vst v63  }
0x45a: {  	_ =	swait.ge [sflag:s9], $0x2000  }
0x45b: {  	[sflag:s9] =	ssyncset.done $0x0  }
0x45c: {  	s30 =	rddreg [dreg:$0xc];
	[sflag:s9] =	ssyncadd.s32 $0xFFFFE000  }
0x45d: {  	[hbm4b:s30+s2] =	stream.linear.scatter [tilespmem:s4], [sflag:$0x6], $0x2000, $0x38;
	[tilespmem:$0x9900] =	vst v63  }
0x45e: {  	_ =	swait.ge [sflag:s6], $0x2000  }
0x45f: {  	s31 =	sld [smem:$0x7E4]  }
0x460: {  	[sflag:s6] =	ssyncset.done $0x0  }
0x461: {  	[sflag:s6] =	ssyncadd.s32 $0xFFFFE000  }
0x462: {  	[tilespmem:s5], [sflag:$0x1] =	stream.indirect.gather [hbm4b:s3+s7], $0x40, s31, s7, $0xb8;
	[tilespmem:$0x9900] =	vst v63  }
0x463: {  	_ =	swait.ge [sflag:s16], $0x2000  }
0x464: {  	[sflag:s16] =	ssyncset.done $0x0  }
0x465: {  	s1 =	rddreg [dreg:$0xd];
	[sflag:s16] =	ssyncadd.s32 $0xFFFFE000  }
0x466: {  	[hbm4b:s1+s2] =	stream.linear.scatter [tilespmem:s12], [sflag:$0x7], $0x2000, $0x38;
	[tilespmem:$0x9900] =	vst v63  }
0x467: {  	_ =	swait.ge [sflag:s8], $0x2000  }
0x468: {  	s30 =	sld [smem:$0x7E5]  }
0x469: {  	[sflag:s8] =	ssyncset.done $0x0  }
0x46a: {  	[sflag:s8] =	ssyncadd.s32 $0xFFFFE000  }
0x46b: {  	[tilespmem:s4], [sflag:$0x2] =	stream.indirect.gather [hbm4b:s3+s7], $0x40, s30, s7, $0xb8;
	[tilespmem:$0x9900] =	vst v63  }
0x46c: {  	_ =	swait.ge [sflag:s15], $0x2000  }
0x46d: {  	[sflag:s15] =	ssyncset.done $0x0  }
0x46e: {  	s31 =	rddreg [dreg:$0xe];
	[sflag:s15] =	ssyncadd.s32 $0xFFFFE000  }
0x46f: {  	[hbm4b:s31+s2] =	stream.linear.scatter [tilespmem:s11], [sflag:$0x8], $0x2000, $0x38;
	[tilespmem:$0x9900] =	vst v63  }
0x470: {  	_ =	swait.ge [sflag:s13], $0x2000  }
0x471: {  	s1 =	sld [smem:$0x7E6]  }
0x472: {  	[sflag:s13] =	ssyncset.done $0x0  }
0x473: {  	[sflag:s13] =	ssyncadd.s32 $0xFFFFE000  }
0x474: {  	[tilespmem:s12], [sflag:$0x3] =	stream.indirect.gather [hbm4b:s3+s7], $0x40, s1, s7, $0xb8;
	[tilespmem:$0x9900] =	vst v63  }
0x475: {  	_ =	swait.ge [sflag:s10], $0x2000  }
0x476: {  	[sflag:s10] =	ssyncset.done $0x0  }
0x477: {  	s30 =	rddreg [dreg:$0xf];
	[sflag:s10] =	ssyncadd.s32 $0xFFFFE000  }
0x478: {  	[hbm4b:s30+s2] =	stream.linear.scatter [tilespmem:s5], [sflag:$0x5], $0x2000, $0x38;
	[tilespmem:$0x9900] =	vst v63  }
0x479: {  	_ =	swait.ge [sflag:s14], $0x2000  }
0x47a: {  	s31 =	sld [smem:$0x7E7]  }
0x47b: {  	[sflag:s14] =	ssyncset.done $0x0  }
0x47c: {  	[sflag:s14] =	ssyncadd.s32 $0xFFFFE000  }
0x47d: {  	[tilespmem:s11], [sflag:$0x4] =	stream.indirect.gather [hbm4b:s3+s7], $0x40, s31, s7, $0xb8;
	[tilespmem:$0x9900] =	vst v63  }
0x47e: {  	_ =	swait.ge [sflag:s9], $0x2000  }
0x47f: {  	[sflag:s9] =	ssyncset.done $0x0  }
0x480: {  	s1 =	rddreg [dreg:$0x10];
	[sflag:s9] =	ssyncadd.s32 $0xFFFFE000  }
0x481: {  	[hbm4b:s1+s2] =	stream.linear.scatter [tilespmem:s4], [sflag:$0x6], $0x2000, $0x38;
	[tilespmem:$0x9900] =	vst v63  }
0x482: {  	_ =	swait.ge [sflag:s6], $0x2000  }
0x483: {  	s30 =	sld [smem:$0x7E8]  }
0x484: {  	[sflag:s6] =	ssyncset.done $0x0  }
0x485: {  	[sflag:s6] =	ssyncadd.s32 $0xFFFFE000  }
0x486: {  	[tilespmem:s5], [sflag:$0x1] =	stream.indirect.gather [hbm4b:s3+s7], $0x40, s30, s7, $0xb8;
	[tilespmem:$0x9900] =	vst v63  }
0x487: {  	_ =	swait.ge [sflag:s16], $0x2000  }
0x488: {  	[sflag:s16] =	ssyncset.done $0x0  }
0x489: {  	s31 =	rddreg [dreg:$0x11];
	[sflag:s16] =	ssyncadd.s32 $0xFFFFE000  }
0x48a: {  	[hbm4b:s31+s2] =	stream.linear.scatter [tilespmem:s12], [sflag:$0x7], $0x2000, $0x38;
	[tilespmem:$0x9900] =	vst v63  }
0x48b: {  	_ =	swait.ge [sflag:s8], $0x2000  }
0x48c: {  	s1 =	sld [smem:$0x7E9]  }
0x48d: {  	[sflag:s8] =	ssyncset.done $0x0  }
0x48e: {  	[sflag:s8] =	ssyncadd.s32 $0xFFFFE000  }
0x48f: {  	[tilespmem:s4], [sflag:$0x2] =	stream.indirect.gather [hbm4b:s3+s7], $0x40, s1, s7, $0xb8;
	[tilespmem:$0x9900] =	vst v63  }
0x490: {  	_ =	swait.ge [sflag:s15], $0x2000  }
0x491: {  	[sflag:s15] =	ssyncset.done $0x0  }
0x492: {  	s30 =	rddreg [dreg:$0x12];
	[sflag:s15] =	ssyncadd.s32 $0xFFFFE000  }
0x493: {  	[hbm4b:s30+s2] =	stream.linear.scatter [tilespmem:s11], [sflag:$0x8], $0x2000, $0x38;
	[tilespmem:$0x9900] =	vst v63  }
0x494: {  	_ =	swait.ge [sflag:s13], $0x2000  }
0x495: {  	s31 =	sld [smem:$0x7EA]  }
0x496: {  	[sflag:s13] =	ssyncset.done $0x0  }
0x497: {  	[sflag:s13] =	ssyncadd.s32 $0xFFFFE000  }
0x498: {  	[tilespmem:s12], [sflag:$0x3] =	stream.indirect.gather [hbm4b:s3+s7], $0x40, s31, s7, $0xb8;
	[tilespmem:$0x9900] =	vst v63  }
0x499: {  	_ =	swait.ge [sflag:s10], $0x2000  }
0x49a: {  	[sflag:s10] =	ssyncset.done $0x0  }
0x49b: {  	s1 =	rddreg [dreg:$0x13];
	[sflag:s10] =	ssyncadd.s32 $0xFFFFE000  }
0x49c: {  	[hbm4b:s1+s2] =	stream.linear.scatter [tilespmem:s5], [sflag:$0x5], $0x2000, $0x38;
	[tilespmem:$0x9900] =	vst v63  }
0x49d: {  	_ =	swait.ge [sflag:s14], $0x2000  }
0x49e: {  	s30 =	sld [smem:$0x7EB]  }
0x49f: {  	[sflag:s14] =	ssyncset.done $0x0  }
0x4a0: {  	[sflag:s14] =	ssyncadd.s32 $0xFFFFE000  }
0x4a1: {  	[tilespmem:s11], [sflag:$0x4] =	stream.indirect.gather [hbm4b:s3+s7], $0x40, s30, s7, $0xb8;
	[tilespmem:$0x9900] =	vst v63  }
0x4a2: {  	_ =	swait.ge [sflag:s9], $0x2000  }
0x4a3: {  	[sflag:s9] =	ssyncset.done $0x0  }
0x4a4: {  	s31 =	rddreg [dreg:$0x14];
	[sflag:s9] =	ssyncadd.s32 $0xFFFFE000  }
0x4a5: {  	[hbm4b:s31+s2] =	stream.linear.scatter [tilespmem:s4], [sflag:$0x6], $0x2000, $0x38;
	[tilespmem:$0x9900] =	vst v63  }
0x4a6: {  	_ =	swait.ge [sflag:s6], $0x2000  }
0x4a7: {  	s1 =	sld [smem:$0x7EC]  }
0x4a8: {  	[sflag:s6] =	ssyncset.done $0x0  }
0x4a9: {  	[sflag:s6] =	ssyncadd.s32 $0xFFFFE000  }
0x4aa: {  	[tilespmem:s5], [sflag:$0x1] =	stream.indirect.gather [hbm4b:s3+s7], $0x40, s1, s7, $0xb8;
	[tilespmem:$0x9900] =	vst v63  }
0x4ab: {  	_ =	swait.ge [sflag:s16], $0x2000  }
0x4ac: {  	[sflag:s16] =	ssyncset.done $0x0  }
0x4ad: {  	s30 =	rddreg [dreg:$0x15];
	[sflag:s16] =	ssyncadd.s32 $0xFFFFE000  }
0x4ae: {  	[hbm4b:s30+s2] =	stream.linear.scatter [tilespmem:s12], [sflag:$0x7], $0x2000, $0x38;
	[tilespmem:$0x9900] =	vst v63  }
0x4af: {  	_ =	swait.ge [sflag:s8], $0x2000  }
0x4b0: {  	s31 =	sld [smem:$0x7ED]  }
0x4b1: {  	[sflag:s8] =	ssyncset.done $0x0  }
0x4b2: {  	[sflag:s8] =	ssyncadd.s32 $0xFFFFE000  }
0x4b3: {  	[tilespmem:s4], [sflag:$0x2] =	stream.indirect.gather [hbm4b:s3+s7], $0x40, s31, s7, $0xb8;
	[tilespmem:$0x9900] =	vst v63  }
0x4b4: {  	_ =	swait.ge [sflag:s15], $0x2000  }
0x4b5: {  	[sflag:s15] =	ssyncset.done $0x0  }
0x4b6: {  	s1 =	rddreg [dreg:$0x16];
	[sflag:s15] =	ssyncadd.s32 $0xFFFFE000  }
0x4b7: {  	[hbm4b:s1+s2] =	stream.linear.scatter [tilespmem:s11], [sflag:$0x8], $0x2000, $0x38;
	[tilespmem:$0x9900] =	vst v63  }
0x4b8: {  	_ =	swait.ge [sflag:s13], $0x2000  }
0x4b9: {  	s30 =	sld [smem:$0x7EE]  }
0x4ba: {  	[sflag:s13] =	ssyncset.done $0x0  }
0x4bb: {  	[sflag:s13] =	ssyncadd.s32 $0xFFFFE000  }
0x4bc: {  	[tilespmem:s12], [sflag:$0x3] =	stream.indirect.gather [hbm4b:s3+s7], $0x40, s30, s7, $0xb8;
	[tilespmem:$0x9900] =	vst v63  }
0x4bd: {  	_ =	swait.ge [sflag:s10], $0x2000  }
0x4be: {  	[sflag:s10] =	ssyncset.done $0x0  }
0x4bf: {  	s31 =	rddreg [dreg:$0x17];
	[sflag:s10] =	ssyncadd.s32 $0xFFFFE000  }
0x4c0: {  	[hbm4b:s31+s2] =	stream.linear.scatter [tilespmem:s5], [sflag:$0x5], $0x2000, $0x38;
	[tilespmem:$0x9900] =	vst v63  }
0x4c1: {  	_ =	swait.ge [sflag:s14], $0x2000  }
0x4c2: {  	s1 =	sld [smem:$0x7EF]  }
0x4c3: {  	[sflag:s14] =	ssyncset.done $0x0  }
0x4c4: {  	[sflag:s14] =	ssyncadd.s32 $0xFFFFE000  }
0x4c5: {  	[tilespmem:s11], [sflag:$0x4] =	stream.indirect.gather [hbm4b:s3+s7], $0x40, s1, s7, $0xb8;
	[tilespmem:$0x9900] =	vst v63  }
0x4c6: {  	_ =	swait.ge [sflag:s9], $0x2000  }
0x4c7: {  	[sflag:s9] =	ssyncset.done $0x0  }
0x4c8: {  	s30 =	rddreg [dreg:$0x18];
	[sflag:s9] =	ssyncadd.s32 $0xFFFFE000  }
0x4c9: {  	[hbm4b:s30+s2] =	stream.linear.scatter [tilespmem:s4], [sflag:$0x6], $0x2000, $0x38;
	[tilespmem:$0x9900] =	vst v63  }
0x4ca: {  	_ =	swait.ge [sflag:s6], $0x2000  }
0x4cb: {  	s31 =	sld [smem:$0x7F0]  }
0x4cc: {  	[sflag:s6] =	ssyncset.done $0x0  }
0x4cd: {  	[sflag:s6] =	ssyncadd.s32 $0xFFFFE000  }
0x4ce: {  	[tilespmem:s5], [sflag:$0x1] =	stream.indirect.gather [hbm4b:s3+s7], $0x40, s31, s7, $0xb8;
	[tilespmem:$0x9900] =	vst v63  }
0x4cf: {  	_ =	swait.ge [sflag:s16], $0x2000  }
0x4d0: {  	[sflag:s16] =	ssyncset.done $0x0  }
0x4d1: {  	s1 =	rddreg [dreg:$0x19];
	[sflag:s16] =	ssyncadd.s32 $0xFFFFE000  }
0x4d2: {  	[hbm4b:s1+s2] =	stream.linear.scatter [tilespmem:s12], [sflag:$0x7], $0x2000, $0x38;
	[tilespmem:$0x9900] =	vst v63  }
0x4d3: {  	_ =	swait.ge [sflag:s8], $0x2000  }
0x4d4: {  	s30 =	sld [smem:$0x7F1]  }
0x4d5: {  	[sflag:s8] =	ssyncset.done $0x0  }
0x4d6: {  	[sflag:s8] =	ssyncadd.s32 $0xFFFFE000  }
0x4d7: {  	[tilespmem:s4], [sflag:$0x2] =	stream.indirect.gather [hbm4b:s3+s7], $0x40, s30, s7, $0xb8;
	[tilespmem:$0x9900] =	vst v63  }
0x4d8: {  	_ =	swait.ge [sflag:s15], $0x2000  }
0x4d9: {  	[sflag:s15] =	ssyncset.done $0x0  }
0x4da: {  	s31 =	rddreg [dreg:$0x1a];
	[sflag:s15] =	ssyncadd.s32 $0xFFFFE000  }
0x4db: {  	[hbm4b:s31+s2] =	stream.linear.scatter [tilespmem:s11], [sflag:$0x8], $0x2000, $0x38;
	[tilespmem:$0x9900] =	vst v63  }
0x4dc: {  	_ =	swait.ge [sflag:s13], $0x2000  }
0x4dd: {  	s1 =	sld [smem:$0x7F2]  }
0x4de: {  	[sflag:s13] =	ssyncset.done $0x0  }
0x4df: {  	[sflag:s13] =	ssyncadd.s32 $0xFFFFE000  }
0x4e0: {  	[tilespmem:s12], [sflag:$0x3] =	stream.indirect.gather [hbm4b:s3+s7], $0x40, s1, s7, $0xb8;
	[tilespmem:$0x9900] =	vst v63  }
0x4e1: {  	_ =	swait.ge [sflag:s10], $0x2000  }
0x4e2: {  	[sflag:s10] =	ssyncset.done $0x0  }
0x4e3: {  	s30 =	rddreg [dreg:$0x1b];
	[sflag:s10] =	ssyncadd.s32 $0xFFFFE000  }
0x4e4: {  	[hbm4b:s30+s2] =	stream.linear.scatter [tilespmem:s5], [sflag:$0x5], $0x2000, $0x38;
	[tilespmem:$0x9900] =	vst v63  }
0x4e5: {  	_ =	swait.ge [sflag:s14], $0x2000  }
0x4e6: {  	s31 =	sld [smem:$0x7F3]  }
0x4e7: {  	[sflag:s14] =	ssyncset.done $0x0  }
0x4e8: {  	[sflag:s14] =	ssyncadd.s32 $0xFFFFE000  }
0x4e9: {  	[tilespmem:s11], [sflag:$0x4] =	stream.indirect.gather [hbm4b:s3+s7], $0x40, s31, s7, $0xb8;
	[tilespmem:$0x9900] =	vst v63  }
0x4ea: {  	_ =	swait.ge [sflag:s9], $0x2000  }
0x4eb: {  	[sflag:s9] =	ssyncset.done $0x0  }
0x4ec: {  	s1 =	rddreg [dreg:$0x1c];
	[sflag:s9] =	ssyncadd.s32 $0xFFFFE000  }
0x4ed: {  	[hbm4b:s1+s2] =	stream.linear.scatter [tilespmem:s4], [sflag:$0x6], $0x2000, $0x38;
	[tilespmem:$0x9900] =	vst v63  }
0x4ee: {  	_ =	swait.ge [sflag:s6], $0x2000  }
0x4ef: {  	s30 =	sld [smem:$0x7F4]  }
0x4f0: {  	[sflag:s6] =	ssyncset.done $0x0  }
0x4f1: {  	[sflag:s6] =	ssyncadd.s32 $0xFFFFE000  }
0x4f2: {  	[tilespmem:s5], [sflag:$0x1] =	stream.indirect.gather [hbm4b:s3+s7], $0x40, s30, s7, $0xb8;
	[tilespmem:$0x9900] =	vst v63  }
0x4f3: {  	_ =	swait.ge [sflag:s16], $0x2000  }
0x4f4: {  	[sflag:s16] =	ssyncset.done $0x0  }
0x4f5: {  	s31 =	rddreg [dreg:$0x1d];
	[sflag:s16] =	ssyncadd.s32 $0xFFFFE000  }
0x4f6: {  	[hbm4b:s31+s2] =	stream.linear.scatter [tilespmem:s12], [sflag:$0x7], $0x2000, $0x38;
	[tilespmem:$0x9900] =	vst v63  }
0x4f7: {  	_ =	swait.ge [sflag:s8], $0x2000  }
0x4f8: {  	s1 =	sld [smem:$0x7F5]  }
0x4f9: {  	[sflag:s8] =	ssyncset.done $0x0  }
0x4fa: {  	[sflag:s8] =	ssyncadd.s32 $0xFFFFE000  }
0x4fb: {  	[tilespmem:s4], [sflag:$0x2] =	stream.indirect.gather [hbm4b:s3+s7], $0x40, s1, s7, $0xb8;
	[tilespmem:$0x9900] =	vst v63  }
0x4fc: {  	_ =	swait.ge [sflag:s15], $0x2000  }
0x4fd: {  	[sflag:s15] =	ssyncset.done $0x0  }
0x4fe: {  	s30 =	rddreg [dreg:$0x1e];
	[sflag:s15] =	ssyncadd.s32 $0xFFFFE000  }
0x4ff: {  	[hbm4b:s30+s2] =	stream.linear.scatter [tilespmem:s11], [sflag:$0x8], $0x2000, $0x38;
	[tilespmem:$0x9900] =	vst v63  }
0x500: {  	_ =	swait.ge [sflag:s13], $0x2000  }
0x501: {  	s31 =	sld [smem:$0x7F6]  }
0x502: {  	[sflag:s13] =	ssyncset.done $0x0  }
0x503: {  	[sflag:s13] =	ssyncadd.s32 $0xFFFFE000  }
0x504: {  	[tilespmem:s12], [sflag:$0x3] =	stream.indirect.gather [hbm4b:s3+s7], $0x40, s31, s7, $0xb8;
	[tilespmem:$0x9900] =	vst v63  }
0x505: {  	_ =	swait.ge [sflag:s10], $0x2000  }
0x506: {  	[sflag:s10] =	ssyncset.done $0x0  }
0x507: {  	s1 =	rddreg [dreg:$0x1f];
	[sflag:s10] =	ssyncadd.s32 $0xFFFFE000  }
0x508: {  	[hbm4b:s1+s2] =	stream.linear.scatter [tilespmem:s5], [sflag:$0x5], $0x2000, $0x38;
	[tilespmem:$0x9900] =	vst v63  }
0x509: {  	_ =	swait.ge [sflag:s14], $0x2000  }
0x50a: {  	s30 =	sld [smem:$0x7F7]  }
0x50b: {  	[sflag:s14] =	ssyncset.done $0x0  }
0x50c: {  	[sflag:s14] =	ssyncadd.s32 $0xFFFFE000  }
0x50d: {  	[tilespmem:s11], [sflag:$0x4] =	stream.indirect.gather [hbm4b:s3+s7], $0x40, s30, s7, $0xb8;
	[tilespmem:$0x9900] =	vst v63  }
0x50e: {  	_ =	swait.ge [sflag:s9], $0x2000  }
0x50f: {  	s31 =	sld [smem:$0x7C5]  }
0x510: {  	[sflag:s9] =	ssyncset.done $0x0  }
0x511: {  	[sflag:s9] =	ssyncadd.s32 $0xFFFFE000  }
0x512: {  	[hbm4b:s31+s2] =	stream.linear.scatter [tilespmem:s4], [sflag:$0x6], $0x2000, $0x38;
	[tilespmem:$0x9900] =	vst v63  }
0x513: {  	_ =	swait.ge [sflag:s6], $0x2000  }
0x514: {  	s1 =	sld [smem:$0x7F8]  }
0x515: {  	[sflag:s6] =	ssyncset.done $0x0  }
0x516: {  	[sflag:s6] =	ssyncadd.s32 $0xFFFFE000  }
0x517: {  	[tilespmem:s5], [sflag:$0x1] =	stream.indirect.gather [hbm4b:s3+s7], $0x40, s1, s7, $0xb8;
	[tilespmem:$0x9900] =	vst v63  }
0x518: {  	_ =	swait.ge [sflag:s16], $0x2000  }
0x519: {  	s30 =	sld [smem:$0x7C6]  }
0x51a: {  	[sflag:s16] =	ssyncset.done $0x0  }
0x51b: {  	[sflag:s16] =	ssyncadd.s32 $0xFFFFE000  }
0x51c: {  	[hbm4b:s30+s2] =	stream.linear.scatter [tilespmem:s12], [sflag:$0x7], $0x2000, $0x38;
	[tilespmem:$0x9900] =	vst v63  }
0x51d: {  	_ =	swait.ge [sflag:s8], $0x2000  }
0x51e: {  	s31 =	sld [smem:$0x7F9]  }
0x51f: {  	[sflag:s8] =	ssyncset.done $0x0  }
0x520: {  	[sflag:s8] =	ssyncadd.s32 $0xFFFFE000  }
0x521: {  	[tilespmem:s4], [sflag:$0x2] =	stream.indirect.gather [hbm4b:s3+s7], $0x40, s31, s7, $0xb8;
	[tilespmem:$0x9900] =	vst v63  }
0x522: {  	_ =	swait.ge [sflag:s15], $0x2000  }
0x523: {  	s1 =	sld [smem:$0x7C7]  }
0x524: {  	[sflag:s15] =	ssyncset.done $0x0  }
0x525: {  	[sflag:s15] =	ssyncadd.s32 $0xFFFFE000  }
0x526: {  	[hbm4b:s1+s2] =	stream.linear.scatter [tilespmem:s11], [sflag:$0x8], $0x2000, $0x38;
	[tilespmem:$0x9900] =	vst v63  }
0x527: {  	_ =	swait.ge [sflag:s13], $0x2000  }
0x528: {  	s30 =	sld [smem:$0x7FA]  }
0x529: {  	[sflag:s13] =	ssyncset.done $0x0  }
0x52a: {  	[sflag:s13] =	ssyncadd.s32 $0xFFFFE000  }
0x52b: {  	[tilespmem:s12], [sflag:$0x3] =	stream.indirect.gather [hbm4b:s3+s7], $0x40, s30, s7, $0xb8;
	[tilespmem:$0x9900] =	vst v63  }
0x52c: {  	_ =	swait.ge [sflag:s10], $0x2000  }
0x52d: {  	s31 =	sld [smem:$0x7C8]  }
0x52e: {  	[sflag:s10] =	ssyncset.done $0x0  }
0x52f: {  	[sflag:s10] =	ssyncadd.s32 $0xFFFFE000  }
0x530: {  	[hbm4b:s31+s2] =	stream.linear.scatter [tilespmem:s5], [sflag:$0x5], $0x2000, $0x38;
	[tilespmem:$0x9900] =	vst v63  }
0x531: {  	_ =	swait.ge [sflag:s14], $0x2000  }
0x532: {  	s1 =	sld [smem:$0x7FB]  }
0x533: {  	[sflag:s14] =	ssyncset.done $0x0  }
0x534: {  	[sflag:s14] =	ssyncadd.s32 $0xFFFFE000  }
0x535: {  	[tilespmem:s11], [sflag:$0x4] =	stream.indirect.gather [hbm4b:s3+s7], $0x40, s1, s7, $0xb8;
	[tilespmem:$0x9900] =	vst v63  }
0x536: {  	_ =	swait.ge [sflag:s9], $0x2000  }
0x537: {  	s30 =	sld [smem:$0x7C9]  }
0x538: {  	[sflag:s9] =	ssyncset.done $0x0  }
0x539: {  	[sflag:s9] =	ssyncadd.s32 $0xFFFFE000  }
0x53a: {  	[hbm4b:s30+s2] =	stream.linear.scatter [tilespmem:s4], [sflag:$0x6], $0x2000, $0x38;
	[tilespmem:$0x9900] =	vst v63  }
0x53b: {  	_ =	swait.ge [sflag:s6], $0x2000  }
0x53c: {  	s31 =	sld [smem:$0x7FC]  }
0x53d: {  	[sflag:s6] =	ssyncset.done $0x0  }
0x53e: {  	[sflag:s6] =	ssyncadd.s32 $0xFFFFE000  }
0x53f: {  	[tilespmem:s5], [sflag:$0x1] =	stream.indirect.gather [hbm4b:s3+s7], $0x40, s31, s7, $0xb8;
	[tilespmem:$0x9900] =	vst v63  }
0x540: {  	_ =	swait.ge [sflag:s16], $0x2000  }
0x541: {  	s1 =	sld [smem:$0x7CA]  }
0x542: {  	[sflag:s16] =	ssyncset.done $0x0  }
0x543: {  	[sflag:s16] =	ssyncadd.s32 $0xFFFFE000  }
0x544: {  	[hbm4b:s1+s2] =	stream.linear.scatter [tilespmem:s12], [sflag:$0x7], $0x2000, $0x38;
	[tilespmem:$0x9900] =	vst v63  }
0x545: {  	_ =	swait.ge [sflag:s8], $0x2000  }
0x546: {  	s30 =	sld [smem:$0x7FD]  }
0x547: {  	[sflag:s8] =	ssyncset.done $0x0  }
0x548: {  	[sflag:s8] =	ssyncadd.s32 $0xFFFFE000  }
0x549: {  	[tilespmem:s4], [sflag:$0x2] =	stream.indirect.gather [hbm4b:s3+s7], $0x40, s30, s7, $0xb8;
	[tilespmem:$0x9900] =	vst v63  }
0x54a: {  	_ =	swait.ge [sflag:s15], $0x2000  }
0x54b: {  	s31 =	sld [smem:$0x7CB]  }
0x54c: {  	[sflag:s15] =	ssyncset.done $0x0  }
0x54d: {  	[sflag:s15] =	ssyncadd.s32 $0xFFFFE000  }
0x54e: {  	[hbm4b:s31+s2] =	stream.linear.scatter [tilespmem:s11], [sflag:$0x8], $0x2000, $0x38;
	[tilespmem:$0x9900] =	vst v63  }
0x54f: {  	_ =	swait.ge [sflag:s13], $0x2000  }
0x550: {  	[sflag:s13] =	ssyncset.done $0x0  }
0x551: {  	[sflag:s13] =	ssyncadd.s32 $0xFFFFE000  }
0x552: {  	[tilespmem:s12], [sflag:$0x3] =	stream.indirect.gather [hbm4b:s3+s7], $0x40, s18, s7, $0xb8;
	[tilespmem:$0x9900] =	vst v63  }
0x553: {  	_ =	swait.ge [sflag:s10], $0x2000  }
0x554: {  	s1 =	sld [smem:$0x7CC]  }
0x555: {  	[sflag:s10] =	ssyncset.done $0x0  }
0x556: {  	[sflag:s10] =	ssyncadd.s32 $0xFFFFE000  }
0x557: {  	[hbm4b:s1+s2] =	stream.linear.scatter [tilespmem:s5], [sflag:$0x5], $0x2000, $0x38;
	[tilespmem:$0x9900] =	vst v63  }
0x558: {  	_ =	swait.ge [sflag:s14], $0x2000  }
0x559: {  	[sflag:s14] =	ssyncset.done $0x0  }
0x55a: {  	[sflag:s14] =	ssyncadd.s32 $0xFFFFE000  }
0x55b: {  	[tilespmem:s11], [sflag:$0x4] =	stream.indirect.gather [hbm4b:s3+s7], $0x40, s29, s7, $0xb8;
	[tilespmem:$0x9900] =	vst v63  }
0x55c: {  	_ =	swait.ge [sflag:s9], $0x2000  }
0x55d: {  	s18 =	sld [smem:$0x7CD]  }
0x55e: {  	[sflag:s9] =	ssyncset.done $0x0  }
0x55f: {  	[sflag:s9] =	ssyncadd.s32 $0xFFFFE000  }
0x560: {  	[hbm4b:s18+s2] =	stream.linear.scatter [tilespmem:s4], [sflag:$0x6], $0x2000, $0x38;
	[tilespmem:$0x9900] =	vst v63  }
0x561: {  	_ =	swait.ge [sflag:s6], $0x2000  }
0x562: {  	[sflag:s6] =	ssyncset.done $0x0  }
0x563: {  	[sflag:s6] =	ssyncadd.s32 $0xFFFFE000  }
0x564: {  	[tilespmem:s5], [sflag:$0x1] =	stream.indirect.gather [hbm4b:s3+s7], $0x40, s28, s7, $0xb8;
	[tilespmem:$0x9900] =	vst v63  }
0x565: {  	_ =	swait.ge [sflag:s16], $0x2000  }
0x566: {  	s29 =	sld [smem:$0x7CE]  }
0x567: {  	[sflag:s16] =	ssyncset.done $0x0  }
0x568: {  	[sflag:s16] =	ssyncadd.s32 $0xFFFFE000  }
0x569: {  	[hbm4b:s29+s2] =	stream.linear.scatter [tilespmem:s12], [sflag:$0x7], $0x2000, $0x38;
	[tilespmem:$0x9900] =	vst v63  }
0x56a: {  	_ =	swait.ge [sflag:s8], $0x2000  }
0x56b: {  	[sflag:s8] =	ssyncset.done $0x0  }
0x56c: {  	[sflag:s8] =	ssyncadd.s32 $0xFFFFE000  }
0x56d: {  	[tilespmem:s4], [sflag:$0x2] =	stream.indirect.gather [hbm4b:s3+s7], $0x40, s26, s7, $0xb8;
	[tilespmem:$0x9900] =	vst v63  }
0x56e: {  	_ =	swait.ge [sflag:s15], $0x2000  }
0x56f: {  	s30 =	sld [smem:$0x7CF]  }
0x570: {  	[sflag:s15] =	ssyncset.done $0x0  }
0x571: {  	[sflag:s15] =	ssyncadd.s32 $0xFFFFE000  }
0x572: {  	[hbm4b:s30+s2] =	stream.linear.scatter [tilespmem:s11], [sflag:$0x8], $0x2000, $0x38;
	[tilespmem:$0x9900] =	vst v63  }
0x573: {  	_ =	swait.ge [sflag:s13], $0x2000  }
0x574: {  	[sflag:s13] =	ssyncset.done $0x0  }
0x575: {  	[sflag:s13] =	ssyncadd.s32 $0xFFFFE000  }
0x576: {  	[tilespmem:s12], [sflag:$0x3] =	stream.indirect.gather [hbm4b:s3+s7], $0x40, s25, s7, $0xb8;
	[tilespmem:$0x9900] =	vst v63  }
0x577: {  	_ =	swait.ge [sflag:s10], $0x2000  }
0x578: {  	s31 =	sld [smem:$0x7D0]  }
0x579: {  	[sflag:s10] =	ssyncset.done $0x0  }
0x57a: {  	[sflag:s10] =	ssyncadd.s32 $0xFFFFE000  }
0x57b: {  	[hbm4b:s31+s2] =	stream.linear.scatter [tilespmem:s5], [sflag:$0x5], $0x2000, $0x38;
	[tilespmem:$0x9900] =	vst v63  }
0x57c: {  	_ =	swait.ge [sflag:s14], $0x2000  }
0x57d: {  	[sflag:s14] =	ssyncset.done $0x0  }
0x57e: {  	[sflag:s14] =	ssyncadd.s32 $0xFFFFE000  }
0x57f: {  	[tilespmem:s11], [sflag:$0x4] =	stream.indirect.gather [hbm4b:s3+s7], $0x40, s24, s7, $0xb8;
	[tilespmem:$0x9900] =	vst v63  }
0x580: {  	_ =	swait.ge [sflag:s9], $0x2000  }
0x581: {  	s1 =	sld [smem:$0x7D1]  }
0x582: {  	[sflag:s9] =	ssyncset.done $0x0  }
0x583: {  	[sflag:s9] =	ssyncadd.s32 $0xFFFFE000  }
0x584: {  	[hbm4b:s1+s2] =	stream.linear.scatter [tilespmem:s4], [sflag:$0x6], $0x2000, $0x38;
	[tilespmem:$0x9900] =	vst v63  }
0x585: {  	_ =	swait.ge [sflag:s6], $0x2000  }
0x586: {  	[sflag:s6] =	ssyncset.done $0x0  }
0x587: {  	[sflag:s6] =	ssyncadd.s32 $0xFFFFE000  }
0x588: {  	[tilespmem:s5], [sflag:$0x1] =	stream.indirect.gather [hbm4b:s3+s7], $0x40, s23, s7, $0xb8;
	[tilespmem:$0x9900] =	vst v63  }
0x589: {  	_ =	swait.ge [sflag:s16], $0x2000  }
0x58a: {  	s18 =	sld [smem:$0x7D2]  }
0x58b: {  	[sflag:s16] =	ssyncset.done $0x0  }
0x58c: {  	[sflag:s16] =	ssyncadd.s32 $0xFFFFE000  }
0x58d: {  	[hbm4b:s18+s2] =	stream.linear.scatter [tilespmem:s12], [sflag:$0x7], $0x2000, $0x38;
	[tilespmem:$0x9900] =	vst v63  }
0x58e: {  	_ =	swait.ge [sflag:s8], $0x2000  }
0x58f: {  	[sflag:s8] =	ssyncset.done $0x0  }
0x590: {  	[sflag:s8] =	ssyncadd.s32 $0xFFFFE000  }
0x591: {  	[tilespmem:s4], [sflag:$0x2] =	stream.indirect.gather [hbm4b:s3+s7], $0x40, s22, s7, $0xb8;
	[tilespmem:$0x9900] =	vst v63  }
0x592: {  	_ =	swait.ge [sflag:s15], $0x2000  }
0x593: {  	s23 =	sld [smem:$0x7D3]  }
0x594: {  	[sflag:s15] =	ssyncset.done $0x0  }
0x595: {  	[sflag:s15] =	ssyncadd.s32 $0xFFFFE000  }
0x596: {  	[hbm4b:s23+s2] =	stream.linear.scatter [tilespmem:s11], [sflag:$0x8], $0x2000, $0x38;
	[tilespmem:$0x9900] =	vst v63  }
0x597: {  	_ =	swait.ge [sflag:s13], $0x2000  }
0x598: {  	[sflag:s13] =	ssyncset.done $0x0  }
0x599: {  	[sflag:s13] =	ssyncadd.s32 $0xFFFFE000  }
0x59a: {  	[tilespmem:s12], [sflag:$0x3] =	stream.indirect.gather [hbm4b:s3+s7], $0x40, s21, s7, $0xb8;
	[tilespmem:$0x9900] =	vst v63  }
0x59b: {  	_ =	swait.ge [sflag:s10], $0x2000  }
0x59c: {  	s24 =	sld [smem:$0x7D4]  }
0x59d: {  	[sflag:s10] =	ssyncset.done $0x0  }
0x59e: {  	[sflag:s10] =	ssyncadd.s32 $0xFFFFE000  }
0x59f: {  	[hbm4b:s24+s2] =	stream.linear.scatter [tilespmem:s5], [sflag:$0x5], $0x2000, $0x38;
	[tilespmem:$0x9900] =	vst v63  }
0x5a0: {  	_ =	swait.ge [sflag:s14], $0x2000  }
0x5a1: {  	[sflag:s14] =	ssyncset.done $0x0  }
0x5a2: {  	[sflag:s14] =	ssyncadd.s32 $0xFFFFE000  }
0x5a3: {  	[tilespmem:s11], [sflag:$0x4] =	stream.indirect.gather [hbm4b:s3+s7], $0x40, s20, s7, $0xb8;
	[tilespmem:$0x9900] =	vst v63  }
0x5a4: {  	_ =	swait.ge [sflag:s9], $0x2000  }
0x5a5: {  	s25 =	sld [smem:$0x7D5]  }
0x5a6: {  	[sflag:s9] =	ssyncset.done $0x0  }
0x5a7: {  	[sflag:s9] =	ssyncadd.s32 $0xFFFFE000  }
0x5a8: {  	[hbm4b:s25+s2] =	stream.linear.scatter [tilespmem:s4], [sflag:$0x6], $0x2000, $0x38;
	[tilespmem:$0x9900] =	vst v63  }
0x5a9: {  	_ =	swait.ge [sflag:s6], $0x2000  }
0x5aa: {  	[sflag:s6] =	ssyncset.done $0x0  }
0x5ab: {  	[sflag:s6] =	ssyncadd.s32 $0xFFFFE000  }
0x5ac: {  	[tilespmem:s5], [sflag:$0x1] =	stream.indirect.gather [hbm4b:s3+s7], $0x40, s19, s7, $0xb8;
	[tilespmem:$0x9900] =	vst v63  }
0x5ad: {  	_ =	swait.ge [sflag:s16], $0x2000  }
0x5ae: {  	s26 =	sld [smem:$0x7D6]  }
0x5af: {  	[sflag:s16] =	ssyncset.done $0x0  }
0x5b0: {  	[sflag:s16] =	ssyncadd.s32 $0xFFFFE000  }
0x5b1: {  	[hbm4b:s26+s2] =	stream.linear.scatter [tilespmem:s12], [sflag:$0x7], $0x2000, $0x38;
	[tilespmem:$0x9900] =	vst v63  }
0x5b2: {  	_ =	swait.ge [sflag:s8], $0x2000  }
0x5b3: {  	[sflag:s8] =	ssyncset.done $0x0  }
0x5b4: {  	s28 =	simm.s32 $0x1880;
	[sflag:s8] =	ssyncadd.s32 $0xFFFFE000  }
0x5b5: {  	[tilespmem:s4], [sflag:$0x2] =	stream.indirect.gather [hbm4b:s3+s7], $0x40, s28, s7, $0xb8;
	[tilespmem:$0x9900] =	vst v63  }
0x5b6: {  	_ =	swait.ge [sflag:s15], $0x2000  }
0x5b7: {  	s29 =	sld [smem:$0x7D7]  }
0x5b8: {  	[sflag:s15] =	ssyncset.done $0x0  }
0x5b9: {  	[sflag:s15] =	ssyncadd.s32 $0xFFFFE000  }
0x5ba: {  	[hbm4b:s29+s2] =	stream.linear.scatter [tilespmem:s11], [sflag:$0x8], $0x2000, $0x38;
	[tilespmem:$0x9900] =	vst v63  }
0x5bb: {  	_ =	swait.ge [sflag:s10], $0x2000  }
0x5bc: {  	s30 =	sld [smem:$0x7D8]  }
0x5bd: {  	[sflag:s10] =	ssyncset.done $0x0  }
0x5be: {  	[sflag:s10] =	ssyncadd.s32 $0xFFFFE000  }
0x5bf: {  	[hbm4b:s30+s2] =	stream.linear.scatter [tilespmem:s5], [sflag:$0x5], $0x2000, $0x38;
	[tilespmem:$0x9900] =	vst v63  }
0x5c0: {  	_ =	swait.ge [sflag:s9], $0x2000  }
0x5c1: {  	s31 =	sld [smem:$0x7D9]  }
0x5c2: {  	[sflag:s9] =	ssyncset.done $0x0  }
0x5c3: {  	[sflag:s9] =	ssyncadd.s32 $0xFFFFE000  }
0x5c4: {  	[hbm4b:s31+s2] =	stream.linear.scatter [tilespmem:s4], [sflag:$0x6], $0x2000, $0x38;
	[tilespmem:$0x9900] =	vst v63  }
0x5c5: {  	_ =	swait.ge [sflag:s13], $0x2000  }
0x5c6: {  	[sflag:s13] =	ssyncset.done $0x0  }
0x5c7: {  	[sflag:s13] =	ssyncadd.s32 $0xFFFFE000  }
0x5c8: {  	_ =	swait.ge [sflag:s14], $0x2000  }
0x5c9: {  	[sflag:s14] =	ssyncset.done $0x0  }
0x5ca: {  	[sflag:s14] =	ssyncadd.s32 $0xFFFFE000  }
0x5cb: {  	_ =	swait.ge [sflag:s6], $0x2000  }
0x5cc: {  	[sflag:s6] =	ssyncset.done $0x0  }
0x5cd: {  	[sflag:s6] =	ssyncadd.s32 $0xFFFFE000  }
0x5ce: {  	_ =	swait.ge [sflag:s8], $0x2000  }
0x5cf: {  	[sflag:s8] =	ssyncset.done $0x0  }
0x5d0: {  	[sflag:s8] =	ssyncadd.s32 $0xFFFFE000  }
0x5d1: {  	_ =	sfence.sel $0x180000  }
0x5d2: {  	[bflag:$0x0] =	sbarrier.arrive $0xFFFF  }
0x5d3: {  	_ =	strace $0x90000047  }
0x5d4: {  	[bflag:$0x2] =	sbarrier.arrive $0xFFFF  }
0x5d5: {  	p0 =	sne.s32 s17, $0x0;
	s0 =	rddreg [dreg:$0x2]  }
0x5d6: {  	s0 =	sadd.s32 @!p0 $0x100000, s0  }
0x5d7: {  	[sflag:s0] =	ssyncadd.tile.s32 @!p0 $0x1;
	_ =	shalt  }
.LBB2_1:
.Ltmp3:
0x5d8: {  	(pc) =	sbr.rel .LBB2_6-.Ltmp3, $4  }
0x5d9: {  	s18 =	simm.s32 $0x1300;
	s29 =	simm.s32 $0x1380  }
0x5da: {  	s28 =	simm.s32 $0x1400;
	s26 =	simm.s32 $0x1480;
	s25 =	simm.s32 $0x1500  }
0x5db: {  	s24 =	simm.s32 $0x1580;
	s23 =	simm.s32 $0x1600;
	s22 =	simm.s32 $0x1680  }
0x5dc: {  	s21 =	simm.s32 $0x1700;
	s20 =	simm.s32 $0x1780;
	s19 =	simm.s32 $0x1800  }
.LBB2_3:
.Ltmp4:
0x5dd: {  	(pc) =	sbr.rel .LBB2_6-.Ltmp4, $4  }
0x5de: {  	s18 =	simm.s32 $0x1300;
	s29 =	simm.s32 $0x1380;
	s28 =	simm.s32 $0x1400  }
0x5df: {  	s26 =	simm.s32 $0x1480;
	s25 =	simm.s32 $0x1500;
	s24 =	simm.s32 $0x1580  }
0x5e0: {  	s23 =	simm.s32 $0x1600;
	s22 =	simm.s32 $0x1680;
	s21 =	simm.s32 $0x1700  }
0x5e1: {  	s20 =	simm.s32 $0x1780;
	s19 =	simm.s32 $0x1800;
	s17 =	stileid.u32  }
.Lfunc_end2:
_tile_overlayer_lowered:
.L_overlay_start_2:
0x5e2: {  	(tag) =	ssettag $0x2  }
0x5e3: {  	s0 =	rddreg [dreg:$0x0];
	s2 =	stileid.u32  }
0x5e4: {  	s1 =	rddreg [dreg:$0x1];
	p0 =	sne.s32 s2, $0x0  }
0x5e5: {  	s3 =	rddreg [dreg:$0x2];
	[bflag:$0x3] =	sbarrier.arrive $0xFFFF;
	s2 =	simm.s32 @!p0 $0x1C09  }
0x5e6: {  	[timem:s3], [sflag:s2] =	dma.local @!p0 [hbm:s0], s1  }
0x5e7: {  	s0 =	simm.s32 @!p0 $0x9  }
0x5e8: {  	_ =	swait.ge @!p0 [sflag:s0], s1  }
0x5e9: {  	s1 =	ssub.s32 @!p0 $0x0, s1;
	[sflag:s0] =	ssyncset.done @!p0 $0x0  }
0x5ea: {  	[sflag:s0] =	ssyncadd.s32 @!p0 s1  }
0x5eb: {  	[bflag:$0x3] =	sbarrier.arrive $0xFFFF  }
0x5ec: {  	_ =	shalt  }

</sc_bundles>
